<compile_context>
chip_gen: v7x
topology: tpu7x:2x2x1
jax: 0.10.2.dev20260603
libtpu: 0.0.44.dev20260713+nightly
codegen_flags: <defaults>
</compile_context>

<pallas_src>
import functools

import jax
import jax.numpy as jnp
from jax import lax
from jax.experimental import pallas as pl
from jax.experimental.pallas import tpu as pltpu
from jax.experimental.pallas import tpu_sc as plsc

B = 8
N = 4096
M = 4096
NW = 32
WPB = NW // B
QPW = N // WPB
L = 16
CHUNKS = M // L


def _sc_body(x1x_h, x1y_h, x1z_h, s1_h, x2x_h, x2y_h, x2z_h, s2_h,
             d1_h, i1_h, d2p_h,
             x2x_v, x2y_v, x2z_v, s2_v, x1x_v, x1y_v, x1z_v, s1_v,
             d1_v, i1_v, d2p_v):
    cid = lax.axis_index("c")
    sid = lax.axis_index("s")
    wid = cid * 16 + sid
    b = wid // WPB
    ch = wid % WPB
    base2 = b * M
    base1 = b * N + ch * QPW

    pltpu.sync_copy(x2x_h.at[pl.ds(base2, M)], x2x_v)
    pltpu.sync_copy(x2y_h.at[pl.ds(base2, M)], x2y_v)
    pltpu.sync_copy(x2z_h.at[pl.ds(base2, M)], x2z_v)
    pltpu.sync_copy(s2_h.at[pl.ds(base2, M)], s2_v)
    pltpu.sync_copy(x1x_h.at[pl.ds(base1, QPW)], x1x_v)
    pltpu.sync_copy(x1y_h.at[pl.ds(base1, QPW)], x1y_v)
    pltpu.sync_copy(x1z_h.at[pl.ds(base1, QPW)], x1z_v)
    pltpu.sync_copy(s1_h.at[pl.ds(base1, QPW)], s1_v)

    inf16 = jnp.full((L,), jnp.inf, dtype=jnp.float32)

    def init_body(i, _):
        d2p_v[pl.ds(i * L, L)] = inf16
        return 0

    lax.fori_loop(0, CHUNKS, init_body, 0)

    lanes = lax.iota(jnp.int32, L)
    big = jnp.full((L,), 2 ** 30, dtype=jnp.int32)
    zero_i = jnp.zeros((L,), jnp.int32)
    perms = [((lanes + sh) % L)[:, None] for sh in (8, 4, 2, 1)]
    _gd = lax.GatherDimensionNumbers(
        offset_dims=(), collapsed_slice_dims=(0,), start_index_map=(0,))

    def lane_min(v):
        for p in perms:
            v = jnp.minimum(
                v,
                lax.gather(v, p, _gd, slice_sizes=(1,),
                           mode=lax.GatherScatterMode.PROMISE_IN_BOUNDS))
        return v

    def g_body(g, _):
        qoff = g * L
        qx = x1x_v[pl.ds(qoff, L)]
        qy = x1y_v[pl.ds(qoff, L)]
        qz = x1z_v[pl.ds(qoff, L)]
        qs1 = s1_v[pl.ds(qoff, L)]

        d1res = jnp.zeros((L,), jnp.float32)
        i1res = zero_i
        for j in range(L):
            ax = jnp.full((L,), qx[j], dtype=jnp.float32)
            ay = jnp.full((L,), qy[j], dtype=jnp.float32)
            az = jnp.full((L,), qz[j], dtype=jnp.float32)
            s1v = jnp.full((L,), qs1[j], dtype=jnp.float32)

            def c_body(c, carry):
                acc, aidx, idxv = carry
                off = c * L
                vx = x2x_v[pl.ds(off, L)]
                vy = x2y_v[pl.ds(off, L)]
                vz = x2z_v[pl.ds(off, L)]
                vs2 = s2_v[pl.ds(off, L)]
                inner2 = ax * vx + ay * vy + az * vz
                d = jnp.maximum((s1v + vs2) + inner2, 0.0)
                m = d < acc
                acc = jnp.where(m, d, acc)
                aidx = jnp.where(m, idxv, aidx)
                d2p_v[pl.ds(off, L)] = jnp.minimum(d2p_v[pl.ds(off, L)], d)
                return acc, aidx, idxv + L

            acc, aidx, _ = lax.fori_loop(
                0, CHUNKS, c_body, (inf16, zero_i, lanes))

            dminv = lane_min(acc)
            cand = jnp.where(acc == dminv, aidx, big)
            iminv = lane_min(cand)
            lane_j = lanes == j
            d1res = jnp.where(lane_j, dminv, d1res)
            i1res = jnp.where(lane_j, iminv, i1res)

        d1_v[pl.ds(qoff, L)] = d1res
        i1_v[pl.ds(qoff, L)] = i1res
        return 0

    lax.fori_loop(0, QPW // L, g_body, 0)

    pltpu.sync_copy(d1_v, d1_h.at[pl.ds(base1, QPW)])
    pltpu.sync_copy(i1_v, i1_h.at[pl.ds(base1, QPW)])
    pltpu.sync_copy(d2p_v, d2p_h.at[pl.ds(wid * M, M)])


@functools.partial(
    pl.kernel,
    out_type=(
        jax.ShapeDtypeStruct((B * N,), jnp.float32),
        jax.ShapeDtypeStruct((B * N,), jnp.int32),
        jax.ShapeDtypeStruct((NW * M,), jnp.float32),
    ),
    mesh=plsc.VectorSubcoreMesh(
        core_axis_name="c", subcore_axis_name="s",
        num_cores=2, num_subcores=16),
    scratch_types=(
        pltpu.VMEM((M,), jnp.float32),
        pltpu.VMEM((M,), jnp.float32),
        pltpu.VMEM((M,), jnp.float32),
        pltpu.VMEM((M,), jnp.float32),
        pltpu.VMEM((QPW,), jnp.float32),
        pltpu.VMEM((QPW,), jnp.float32),
        pltpu.VMEM((QPW,), jnp.float32),
        pltpu.VMEM((QPW,), jnp.float32),
        pltpu.VMEM((QPW,), jnp.float32),
        pltpu.VMEM((QPW,), jnp.int32),
        pltpu.VMEM((M,), jnp.float32),
    ),
)
def _chamfer_sc(*refs):
    _sc_body(*refs)


@jax.jit
def kernel(xyz1, xyz2):
    x1 = xyz1.reshape(B * N, 3)
    x2 = xyz2.reshape(B * M, 3)
    s1 = jnp.sum(x1 * x1, axis=-1)
    s2 = jnp.sum(x2 * x2, axis=-1)
    def _round_bf16(v):
        u = lax.bitcast_convert_type(v, jnp.uint32)
        u = (u + jnp.uint32(0x7FFF) + ((u >> 16) & jnp.uint32(1)))
        u = u & jnp.uint32(0xFFFF0000)
        return lax.bitcast_convert_type(u, jnp.float32)

    x1b = _round_bf16(x1) * -2.0
    x2b = _round_bf16(x2)

    d1sq, idx1, d2p = _chamfer_sc(
        x1b[:, 0], x1b[:, 1], x1b[:, 2], s1,
        x2b[:, 0], x2b[:, 1], x2b[:, 2], s2)

    dist1 = jnp.sqrt(d1sq)
    dist2 = jnp.sqrt(d2p.reshape(B, WPB, M).min(axis=1))
    cd_loss = (jnp.mean(dist1) + jnp.mean(dist2)) / 2.0
    return (cd_loss, idx1.reshape(B, N))

# --- scband reference (transcript-rebuilt; emitter-appended) ---
"""Pipeline reference for scband-chamfer-distance-l1-and-seg-78383153152283 (READ-ONLY COPY).

The authoritative reference and input builder live on the scoring server;
editing this copy changes nothing except your own understanding.
"""

import jax, jax.numpy as jnp
import numpy as np


def setup_inputs(seed: int = 0) -> dict:
    key = jax.random.key(seed)
    k1, k2 = jax.random.split(key)
    xyz1 = jax.random.normal(k1, (8, 4096, 3), dtype=jnp.float32)
    xyz2 = jax.random.normal(k2, (8, 4096, 3), dtype=jnp.float32)
    return {"xyz1": xyz1, "xyz2": xyz2}


def _pairwise_sqdist(x1, x2):
    # x1: [B, N, 3], x2: [B, M, 3] -> [B, N, M]
    x1sq = jnp.sum(x1 * x1, axis=-1)  # [B, N]
    x2sq = jnp.sum(x2 * x2, axis=-1)  # [B, M]
    inner = jnp.einsum('bnd,bmd->bnm', x1, x2)  # [B, N, M]
    d = x1sq[:, :, None] + x2sq[:, None, :] - 2.0 * inner
    return jnp.maximum(d, 0.0)


def reference(xyz1, xyz2):
    # Brute-force chamfer: squared nearest-neighbor distances both directions,
    # matching chamfer.forward semantics (dist1, dist2, idx1, idx2).
    d = _pairwise_sqdist(xyz1, xyz2)          # [B, N1, N2]
    dist1 = jnp.min(d, axis=2)                # [B, N1]
    idx1 = jnp.argmin(d, axis=2).astype(jnp.int32)  # [B, N1]
    dist2 = jnp.min(d, axis=1)                # [B, N2]
    # Module: sqrt then mean, averaged (L1 chamfer)
    dist1 = jnp.sqrt(dist1)
    dist2 = jnp.sqrt(dist2)
    cd_loss = (jnp.mean(dist1) + jnp.mean(dist2)) / 2.0
    return (cd_loss, idx1)

if __name__ == "__main__":
    import jax
    _d = setup_inputs()
    print(jax.jit(kernel)(*tuple(_d.values())))

</pallas_src>

<mosaic_0001>
#map = affine_map<(d0, d1) -> (0)>
module attributes {stable_mosaic.version = 14 : i64} {
  func.func @_chamfer_sc(%arg0: i32, %arg1: i32, %arg2: memref<32768xf32, #tpu.memory_space<hbm>>, %arg3: memref<32768xf32, #tpu.memory_space<hbm>>, %arg4: memref<32768xf32, #tpu.memory_space<hbm>>, %arg5: memref<32768xf32, #tpu.memory_space<hbm>>, %arg6: memref<32768xf32, #tpu.memory_space<hbm>>, %arg7: memref<32768xf32, #tpu.memory_space<hbm>>, %arg8: memref<32768xf32, #tpu.memory_space<hbm>>, %arg9: memref<32768xf32, #tpu.memory_space<hbm>>, %arg10: memref<32768xf32, #tpu.memory_space<hbm>>, %arg11: memref<32768xi32, #tpu.memory_space<hbm>>, %arg12: memref<131072xf32, #tpu.memory_space<hbm>>, %arg13: memref<4096xf32, #tpu.memory_space<vmem>>, %arg14: memref<4096xf32, #tpu.memory_space<vmem>>, %arg15: memref<4096xf32, #tpu.memory_space<vmem>>, %arg16: memref<4096xf32, #tpu.memory_space<vmem>>, %arg17: memref<1024xf32, #tpu.memory_space<vmem>>, %arg18: memref<1024xf32, #tpu.memory_space<vmem>>, %arg19: memref<1024xf32, #tpu.memory_space<vmem>>, %arg20: memref<1024xf32, #tpu.memory_space<vmem>>, %arg21: memref<1024xf32, #tpu.memory_space<vmem>>, %arg22: memref<1024xi32, #tpu.memory_space<vmem>>, %arg23: memref<4096xf32, #tpu.memory_space<vmem>>) attributes {dimension_semantics = [#tpu.dimension_semantics<core_parallel>, #tpu.dimension_semantics<subcore_parallel>], iteration_bounds = array<i64: 2, 16>, scalar_prefetch = 0 : i64, scratch_operands = 11 : i64, tpu.core_type = #tpu.core_type<sc_vector_subcore>, window_params = [{transform_indices = #map}, {transform_indices = #map}, {transform_indices = #map}, {transform_indices = #map}, {transform_indices = #map}, {transform_indices = #map}, {transform_indices = #map}, {transform_indices = #map}, {transform_indices = #map}, {transform_indices = #map}, {transform_indices = #map}]} {
    %mul3A = arith.constant 16 : i32
    %mul3A_0 = arith.muli %arg0, %mul3A : i32
    %add3A = arith.addi %mul3A_0, %arg1 : i32
    %jit3A = arith.constant 4 : i32
    %div3A = arith.divsi %add3A, %jit3A : i32
    %sign3A = arith.constant 0 : i32
    %sign3A_1 = arith.cmpi sgt, %add3A, %sign3A : i32
    %sign3A_2 = arith.extui %sign3A_1 : i1 to i32
    %sign3A_3 = arith.constant 0 : i32
    %sign3A_4 = arith.cmpi slt, %add3A, %sign3A_3 : i32
    %sign3A_5 = arith.extui %sign3A_4 : i1 to i32
    %sign3A_6 = arith.subi %sign3A_2, %sign3A_5 : i32
    %sign3A_7 = arith.constant 0 : i32
    %sign3A_8 = arith.cmpi sgt, %jit3A, %sign3A_7 : i32
    %sign3A_9 = arith.extui %sign3A_8 : i1 to i32
    %sign3A_10 = arith.constant 0 : i32
    %sign3A_11 = arith.cmpi slt, %jit3A, %sign3A_10 : i32
    %sign3A_12 = arith.extui %sign3A_11 : i1 to i32
    %sign3A_13 = arith.subi %sign3A_9, %sign3A_12 : i32
    %ne3A = arith.cmpi ne, %sign3A_6, %sign3A_13 : i32
    %rem3A = arith.remsi %add3A, %jit3A : i32
    %ne3A_14 = arith.constant 0 : i32
    %ne3A_15 = arith.cmpi ne, %rem3A, %ne3A_14 : i32
    %and3A = arith.andi %ne3A, %ne3A_15 : i1
    %sub3A = arith.constant 1 : i32
    %sub3A_16 = arith.subi %div3A, %sub3A : i32
    %select_n3A = arith.select %and3A, %sub3A_16, %div3A : i32
    %jit3A_17 = arith.constant 4 : i32
    %eq3A = arith.constant 0 : i32
    %eq3A_18 = arith.cmpi eq, %jit3A_17, %eq3A : i32
    %jit3A_19 = arith.constant 1 : i32
    %select_n3A_20 = arith.select %eq3A_18, %jit3A_19, %jit3A_17 : i32
    %rem3A_21 = arith.remsi %add3A, %select_n3A_20 : i32
    %ne3A_22 = arith.constant 0 : i32
    %ne3A_23 = arith.cmpi ne, %rem3A_21, %ne3A_22 : i32
    %lt3A = arith.constant 0 : i32
    %lt3A_24 = arith.cmpi slt, %rem3A_21, %lt3A : i32
    %lt3A_25 = arith.constant 0 : i32
    %lt3A_26 = arith.cmpi slt, %select_n3A_20, %lt3A_25 : i32
    %ne3A_27 = arith.xori %lt3A_24, %lt3A_26 : i1
    %and3A_28 = arith.andi %ne3A_27, %ne3A_23 : i1
    %add3A_29 = arith.addi %rem3A_21, %select_n3A_20 : i32
    %select_n3A_30 = arith.select %and3A_28, %add3A_29, %rem3A_21 : i32
    %mul3A_31 = arith.constant 4096 : i32
    %mul3A_32 = arith.muli %select_n3A, %mul3A_31 : i32
    %mul3A_33 = arith.constant 4096 : i32
    %mul3A_34 = arith.muli %select_n3A, %mul3A_33 : i32
    %mul3A_35 = arith.constant 1024 : i32
    %mul3A_36 = arith.muli %select_n3A_30, %mul3A_35 : i32
    %add3A_37 = arith.addi %mul3A_34, %mul3A_36 : i32
    "tpu.region"() ({
      %run_scoped3A = tpu.sem_alloc : memref<!tpu.dma_semaphore, #tpu.memory_space<semaphore_mem>>
      %dma_start3A = tpu.memref_slice %arg6[%mul3A_32] : memref<32768xf32, #tpu.memory_space<hbm>> -> memref<4096xf32, #tpu.memory_space<hbm>>
      %dma_start3A_162 = tpu.memref_slice %arg6[%mul3A_32] : memref<32768xf32, #tpu.memory_space<hbm>> -> memref<4096xf32, #tpu.memory_space<hbm>>
      tpu.enqueue_dma source(%dma_start3A_162 : memref<4096xf32, #tpu.memory_space<hbm>>) target(%arg13 : memref<4096xf32, #tpu.memory_space<vmem>>) target_semaphore(%run_scoped3A : memref<!tpu.dma_semaphore, #tpu.memory_space<semaphore_mem>>)
      %dma_wait3A = tpu.memref_slice %arg6[%mul3A_32] : memref<32768xf32, #tpu.memory_space<hbm>> -> memref<4096xf32, #tpu.memory_space<hbm>>
      %dma_wait3A_163 = tpu.memref_slice %arg6[%mul3A_32] : memref<32768xf32, #tpu.memory_space<hbm>> -> memref<4096xf32, #tpu.memory_space<hbm>>
      tpu.wait_dma2 semaphore(%run_scoped3A : memref<!tpu.dma_semaphore, #tpu.memory_space<semaphore_mem>>) src(%dma_wait3A_163 : memref<4096xf32, #tpu.memory_space<hbm>>) dst(%arg13 : memref<4096xf32, #tpu.memory_space<vmem>>)
      tpu.yield
    }) : () -> ()
    "tpu.region"() ({
      %run_scoped3A = tpu.sem_alloc : memref<!tpu.dma_semaphore, #tpu.memory_space<semaphore_mem>>
      %dma_start3A = tpu.memref_slice %arg7[%mul3A_32] : memref<32768xf32, #tpu.memory_space<hbm>> -> memref<4096xf32, #tpu.memory_space<hbm>>
      %dma_start3A_162 = tpu.memref_slice %arg7[%mul3A_32] : memref<32768xf32, #tpu.memory_space<hbm>> -> memref<4096xf32, #tpu.memory_space<hbm>>
      tpu.enqueue_dma source(%dma_start3A_162 : memref<4096xf32, #tpu.memory_space<hbm>>) target(%arg14 : memref<4096xf32, #tpu.memory_space<vmem>>) target_semaphore(%run_scoped3A : memref<!tpu.dma_semaphore, #tpu.memory_space<semaphore_mem>>)
      %dma_wait3A = tpu.memref_slice %arg7[%mul3A_32] : memref<32768xf32, #tpu.memory_space<hbm>> -> memref<4096xf32, #tpu.memory_space<hbm>>
      %dma_wait3A_163 = tpu.memref_slice %arg7[%mul3A_32] : memref<32768xf32, #tpu.memory_space<hbm>> -> memref<4096xf32, #tpu.memory_space<hbm>>
      tpu.wait_dma2 semaphore(%run_scoped3A : memref<!tpu.dma_semaphore, #tpu.memory_space<semaphore_mem>>) src(%dma_wait3A_163 : memref<4096xf32, #tpu.memory_space<hbm>>) dst(%arg14 : memref<4096xf32, #tpu.memory_space<vmem>>)
      tpu.yield
    }) : () -> ()
    "tpu.region"() ({
      %run_scoped3A = tpu.sem_alloc : memref<!tpu.dma_semaphore, #tpu.memory_space<semaphore_mem>>
      %dma_start3A = tpu.memref_slice %arg8[%mul3A_32] : memref<32768xf32, #tpu.memory_space<hbm>> -> memref<4096xf32, #tpu.memory_space<hbm>>
      %dma_start3A_162 = tpu.memref_slice %arg8[%mul3A_32] : memref<32768xf32, #tpu.memory_space<hbm>> -> memref<4096xf32, #tpu.memory_space<hbm>>
      tpu.enqueue_dma source(%dma_start3A_162 : memref<4096xf32, #tpu.memory_space<hbm>>) target(%arg15 : memref<4096xf32, #tpu.memory_space<vmem>>) target_semaphore(%run_scoped3A : memref<!tpu.dma_semaphore, #tpu.memory_space<semaphore_mem>>)
      %dma_wait3A = tpu.memref_slice %arg8[%mul3A_32] : memref<32768xf32, #tpu.memory_space<hbm>> -> memref<4096xf32, #tpu.memory_space<hbm>>
      %dma_wait3A_163 = tpu.memref_slice %arg8[%mul3A_32] : memref<32768xf32, #tpu.memory_space<hbm>> -> memref<4096xf32, #tpu.memory_space<hbm>>
      tpu.wait_dma2 semaphore(%run_scoped3A : memref<!tpu.dma_semaphore, #tpu.memory_space<semaphore_mem>>) src(%dma_wait3A_163 : memref<4096xf32, #tpu.memory_space<hbm>>) dst(%arg15 : memref<4096xf32, #tpu.memory_space<vmem>>)
      tpu.yield
    }) : () -> ()
    "tpu.region"() ({
      %run_scoped3A = tpu.sem_alloc : memref<!tpu.dma_semaphore, #tpu.memory_space<semaphore_mem>>
      %dma_start3A = tpu.memref_slice %arg9[%mul3A_32] : memref<32768xf32, #tpu.memory_space<hbm>> -> memref<4096xf32, #tpu.memory_space<hbm>>
      %dma_start3A_162 = tpu.memref_slice %arg9[%mul3A_32] : memref<32768xf32, #tpu.memory_space<hbm>> -> memref<4096xf32, #tpu.memory_space<hbm>>
      tpu.enqueue_dma source(%dma_start3A_162 : memref<4096xf32, #tpu.memory_space<hbm>>) target(%arg16 : memref<4096xf32, #tpu.memory_space<vmem>>) target_semaphore(%run_scoped3A : memref<!tpu.dma_semaphore, #tpu.memory_space<semaphore_mem>>)
      %dma_wait3A = tpu.memref_slice %arg9[%mul3A_32] : memref<32768xf32, #tpu.memory_space<hbm>> -> memref<4096xf32, #tpu.memory_space<hbm>>
      %dma_wait3A_163 = tpu.memref_slice %arg9[%mul3A_32] : memref<32768xf32, #tpu.memory_space<hbm>> -> memref<4096xf32, #tpu.memory_space<hbm>>
      tpu.wait_dma2 semaphore(%run_scoped3A : memref<!tpu.dma_semaphore, #tpu.memory_space<semaphore_mem>>) src(%dma_wait3A_163 : memref<4096xf32, #tpu.memory_space<hbm>>) dst(%arg16 : memref<4096xf32, #tpu.memory_space<vmem>>)
      tpu.yield
    }) : () -> ()
    "tpu.region"() ({
      %run_scoped3A = tpu.sem_alloc : memref<!tpu.dma_semaphore, #tpu.memory_space<semaphore_mem>>
      %dma_start3A = tpu.memref_slice %arg2[%add3A_37] : memref<32768xf32, #tpu.memory_space<hbm>> -> memref<1024xf32, #tpu.memory_space<hbm>>
      %dma_start3A_162 = tpu.memref_slice %arg2[%add3A_37] : memref<32768xf32, #tpu.memory_space<hbm>> -> memref<1024xf32, #tpu.memory_space<hbm>>
      tpu.enqueue_dma source(%dma_start3A_162 : memref<1024xf32, #tpu.memory_space<hbm>>) target(%arg17 : memref<1024xf32, #tpu.memory_space<vmem>>) target_semaphore(%run_scoped3A : memref<!tpu.dma_semaphore, #tpu.memory_space<semaphore_mem>>)
      %dma_wait3A = tpu.memref_slice %arg2[%add3A_37] : memref<32768xf32, #tpu.memory_space<hbm>> -> memref<1024xf32, #tpu.memory_space<hbm>>
      %dma_wait3A_163 = tpu.memref_slice %arg2[%add3A_37] : memref<32768xf32, #tpu.memory_space<hbm>> -> memref<1024xf32, #tpu.memory_space<hbm>>
      tpu.wait_dma2 semaphore(%run_scoped3A : memref<!tpu.dma_semaphore, #tpu.memory_space<semaphore_mem>>) src(%dma_wait3A_163 : memref<1024xf32, #tpu.memory_space<hbm>>) dst(%arg17 : memref<1024xf32, #tpu.memory_space<vmem>>)
      tpu.yield
    }) : () -> ()
    "tpu.region"() ({
      %run_scoped3A = tpu.sem_alloc : memref<!tpu.dma_semaphore, #tpu.memory_space<semaphore_mem>>
      %dma_start3A = tpu.memref_slice %arg3[%add3A_37] : memref<32768xf32, #tpu.memory_space<hbm>> -> memref<1024xf32, #tpu.memory_space<hbm>>
      %dma_start3A_162 = tpu.memref_slice %arg3[%add3A_37] : memref<32768xf32, #tpu.memory_space<hbm>> -> memref<1024xf32, #tpu.memory_space<hbm>>
      tpu.enqueue_dma source(%dma_start3A_162 : memref<1024xf32, #tpu.memory_space<hbm>>) target(%arg18 : memref<1024xf32, #tpu.memory_space<vmem>>) target_semaphore(%run_scoped3A : memref<!tpu.dma_semaphore, #tpu.memory_space<semaphore_mem>>)
      %dma_wait3A = tpu.memref_slice %arg3[%add3A_37] : memref<32768xf32, #tpu.memory_space<hbm>> -> memref<1024xf32, #tpu.memory_space<hbm>>
      %dma_wait3A_163 = tpu.memref_slice %arg3[%add3A_37] : memref<32768xf32, #tpu.memory_space<hbm>> -> memref<1024xf32, #tpu.memory_space<hbm>>
      tpu.wait_dma2 semaphore(%run_scoped3A : memref<!tpu.dma_semaphore, #tpu.memory_space<semaphore_mem>>) src(%dma_wait3A_163 : memref<1024xf32, #tpu.memory_space<hbm>>) dst(%arg18 : memref<1024xf32, #tpu.memory_space<vmem>>)
      tpu.yield
    }) : () -> ()
    "tpu.region"() ({
      %run_scoped3A = tpu.sem_alloc : memref<!tpu.dma_semaphore, #tpu.memory_space<semaphore_mem>>
      %dma_start3A = tpu.memref_slice %arg4[%add3A_37] : memref<32768xf32, #tpu.memory_space<hbm>> -> memref<1024xf32, #tpu.memory_space<hbm>>
      %dma_start3A_162 = tpu.memref_slice %arg4[%add3A_37] : memref<32768xf32, #tpu.memory_space<hbm>> -> memref<1024xf32, #tpu.memory_space<hbm>>
      tpu.enqueue_dma source(%dma_start3A_162 : memref<1024xf32, #tpu.memory_space<hbm>>) target(%arg19 : memref<1024xf32, #tpu.memory_space<vmem>>) target_semaphore(%run_scoped3A : memref<!tpu.dma_semaphore, #tpu.memory_space<semaphore_mem>>)
      %dma_wait3A = tpu.memref_slice %arg4[%add3A_37] : memref<32768xf32, #tpu.memory_space<hbm>> -> memref<1024xf32, #tpu.memory_space<hbm>>
      %dma_wait3A_163 = tpu.memref_slice %arg4[%add3A_37] : memref<32768xf32, #tpu.memory_space<hbm>> -> memref<1024xf32, #tpu.memory_space<hbm>>
      tpu.wait_dma2 semaphore(%run_scoped3A : memref<!tpu.dma_semaphore, #tpu.memory_space<semaphore_mem>>) src(%dma_wait3A_163 : memref<1024xf32, #tpu.memory_space<hbm>>) dst(%arg19 : memref<1024xf32, #tpu.memory_space<vmem>>)
      tpu.yield
    }) : () -> ()
    "tpu.region"() ({
      %run_scoped3A = tpu.sem_alloc : memref<!tpu.dma_semaphore, #tpu.memory_space<semaphore_mem>>
      %dma_start3A = tpu.memref_slice %arg5[%add3A_37] : memref<32768xf32, #tpu.memory_space<hbm>> -> memref<1024xf32, #tpu.memory_space<hbm>>
      %dma_start3A_162 = tpu.memref_slice %arg5[%add3A_37] : memref<32768xf32, #tpu.memory_space<hbm>> -> memref<1024xf32, #tpu.memory_space<hbm>>
      tpu.enqueue_dma source(%dma_start3A_162 : memref<1024xf32, #tpu.memory_space<hbm>>) target(%arg20 : memref<1024xf32, #tpu.memory_space<vmem>>) target_semaphore(%run_scoped3A : memref<!tpu.dma_semaphore, #tpu.memory_space<semaphore_mem>>)
      %dma_wait3A = tpu.memref_slice %arg5[%add3A_37] : memref<32768xf32, #tpu.memory_space<hbm>> -> memref<1024xf32, #tpu.memory_space<hbm>>
      %dma_wait3A_163 = tpu.memref_slice %arg5[%add3A_37] : memref<32768xf32, #tpu.memory_space<hbm>> -> memref<1024xf32, #tpu.memory_space<hbm>>
      tpu.wait_dma2 semaphore(%run_scoped3A : memref<!tpu.dma_semaphore, #tpu.memory_space<semaphore_mem>>) src(%dma_wait3A_163 : memref<1024xf32, #tpu.memory_space<hbm>>) dst(%arg20 : memref<1024xf32, #tpu.memory_space<vmem>>)
      tpu.yield
    }) : () -> ()
    %broadcast_in_dim3A = arith.constant 0x7F800000 : f32
    %broadcast_in_dim3A_38 = vector.broadcast %broadcast_in_dim3A : f32 to vector<16xf32>
    %scan3A = arith.constant 0 : i32
    %scan3A_39 = arith.constant 0 : i32
    %scan3A_40 = arith.constant 256 : i32
    %scan3A_41 = arith.addi %scan3A_39, %scan3A_40 : i32
    %scan3A_42 = arith.constant 1 : i32
    %scan3A_43 = scf.for %scan3A_162 = %scan3A_39 to %scan3A_41 step %scan3A_42 iter_args(%scan3A_163 = %scan3A) -> (i32)  : i32 {
      %mul3A_164 = arith.constant 16 : i32
      %mul3A_165 = arith.muli %scan3A_162, %mul3A_164 : i32
      %swap3A = arith.index_cast %mul3A_165 : i32 to index
      %swap3A_166 = tpu.vector_load %arg23[%swap3A] {strides = array<i32>} : memref<4096xf32, #tpu.memory_space<vmem>>, vector<16xf32>,
      %swap3A_167 = vector.shape_cast %swap3A_166 : vector<16xf32> to vector<16xf32>
      %swap3A_168 = vector.shape_cast %broadcast_in_dim3A_38 : vector<16xf32> to vector<16xf32>
      tpu.vector_store %arg23[%swap3A], %swap3A_168 {strides = array<i32>} : memref<4096xf32, #tpu.memory_space<vmem>>, vector<16xf32>,
      %scan3A_169 = arith.constant 0 : i32
      scf.yield %scan3A_169 : i32
    }
    %scan3A_44 = arith.constant 256 : i32
    %iota3A = tpu.iota {dimensions = array<i32: 0>} : vector<16xi32>
    %broadcast_in_dim3A_45 = arith.constant 1073741824 : i32
    %broadcast_in_dim3A_46 = vector.broadcast %broadcast_in_dim3A_45 : i32 to vector<16xi32>
    %broadcast_in_dim3A_47 = arith.constant 0 : i32
    %broadcast_in_dim3A_48 = vector.broadcast %broadcast_in_dim3A_47 : i32 to vector<16xi32>
    %add3A_49 = arith.constant 8 : i32
    %add3A_50 = vector.broadcast %add3A_49 : i32 to vector<16xi32>
    %add3A_51 = arith.addi %iota3A, %add3A_50 : vector<16xi32>
    %jit3A_52 = arith.constant 16 : i32
    %eq3A_53 = arith.constant 0 : i32
    %eq3A_54 = arith.cmpi eq, %jit3A_52, %eq3A_53 : i32
    %jit3A_55 = arith.constant 1 : i32
    %select_n3A_56 = arith.select %eq3A_54, %jit3A_55, %jit3A_52 : i32
    %rem3A_57 = vector.broadcast %select_n3A_56 : i32 to vector<16xi32>
    %rem3A_58 = arith.remsi %add3A_51, %rem3A_57 : vector<16xi32>
    %ne3A_59 = arith.constant 0 : i32
    %ne3A_60 = vector.broadcast %ne3A_59 : i32 to vector<16xi32>
    %ne3A_61 = arith.cmpi ne, %rem3A_58, %ne3A_60 : vector<16xi32>
    %lt3A_62 = arith.constant 0 : i32
    %lt3A_63 = vector.broadcast %lt3A_62 : i32 to vector<16xi32>
    %lt3A_64 = arith.cmpi slt, %rem3A_58, %lt3A_63 : vector<16xi32>
    %lt3A_65 = arith.constant 0 : i32
    %lt3A_66 = arith.cmpi slt, %select_n3A_56, %lt3A_65 : i32
    %ne3A_67 = vector.broadcast %lt3A_66 : i1 to vector<16xi1>
    %ne3A_68 = vector.broadcast %ne3A_67 : vector<16xi1> to vector<16xi1>
    %ne3A_69 = arith.xori %lt3A_64, %ne3A_68 : vector<16xi1>
    %and3A_70 = arith.andi %ne3A_69, %ne3A_61 : vector<16xi1>
    %add3A_71 = vector.broadcast %select_n3A_56 : i32 to vector<16xi32>
    %add3A_72 = arith.addi %rem3A_58, %add3A_71 : vector<16xi32>
    %select_n3A_73 = arith.select %and3A_70, %add3A_72, %rem3A_58 : vector<16xi1>, vector<16xi32>
    %broadcast_in_dim3A_74 = vector.shape_cast %select_n3A_73 : vector<16xi32> to vector<16x1xi32>
    %add3A_75 = arith.constant 4 : i32
    %add3A_76 = vector.broadcast %add3A_75 : i32 to vector<16xi32>
    %add3A_77 = arith.addi %iota3A, %add3A_76 : vector<16xi32>
    %jit3A_78 = arith.constant 16 : i32
    %eq3A_79 = arith.constant 0 : i32
    %eq3A_80 = arith.cmpi eq, %jit3A_78, %eq3A_79 : i32
    %jit3A_81 = arith.constant 1 : i32
    %select_n3A_82 = arith.select %eq3A_80, %jit3A_81, %jit3A_78 : i32
    %rem3A_83 = vector.broadcast %select_n3A_82 : i32 to vector<16xi32>
    %rem3A_84 = arith.remsi %add3A_77, %rem3A_83 : vector<16xi32>
    %ne3A_85 = arith.constant 0 : i32
    %ne3A_86 = vector.broadcast %ne3A_85 : i32 to vector<16xi32>
    %ne3A_87 = arith.cmpi ne, %rem3A_84, %ne3A_86 : vector<16xi32>
    %lt3A_88 = arith.constant 0 : i32
    %lt3A_89 = vector.broadcast %lt3A_88 : i32 to vector<16xi32>
    %lt3A_90 = arith.cmpi slt, %rem3A_84, %lt3A_89 : vector<16xi32>
    %lt3A_91 = arith.constant 0 : i32
    %lt3A_92 = arith.cmpi slt, %select_n3A_82, %lt3A_91 : i32
    %ne3A_93 = vector.broadcast %lt3A_92 : i1 to vector<16xi1>
    %ne3A_94 = vector.broadcast %ne3A_93 : vector<16xi1> to vector<16xi1>
    %ne3A_95 = arith.xori %lt3A_90, %ne3A_94 : vector<16xi1>
    %and3A_96 = arith.andi %ne3A_95, %ne3A_87 : vector<16xi1>
    %add3A_97 = vector.broadcast %select_n3A_82 : i32 to vector<16xi32>
    %add3A_98 = arith.addi %rem3A_84, %add3A_97 : vector<16xi32>
    %select_n3A_99 = arith.select %and3A_96, %add3A_98, %rem3A_84 : vector<16xi1>, vector<16xi32>
    %broadcast_in_dim3A_100 = vector.shape_cast %select_n3A_99 : vector<16xi32> to vector<16x1xi32>
    %add3A_101 = arith.constant 2 : i32
    %add3A_102 = vector.broadcast %add3A_101 : i32 to vector<16xi32>
    %add3A_103 = arith.addi %iota3A, %add3A_102 : vector<16xi32>
    %jit3A_104 = arith.constant 16 : i32
    %eq3A_105 = arith.constant 0 : i32
    %eq3A_106 = arith.cmpi eq, %jit3A_104, %eq3A_105 : i32
    %jit3A_107 = arith.constant 1 : i32
    %select_n3A_108 = arith.select %eq3A_106, %jit3A_107, %jit3A_104 : i32
    %rem3A_109 = vector.broadcast %select_n3A_108 : i32 to vector<16xi32>
    %rem3A_110 = arith.remsi %add3A_103, %rem3A_109 : vector<16xi32>
    %ne3A_111 = arith.constant 0 : i32
    %ne3A_112 = vector.broadcast %ne3A_111 : i32 to vector<16xi32>
    %ne3A_113 = arith.cmpi ne, %rem3A_110, %ne3A_112 : vector<16xi32>
    %lt3A_114 = arith.constant 0 : i32
    %lt3A_115 = vector.broadcast %lt3A_114 : i32 to vector<16xi32>
    %lt3A_116 = arith.cmpi slt, %rem3A_110, %lt3A_115 : vector<16xi32>
    %lt3A_117 = arith.constant 0 : i32
    %lt3A_118 = arith.cmpi slt, %select_n3A_108, %lt3A_117 : i32
    %ne3A_119 = vector.broadcast %lt3A_118 : i1 to vector<16xi1>
    %ne3A_120 = vector.broadcast %ne3A_119 : vector<16xi1> to vector<16xi1>
    %ne3A_121 = arith.xori %lt3A_116, %ne3A_120 : vector<16xi1>
    %and3A_122 = arith.andi %ne3A_121, %ne3A_113 : vector<16xi1>
    %add3A_123 = vector.broadcast %select_n3A_108 : i32 to vector<16xi32>
    %add3A_124 = arith.addi %rem3A_110, %add3A_123 : vector<16xi32>
    %select_n3A_125 = arith.select %and3A_122, %add3A_124, %rem3A_110 : vector<16xi1>, vector<16xi32>
    %broadcast_in_dim3A_126 = vector.shape_cast %select_n3A_125 : vector<16xi32> to vector<16x1xi32>
    %add3A_127 = arith.constant 1 : i32
    %add3A_128 = vector.broadcast %add3A_127 : i32 to vector<16xi32>
    %add3A_129 = arith.addi %iota3A, %add3A_128 : vector<16xi32>
    %jit3A_130 = arith.constant 16 : i32
    %eq3A_131 = arith.constant 0 : i32
    %eq3A_132 = arith.cmpi eq, %jit3A_130, %eq3A_131 : i32
    %jit3A_133 = arith.constant 1 : i32
    %select_n3A_134 = arith.select %eq3A_132, %jit3A_133, %jit3A_130 : i32
    %rem3A_135 = vector.broadcast %select_n3A_134 : i32 to vector<16xi32>
    %rem3A_136 = arith.remsi %add3A_129, %rem3A_135 : vector<16xi32>
    %ne3A_137 = arith.constant 0 : i32
    %ne3A_138 = vector.broadcast %ne3A_137 : i32 to vector<16xi32>
    %ne3A_139 = arith.cmpi ne, %rem3A_136, %ne3A_138 : vector<16xi32>
    %lt3A_140 = arith.constant 0 : i32
    %lt3A_141 = vector.broadcast %lt3A_140 : i32 to vector<16xi32>
    %lt3A_142 = arith.cmpi slt, %rem3A_136, %lt3A_141 : vector<16xi32>
    %lt3A_143 = arith.constant 0 : i32
    %lt3A_144 = arith.cmpi slt, %select_n3A_134, %lt3A_143 : i32
    %ne3A_145 = vector.broadcast %lt3A_144 : i1 to vector<16xi1>
    %ne3A_146 = vector.broadcast %ne3A_145 : vector<16xi1> to vector<16xi1>
    %ne3A_147 = arith.xori %lt3A_142, %ne3A_146 : vector<16xi1>
    %and3A_148 = arith.andi %ne3A_147, %ne3A_139 : vector<16xi1>
    %add3A_149 = vector.broadcast %select_n3A_134 : i32 to vector<16xi32>
    %add3A_150 = arith.addi %rem3A_136, %add3A_149 : vector<16xi32>
    %select_n3A_151 = arith.select %and3A_148, %add3A_150, %rem3A_136 : vector<16xi1>, vector<16xi32>
    %broadcast_in_dim3A_152 = vector.shape_cast %select_n3A_151 : vector<16xi32> to vector<16x1xi32>
    %scan3A_153 = arith.constant 0 : i32
    %scan3A_154 = arith.constant 0 : i32
    %scan3A_155 = arith.constant 64 : i32
    %scan3A_156 = arith.addi %scan3A_154, %scan3A_155 : i32
    %scan3A_157 = arith.constant 1 : i32
    %scan3A_158 = scf.for %scan3A_162 = %scan3A_154 to %scan3A_156 step %scan3A_157 iter_args(%scan3A_163 = %scan3A_153) -> (i32)  : i32 {
      %mul3A_164 = arith.constant 16 : i32
      %mul3A_165 = arith.muli %scan3A_162, %mul3A_164 : i32
      %get3A = arith.index_cast %mul3A_165 : i32 to index
      %get3A_166 = tpu.vector_load %arg17[%get3A] {strides = array<i32>} : memref<1024xf32, #tpu.memory_space<vmem>>, vector<16xf32>,
      %get3A_167 = vector.shape_cast %get3A_166 : vector<16xf32> to vector<16xf32>
      %get3A_168 = arith.index_cast %mul3A_165 : i32 to index
      %get3A_169 = tpu.vector_load %arg18[%get3A_168] {strides = array<i32>} : memref<1024xf32, #tpu.memory_space<vmem>>, vector<16xf32>,
      %get3A_170 = vector.shape_cast %get3A_169 : vector<16xf32> to vector<16xf32>
      %get3A_171 = arith.index_cast %mul3A_165 : i32 to index
      %get3A_172 = tpu.vector_load %arg19[%get3A_171] {strides = array<i32>} : memref<1024xf32, #tpu.memory_space<vmem>>, vector<16xf32>,
      %get3A_173 = vector.shape_cast %get3A_172 : vector<16xf32> to vector<16xf32>
      %get3A_174 = arith.index_cast %mul3A_165 : i32 to index
      %get3A_175 = tpu.vector_load %arg20[%get3A_174] {strides = array<i32>} : memref<1024xf32, #tpu.memory_space<vmem>>, vector<16xf32>,
      %get3A_176 = vector.shape_cast %get3A_175 : vector<16xf32> to vector<16xf32>
      %broadcast_in_dim3A_177 = arith.constant 0.000000e+00 : f32
      %broadcast_in_dim3A_178 = vector.broadcast %broadcast_in_dim3A_177 : f32 to vector<16xf32>
      %slice3A = vector.extract_strided_slice %get3A_167 {offsets = [0], sizes = [1], strides = [1]} : vector<16xf32> to vector<1xf32>
      %squeeze3A = vector.extract %slice3A[0] : f32 from vector<1xf32>
      %broadcast_in_dim3A_179 = vector.broadcast %squeeze3A : f32 to vector<16xf32>
      %slice3A_180 = vector.extract_strided_slice %get3A_170 {offsets = [0], sizes = [1], strides = [1]} : vector<16xf32> to vector<1xf32>
      %squeeze3A_181 = vector.extract %slice3A_180[0] : f32 from vector<1xf32>
      %broadcast_in_dim3A_182 = vector.broadcast %squeeze3A_181 : f32 to vector<16xf32>
      %slice3A_183 = vector.extract_strided_slice %get3A_173 {offsets = [0], sizes = [1], strides = [1]} : vector<16xf32> to vector<1xf32>
      %squeeze3A_184 = vector.extract %slice3A_183[0] : f32 from vector<1xf32>
      %broadcast_in_dim3A_185 = vector.broadcast %squeeze3A_184 : f32 to vector<16xf32>
      %slice3A_186 = vector.extract_strided_slice %get3A_176 {offsets = [0], sizes = [1], strides = [1]} : vector<16xf32> to vector<1xf32>
      %squeeze3A_187 = vector.extract %slice3A_186[0] : f32 from vector<1xf32>
      %broadcast_in_dim3A_188 = vector.broadcast %squeeze3A_187 : f32 to vector<16xf32>
      %scan3A_189 = arith.constant 0 : i32
      %scan3A_190 = arith.constant 256 : i32
      %scan3A_191 = arith.addi %scan3A_189, %scan3A_190 : i32
      %scan3A_192 = arith.constant 1 : i32
      %scan3A_193:3 = scf.for %scan3A_967 = %scan3A_189 to %scan3A_191 step %scan3A_192 iter_args(%scan3A_968 = %broadcast_in_dim3A_38, %scan3A_969 = %broadcast_in_dim3A_48, %scan3A_970 = %iota3A) -> (vector<16xf32>, vector<16xi32>, vector<16xi32>)  : i32 {
        %mul3A_971 = arith.constant 16 : i32
        %mul3A_972 = arith.muli %scan3A_967, %mul3A_971 : i32
        %get3A_973 = arith.index_cast %mul3A_972 : i32 to index
        %get3A_974 = tpu.vector_load %arg13[%get3A_973] {strides = array<i32>} : memref<4096xf32, #tpu.memory_space<vmem>>, vector<16xf32>,
        %get3A_975 = vector.shape_cast %get3A_974 : vector<16xf32> to vector<16xf32>
        %get3A_976 = arith.index_cast %mul3A_972 : i32 to index
        %get3A_977 = tpu.vector_load %arg14[%get3A_976] {strides = array<i32>} : memref<4096xf32, #tpu.memory_space<vmem>>, vector<16xf32>,
        %get3A_978 = vector.shape_cast %get3A_977 : vector<16xf32> to vector<16xf32>
        %get3A_979 = arith.index_cast %mul3A_972 : i32 to index
        %get3A_980 = tpu.vector_load %arg15[%get3A_979] {strides = array<i32>} : memref<4096xf32, #tpu.memory_space<vmem>>, vector<16xf32>,
        %get3A_981 = vector.shape_cast %get3A_980 : vector<16xf32> to vector<16xf32>
        %get3A_982 = arith.index_cast %mul3A_972 : i32 to index
        %get3A_983 = tpu.vector_load %arg16[%get3A_982] {strides = array<i32>} : memref<4096xf32, #tpu.memory_space<vmem>>, vector<16xf32>,
        %get3A_984 = vector.shape_cast %get3A_983 : vector<16xf32> to vector<16xf32>
        %mul3A_985 = arith.mulf %broadcast_in_dim3A_179, %get3A_975 : vector<16xf32>
        %mul3A_986 = arith.mulf %broadcast_in_dim3A_182, %get3A_978 : vector<16xf32>
        %add3A_987 = arith.addf %mul3A_985, %mul3A_986 : vector<16xf32>
        %mul3A_988 = arith.mulf %broadcast_in_dim3A_185, %get3A_981 : vector<16xf32>
        %add3A_989 = arith.addf %add3A_987, %mul3A_988 : vector<16xf32>
        %add3A_990 = arith.addf %broadcast_in_dim3A_188, %get3A_984 : vector<16xf32>
        %add3A_991 = arith.addf %add3A_990, %add3A_989 : vector<16xf32>
        %max3A = arith.constant 0.000000e+00 : f32
        %max3A_992 = vector.broadcast %max3A : f32 to vector<16xf32>
        %max3A_993 = arith.maximumf %add3A_991, %max3A_992 : vector<16xf32>
        %lt3A_994 = arith.cmpf olt, %max3A_993, %scan3A_968 : vector<16xf32>
        %select_n3A_995 = arith.select %lt3A_994, %max3A_993, %scan3A_968 : vector<16xi1>, vector<16xf32>
        %select_n3A_996 = arith.select %lt3A_994, %scan3A_970, %scan3A_969 : vector<16xi1>, vector<16xi32>
        %get3A_997 = arith.index_cast %mul3A_972 : i32 to index
        %get3A_998 = tpu.vector_load %arg23[%get3A_997] {strides = array<i32>} : memref<4096xf32, #tpu.memory_space<vmem>>, vector<16xf32>,
        %get3A_999 = vector.shape_cast %get3A_998 : vector<16xf32> to vector<16xf32>
        %min3A_1000 = arith.minimumf %get3A_999, %max3A_993 : vector<16xf32>
        %swap3A_1001 = arith.index_cast %mul3A_972 : i32 to index
        %swap3A_1002 = tpu.vector_load %arg23[%swap3A_1001] {strides = array<i32>} : memref<4096xf32, #tpu.memory_space<vmem>>, vector<16xf32>,
        %swap3A_1003 = vector.shape_cast %swap3A_1002 : vector<16xf32> to vector<16xf32>
        %swap3A_1004 = vector.shape_cast %min3A_1000 : vector<16xf32> to vector<16xf32>
        tpu.vector_store %arg23[%swap3A_1001], %swap3A_1004 {strides = array<i32>} : memref<4096xf32, #tpu.memory_space<vmem>>, vector<16xf32>,
        %add3A_1005 = arith.constant 16 : i32
        %add3A_1006 = vector.broadcast %add3A_1005 : i32 to vector<16xi32>
        %add3A_1007 = arith.addi %scan3A_970, %add3A_1006 : vector<16xi32>
        scf.yield %select_n3A_995, %select_n3A_996, %add3A_1007 : vector<16xf32>, vector<16xi32>, vector<16xi32>
      }
      %scan3A_194 = arith.constant 256 : i32
      %gather3A = vector.shape_cast %broadcast_in_dim3A_74 : vector<16x1xi32> to vector<16xi32>
      %gather3A_195 = tpu.dynamic_gather %scan3A_193#0[%gather3A] in [0] : vector<16xf32>, vector<16xi32> -> vector<16xf32>
      %min3A = arith.minimumf %scan3A_193#0, %gather3A_195 : vector<16xf32>
      %gather3A_196 = vector.shape_cast %broadcast_in_dim3A_100 : vector<16x1xi32> to vector<16xi32>
      %gather3A_197 = tpu.dynamic_gather %min3A[%gather3A_196] in [0] : vector<16xf32>, vector<16xi32> -> vector<16xf32>
      %min3A_198 = arith.minimumf %min3A, %gather3A_197 : vector<16xf32>
      %gather3A_199 = vector.shape_cast %broadcast_in_dim3A_126 : vector<16x1xi32> to vector<16xi32>
      %gather3A_200 = tpu.dynamic_gather %min3A_198[%gather3A_199] in [0] : vector<16xf32>, vector<16xi32> -> vector<16xf32>
      %min3A_201 = arith.minimumf %min3A_198, %gather3A_200 : vector<16xf32>
      %gather3A_202 = vector.shape_cast %broadcast_in_dim3A_152 : vector<16x1xi32> to vector<16xi32>
      %gather3A_203 = tpu.dynamic_gather %min3A_201[%gather3A_202] in [0] : vector<16xf32>, vector<16xi32> -> vector<16xf32>
      %min3A_204 = arith.minimumf %min3A_201, %gather3A_203 : vector<16xf32>
      %eq3A_205 = arith.cmpf oeq, %scan3A_193#0, %min3A_204 : vector<16xf32>
      %select_n3A_206 = arith.select %eq3A_205, %scan3A_193#1, %broadcast_in_dim3A_46 : vector<16xi1>, vector<16xi32>
      %gather3A_207 = vector.shape_cast %broadcast_in_dim3A_74 : vector<16x1xi32> to vector<16xi32>
      %gather3A_208 = tpu.dynamic_gather %select_n3A_206[%gather3A_207] in [0] : vector<16xi32>, vector<16xi32> -> vector<16xi32>
      %min3A_209 = arith.minsi %select_n3A_206, %gather3A_208 : vector<16xi32>
      %gather3A_210 = vector.shape_cast %broadcast_in_dim3A_100 : vector<16x1xi32> to vector<16xi32>
      %gather3A_211 = tpu.dynamic_gather %min3A_209[%gather3A_210] in [0] : vector<16xi32>, vector<16xi32> -> vector<16xi32>
      %min3A_212 = arith.minsi %min3A_209, %gather3A_211 : vector<16xi32>
      %gather3A_213 = vector.shape_cast %broadcast_in_dim3A_126 : vector<16x1xi32> to vector<16xi32>
      %gather3A_214 = tpu.dynamic_gather %min3A_212[%gather3A_213] in [0] : vector<16xi32>, vector<16xi32> -> vector<16xi32>
      %min3A_215 = arith.minsi %min3A_212, %gather3A_214 : vector<16xi32>
      %gather3A_216 = vector.shape_cast %broadcast_in_dim3A_152 : vector<16x1xi32> to vector<16xi32>
      %gather3A_217 = tpu.dynamic_gather %min3A_215[%gather3A_216] in [0] : vector<16xi32>, vector<16xi32> -> vector<16xi32>
      %min3A_218 = arith.minsi %min3A_215, %gather3A_217 : vector<16xi32>
      %eq3A_219 = arith.constant 0 : i32
      %eq3A_220 = vector.broadcast %eq3A_219 : i32 to vector<16xi32>
      %eq3A_221 = arith.cmpi eq, %iota3A, %eq3A_220 : vector<16xi32>
      %select_n3A_222 = arith.select %eq3A_221, %min3A_204, %broadcast_in_dim3A_178 : vector<16xi1>, vector<16xf32>
      %select_n3A_223 = arith.select %eq3A_221, %min3A_218, %broadcast_in_dim3A_48 : vector<16xi1>, vector<16xi32>
      %slice3A_224 = vector.extract_strided_slice %get3A_167 {offsets = [1], sizes = [1], strides = [1]} : vector<16xf32> to vector<1xf32>
      %squeeze3A_225 = vector.extract %slice3A_224[0] : f32 from vector<1xf32>
      %broadcast_in_dim3A_226 = vector.broadcast %squeeze3A_225 : f32 to vector<16xf32>
      %slice3A_227 = vector.extract_strided_slice %get3A_170 {offsets = [1], sizes = [1], strides = [1]} : vector<16xf32> to vector<1xf32>
      %squeeze3A_228 = vector.extract %slice3A_227[0] : f32 from vector<1xf32>
      %broadcast_in_dim3A_229 = vector.broadcast %squeeze3A_228 : f32 to vector<16xf32>
      %slice3A_230 = vector.extract_strided_slice %get3A_173 {offsets = [1], sizes = [1], strides = [1]} : vector<16xf32> to vector<1xf32>
      %squeeze3A_231 = vector.extract %slice3A_230[0] : f32 from vector<1xf32>
      %broadcast_in_dim3A_232 = vector.broadcast %squeeze3A_231 : f32 to vector<16xf32>
      %slice3A_233 = vector.extract_strided_slice %get3A_176 {offsets = [1], sizes = [1], strides = [1]} : vector<16xf32> to vector<1xf32>
      %squeeze3A_234 = vector.extract %slice3A_233[0] : f32 from vector<1xf32>
      %broadcast_in_dim3A_235 = vector.broadcast %squeeze3A_234 : f32 to vector<16xf32>
      %scan3A_236 = arith.constant 0 : i32
      %scan3A_237 = arith.constant 256 : i32
      %scan3A_238 = arith.addi %scan3A_236, %scan3A_237 : i32
      %scan3A_239 = arith.constant 1 : i32
      %scan3A_240:3 = scf.for %scan3A_967 = %scan3A_236 to %scan3A_238 step %scan3A_239 iter_args(%scan3A_968 = %broadcast_in_dim3A_38, %scan3A_969 = %broadcast_in_dim3A_48, %scan3A_970 = %iota3A) -> (vector<16xf32>, vector<16xi32>, vector<16xi32>)  : i32 {
        %mul3A_971 = arith.constant 16 : i32
        %mul3A_972 = arith.muli %scan3A_967, %mul3A_971 : i32
        %get3A_973 = arith.index_cast %mul3A_972 : i32 to index
        %get3A_974 = tpu.vector_load %arg13[%get3A_973] {strides = array<i32>} : memref<4096xf32, #tpu.memory_space<vmem>>, vector<16xf32>,
        %get3A_975 = vector.shape_cast %get3A_974 : vector<16xf32> to vector<16xf32>
        %get3A_976 = arith.index_cast %mul3A_972 : i32 to index
        %get3A_977 = tpu.vector_load %arg14[%get3A_976] {strides = array<i32>} : memref<4096xf32, #tpu.memory_space<vmem>>, vector<16xf32>,
        %get3A_978 = vector.shape_cast %get3A_977 : vector<16xf32> to vector<16xf32>
        %get3A_979 = arith.index_cast %mul3A_972 : i32 to index
        %get3A_980 = tpu.vector_load %arg15[%get3A_979] {strides = array<i32>} : memref<4096xf32, #tpu.memory_space<vmem>>, vector<16xf32>,
        %get3A_981 = vector.shape_cast %get3A_980 : vector<16xf32> to vector<16xf32>
        %get3A_982 = arith.index_cast %mul3A_972 : i32 to index
        %get3A_983 = tpu.vector_load %arg16[%get3A_982] {strides = array<i32>} : memref<4096xf32, #tpu.memory_space<vmem>>, vector<16xf32>,
        %get3A_984 = vector.shape_cast %get3A_983 : vector<16xf32> to vector<16xf32>
        %mul3A_985 = arith.mulf %broadcast_in_dim3A_226, %get3A_975 : vector<16xf32>
        %mul3A_986 = arith.mulf %broadcast_in_dim3A_229, %get3A_978 : vector<16xf32>
        %add3A_987 = arith.addf %mul3A_985, %mul3A_986 : vector<16xf32>
        %mul3A_988 = arith.mulf %broadcast_in_dim3A_232, %get3A_981 : vector<16xf32>
        %add3A_989 = arith.addf %add3A_987, %mul3A_988 : vector<16xf32>
        %add3A_990 = arith.addf %broadcast_in_dim3A_235, %get3A_984 : vector<16xf32>
        %add3A_991 = arith.addf %add3A_990, %add3A_989 : vector<16xf32>
        %max3A = arith.constant 0.000000e+00 : f32
        %max3A_992 = vector.broadcast %max3A : f32 to vector<16xf32>
        %max3A_993 = arith.maximumf %add3A_991, %max3A_992 : vector<16xf32>
        %lt3A_994 = arith.cmpf olt, %max3A_993, %scan3A_968 : vector<16xf32>
        %select_n3A_995 = arith.select %lt3A_994, %max3A_993, %scan3A_968 : vector<16xi1>, vector<16xf32>
        %select_n3A_996 = arith.select %lt3A_994, %scan3A_970, %scan3A_969 : vector<16xi1>, vector<16xi32>
        %get3A_997 = arith.index_cast %mul3A_972 : i32 to index
        %get3A_998 = tpu.vector_load %arg23[%get3A_997] {strides = array<i32>} : memref<4096xf32, #tpu.memory_space<vmem>>, vector<16xf32>,
        %get3A_999 = vector.shape_cast %get3A_998 : vector<16xf32> to vector<16xf32>
        %min3A_1000 = arith.minimumf %get3A_999, %max3A_993 : vector<16xf32>
        %swap3A_1001 = arith.index_cast %mul3A_972 : i32 to index
        %swap3A_1002 = tpu.vector_load %arg23[%swap3A_1001] {strides = array<i32>} : memref<4096xf32, #tpu.memory_space<vmem>>, vector<16xf32>,
        %swap3A_1003 = vector.shape_cast %swap3A_1002 : vector<16xf32> to vector<16xf32>
        %swap3A_1004 = vector.shape_cast %min3A_1000 : vector<16xf32> to vector<16xf32>
        tpu.vector_store %arg23[%swap3A_1001], %swap3A_1004 {strides = array<i32>} : memref<4096xf32, #tpu.memory_space<vmem>>, vector<16xf32>,
        %add3A_1005 = arith.constant 16 : i32
        %add3A_1006 = vector.broadcast %add3A_1005 : i32 to vector<16xi32>
        %add3A_1007 = arith.addi %scan3A_970, %add3A_1006 : vector<16xi32>
        scf.yield %select_n3A_995, %select_n3A_996, %add3A_1007 : vector<16xf32>, vector<16xi32>, vector<16xi32>
      }
      %scan3A_241 = arith.constant 256 : i32
      %gather3A_242 = vector.shape_cast %broadcast_in_dim3A_74 : vector<16x1xi32> to vector<16xi32>
      %gather3A_243 = tpu.dynamic_gather %scan3A_240#0[%gather3A_242] in [0] : vector<16xf32>, vector<16xi32> -> vector<16xf32>
      %min3A_244 = arith.minimumf %scan3A_240#0, %gather3A_243 : vector<16xf32>
      %gather3A_245 = vector.shape_cast %broadcast_in_dim3A_100 : vector<16x1xi32> to vector<16xi32>
      %gather3A_246 = tpu.dynamic_gather %min3A_244[%gather3A_245] in [0] : vector<16xf32>, vector<16xi32> -> vector<16xf32>
      %min3A_247 = arith.minimumf %min3A_244, %gather3A_246 : vector<16xf32>
      %gather3A_248 = vector.shape_cast %broadcast_in_dim3A_126 : vector<16x1xi32> to vector<16xi32>
      %gather3A_249 = tpu.dynamic_gather %min3A_247[%gather3A_248] in [0] : vector<16xf32>, vector<16xi32> -> vector<16xf32>
      %min3A_250 = arith.minimumf %min3A_247, %gather3A_249 : vector<16xf32>
      %gather3A_251 = vector.shape_cast %broadcast_in_dim3A_152 : vector<16x1xi32> to vector<16xi32>
      %gather3A_252 = tpu.dynamic_gather %min3A_250[%gather3A_251] in [0] : vector<16xf32>, vector<16xi32> -> vector<16xf32>
      %min3A_253 = arith.minimumf %min3A_250, %gather3A_252 : vector<16xf32>
      %eq3A_254 = arith.cmpf oeq, %scan3A_240#0, %min3A_253 : vector<16xf32>
      %select_n3A_255 = arith.select %eq3A_254, %scan3A_240#1, %broadcast_in_dim3A_46 : vector<16xi1>, vector<16xi32>
      %gather3A_256 = vector.shape_cast %broadcast_in_dim3A_74 : vector<16x1xi32> to vector<16xi32>
      %gather3A_257 = tpu.dynamic_gather %select_n3A_255[%gather3A_256] in [0] : vector<16xi32>, vector<16xi32> -> vector<16xi32>
      %min3A_258 = arith.minsi %select_n3A_255, %gather3A_257 : vector<16xi32>
      %gather3A_259 = vector.shape_cast %broadcast_in_dim3A_100 : vector<16x1xi32> to vector<16xi32>
      %gather3A_260 = tpu.dynamic_gather %min3A_258[%gather3A_259] in [0] : vector<16xi32>, vector<16xi32> -> vector<16xi32>
      %min3A_261 = arith.minsi %min3A_258, %gather3A_260 : vector<16xi32>
      %gather3A_262 = vector.shape_cast %broadcast_in_dim3A_126 : vector<16x1xi32> to vector<16xi32>
      %gather3A_263 = tpu.dynamic_gather %min3A_261[%gather3A_262] in [0] : vector<16xi32>, vector<16xi32> -> vector<16xi32>
      %min3A_264 = arith.minsi %min3A_261, %gather3A_263 : vector<16xi32>
      %gather3A_265 = vector.shape_cast %broadcast_in_dim3A_152 : vector<16x1xi32> to vector<16xi32>
      %gather3A_266 = tpu.dynamic_gather %min3A_264[%gather3A_265] in [0] : vector<16xi32>, vector<16xi32> -> vector<16xi32>
      %min3A_267 = arith.minsi %min3A_264, %gather3A_266 : vector<16xi32>
      %eq3A_268 = arith.constant 1 : i32
      %eq3A_269 = vector.broadcast %eq3A_268 : i32 to vector<16xi32>
      %eq3A_270 = arith.cmpi eq, %iota3A, %eq3A_269 : vector<16xi32>
      %select_n3A_271 = arith.select %eq3A_270, %min3A_253, %select_n3A_222 : vector<16xi1>, vector<16xf32>
      %select_n3A_272 = arith.select %eq3A_270, %min3A_267, %select_n3A_223 : vector<16xi1>, vector<16xi32>
      %slice3A_273 = vector.extract_strided_slice %get3A_167 {offsets = [2], sizes = [1], strides = [1]} : vector<16xf32> to vector<1xf32>
      %squeeze3A_274 = vector.extract %slice3A_273[0] : f32 from vector<1xf32>
      %broadcast_in_dim3A_275 = vector.broadcast %squeeze3A_274 : f32 to vector<16xf32>
      %slice3A_276 = vector.extract_strided_slice %get3A_170 {offsets = [2], sizes = [1], strides = [1]} : vector<16xf32> to vector<1xf32>
      %squeeze3A_277 = vector.extract %slice3A_276[0] : f32 from vector<1xf32>
      %broadcast_in_dim3A_278 = vector.broadcast %squeeze3A_277 : f32 to vector<16xf32>
      %slice3A_279 = vector.extract_strided_slice %get3A_173 {offsets = [2], sizes = [1], strides = [1]} : vector<16xf32> to vector<1xf32>
      %squeeze3A_280 = vector.extract %slice3A_279[0] : f32 from vector<1xf32>
      %broadcast_in_dim3A_281 = vector.broadcast %squeeze3A_280 : f32 to vector<16xf32>
      %slice3A_282 = vector.extract_strided_slice %get3A_176 {offsets = [2], sizes = [1], strides = [1]} : vector<16xf32> to vector<1xf32>
      %squeeze3A_283 = vector.extract %slice3A_282[0] : f32 from vector<1xf32>
      %broadcast_in_dim3A_284 = vector.broadcast %squeeze3A_283 : f32 to vector<16xf32>
      %scan3A_285 = arith.constant 0 : i32
      %scan3A_286 = arith.constant 256 : i32
      %scan3A_287 = arith.addi %scan3A_285, %scan3A_286 : i32
      %scan3A_288 = arith.constant 1 : i32
      %scan3A_289:3 = scf.for %scan3A_967 = %scan3A_285 to %scan3A_287 step %scan3A_288 iter_args(%scan3A_968 = %broadcast_in_dim3A_38, %scan3A_969 = %broadcast_in_dim3A_48, %scan3A_970 = %iota3A) -> (vector<16xf32>, vector<16xi32>, vector<16xi32>)  : i32 {
        %mul3A_971 = arith.constant 16 : i32
        %mul3A_972 = arith.muli %scan3A_967, %mul3A_971 : i32
        %get3A_973 = arith.index_cast %mul3A_972 : i32 to index
        %get3A_974 = tpu.vector_load %arg13[%get3A_973] {strides = array<i32>} : memref<4096xf32, #tpu.memory_space<vmem>>, vector<16xf32>,
        %get3A_975 = vector.shape_cast %get3A_974 : vector<16xf32> to vector<16xf32>
        %get3A_976 = arith.index_cast %mul3A_972 : i32 to index
        %get3A_977 = tpu.vector_load %arg14[%get3A_976] {strides = array<i32>} : memref<4096xf32, #tpu.memory_space<vmem>>, vector<16xf32>,
        %get3A_978 = vector.shape_cast %get3A_977 : vector<16xf32> to vector<16xf32>
        %get3A_979 = arith.index_cast %mul3A_972 : i32 to index
        %get3A_980 = tpu.vector_load %arg15[%get3A_979] {strides = array<i32>} : memref<4096xf32, #tpu.memory_space<vmem>>, vector<16xf32>,
        %get3A_981 = vector.shape_cast %get3A_980 : vector<16xf32> to vector<16xf32>
        %get3A_982 = arith.index_cast %mul3A_972 : i32 to index
        %get3A_983 = tpu.vector_load %arg16[%get3A_982] {strides = array<i32>} : memref<4096xf32, #tpu.memory_space<vmem>>, vector<16xf32>,
        %get3A_984 = vector.shape_cast %get3A_983 : vector<16xf32> to vector<16xf32>
        %mul3A_985 = arith.mulf %broadcast_in_dim3A_275, %get3A_975 : vector<16xf32>
        %mul3A_986 = arith.mulf %broadcast_in_dim3A_278, %get3A_978 : vector<16xf32>
        %add3A_987 = arith.addf %mul3A_985, %mul3A_986 : vector<16xf32>
        %mul3A_988 = arith.mulf %broadcast_in_dim3A_281, %get3A_981 : vector<16xf32>
        %add3A_989 = arith.addf %add3A_987, %mul3A_988 : vector<16xf32>
        %add3A_990 = arith.addf %broadcast_in_dim3A_284, %get3A_984 : vector<16xf32>
        %add3A_991 = arith.addf %add3A_990, %add3A_989 : vector<16xf32>
        %max3A = arith.constant 0.000000e+00 : f32
        %max3A_992 = vector.broadcast %max3A : f32 to vector<16xf32>
        %max3A_993 = arith.maximumf %add3A_991, %max3A_992 : vector<16xf32>
        %lt3A_994 = arith.cmpf olt, %max3A_993, %scan3A_968 : vector<16xf32>
        %select_n3A_995 = arith.select %lt3A_994, %max3A_993, %scan3A_968 : vector<16xi1>, vector<16xf32>
        %select_n3A_996 = arith.select %lt3A_994, %scan3A_970, %scan3A_969 : vector<16xi1>, vector<16xi32>
        %get3A_997 = arith.index_cast %mul3A_972 : i32 to index
        %get3A_998 = tpu.vector_load %arg23[%get3A_997] {strides = array<i32>} : memref<4096xf32, #tpu.memory_space<vmem>>, vector<16xf32>,
        %get3A_999 = vector.shape_cast %get3A_998 : vector<16xf32> to vector<16xf32>
        %min3A_1000 = arith.minimumf %get3A_999, %max3A_993 : vector<16xf32>
        %swap3A_1001 = arith.index_cast %mul3A_972 : i32 to index
        %swap3A_1002 = tpu.vector_load %arg23[%swap3A_1001] {strides = array<i32>} : memref<4096xf32, #tpu.memory_space<vmem>>, vector<16xf32>,
        %swap3A_1003 = vector.shape_cast %swap3A_1002 : vector<16xf32> to vector<16xf32>
        %swap3A_1004 = vector.shape_cast %min3A_1000 : vector<16xf32> to vector<16xf32>
        tpu.vector_store %arg23[%swap3A_1001], %swap3A_1004 {strides = array<i32>} : memref<4096xf32, #tpu.memory_space<vmem>>, vector<16xf32>,
        %add3A_1005 = arith.constant 16 : i32
        %add3A_1006 = vector.broadcast %add3A_1005 : i32 to vector<16xi32>
        %add3A_1007 = arith.addi %scan3A_970, %add3A_1006 : vector<16xi32>
        scf.yield %select_n3A_995, %select_n3A_996, %add3A_1007 : vector<16xf32>, vector<16xi32>, vector<16xi32>
      }
      %scan3A_290 = arith.constant 256 : i32
      %gather3A_291 = vector.shape_cast %broadcast_in_dim3A_74 : vector<16x1xi32> to vector<16xi32>
      %gather3A_292 = tpu.dynamic_gather %scan3A_289#0[%gather3A_291] in [0] : vector<16xf32>, vector<16xi32> -> vector<16xf32>
      %min3A_293 = arith.minimumf %scan3A_289#0, %gather3A_292 : vector<16xf32>
      %gather3A_294 = vector.shape_cast %broadcast_in_dim3A_100 : vector<16x1xi32> to vector<16xi32>
      %gather3A_295 = tpu.dynamic_gather %min3A_293[%gather3A_294] in [0] : vector<16xf32>, vector<16xi32> -> vector<16xf32>
      %min3A_296 = arith.minimumf %min3A_293, %gather3A_295 : vector<16xf32>
      %gather3A_297 = vector.shape_cast %broadcast_in_dim3A_126 : vector<16x1xi32> to vector<16xi32>
      %gather3A_298 = tpu.dynamic_gather %min3A_296[%gather3A_297] in [0] : vector<16xf32>, vector<16xi32> -> vector<16xf32>
      %min3A_299 = arith.minimumf %min3A_296, %gather3A_298 : vector<16xf32>
      %gather3A_300 = vector.shape_cast %broadcast_in_dim3A_152 : vector<16x1xi32> to vector<16xi32>
      %gather3A_301 = tpu.dynamic_gather %min3A_299[%gather3A_300] in [0] : vector<16xf32>, vector<16xi32> -> vector<16xf32>
      %min3A_302 = arith.minimumf %min3A_299, %gather3A_301 : vector<16xf32>
      %eq3A_303 = arith.cmpf oeq, %scan3A_289#0, %min3A_302 : vector<16xf32>
      %select_n3A_304 = arith.select %eq3A_303, %scan3A_289#1, %broadcast_in_dim3A_46 : vector<16xi1>, vector<16xi32>
      %gather3A_305 = vector.shape_cast %broadcast_in_dim3A_74 : vector<16x1xi32> to vector<16xi32>
      %gather3A_306 = tpu.dynamic_gather %select_n3A_304[%gather3A_305] in [0] : vector<16xi32>, vector<16xi32> -> vector<16xi32>
      %min3A_307 = arith.minsi %select_n3A_304, %gather3A_306 : vector<16xi32>
      %gather3A_308 = vector.shape_cast %broadcast_in_dim3A_100 : vector<16x1xi32> to vector<16xi32>
      %gather3A_309 = tpu.dynamic_gather %min3A_307[%gather3A_308] in [0] : vector<16xi32>, vector<16xi32> -> vector<16xi32>
      %min3A_310 = arith.minsi %min3A_307, %gather3A_309 : vector<16xi32>
      %gather3A_311 = vector.shape_cast %broadcast_in_dim3A_126 : vector<16x1xi32> to vector<16xi32>
      %gather3A_312 = tpu.dynamic_gather %min3A_310[%gather3A_311] in [0] : vector<16xi32>, vector<16xi32> -> vector<16xi32>
      %min3A_313 = arith.minsi %min3A_310, %gather3A_312 : vector<16xi32>
      %gather3A_314 = vector.shape_cast %broadcast_in_dim3A_152 : vector<16x1xi32> to vector<16xi32>
      %gather3A_315 = tpu.dynamic_gather %min3A_313[%gather3A_314] in [0] : vector<16xi32>, vector<16xi32> -> vector<16xi32>
      %min3A_316 = arith.minsi %min3A_313, %gather3A_315 : vector<16xi32>
      %eq3A_317 = arith.constant 2 : i32
      %eq3A_318 = vector.broadcast %eq3A_317 : i32 to vector<16xi32>
      %eq3A_319 = arith.cmpi eq, %iota3A, %eq3A_318 : vector<16xi32>
      %select_n3A_320 = arith.select %eq3A_319, %min3A_302, %select_n3A_271 : vector<16xi1>, vector<16xf32>
      %select_n3A_321 = arith.select %eq3A_319, %min3A_316, %select_n3A_272 : vector<16xi1>, vector<16xi32>
      %slice3A_322 = vector.extract_strided_slice %get3A_167 {offsets = [3], sizes = [1], strides = [1]} : vector<16xf32> to vector<1xf32>
      %squeeze3A_323 = vector.extract %slice3A_322[0] : f32 from vector<1xf32>
      %broadcast_in_dim3A_324 = vector.broadcast %squeeze3A_323 : f32 to vector<16xf32>
      %slice3A_325 = vector.extract_strided_slice %get3A_170 {offsets = [3], sizes = [1], strides = [1]} : vector<16xf32> to vector<1xf32>
      %squeeze3A_326 = vector.extract %slice3A_325[0] : f32 from vector<1xf32>
      %broadcast_in_dim3A_327 = vector.broadcast %squeeze3A_326 : f32 to vector<16xf32>
      %slice3A_328 = vector.extract_strided_slice %get3A_173 {offsets = [3], sizes = [1], strides = [1]} : vector<16xf32> to vector<1xf32>
      %squeeze3A_329 = vector.extract %slice3A_328[0] : f32 from vector<1xf32>
      %broadcast_in_dim3A_330 = vector.broadcast %squeeze3A_329 : f32 to vector<16xf32>
      %slice3A_331 = vector.extract_strided_slice %get3A_176 {offsets = [3], sizes = [1], strides = [1]} : vector<16xf32> to vector<1xf32>
      %squeeze3A_332 = vector.extract %slice3A_331[0] : f32 from vector<1xf32>
      %broadcast_in_dim3A_333 = vector.broadcast %squeeze3A_332 : f32 to vector<16xf32>
      %scan3A_334 = arith.constant 0 : i32
      %scan3A_335 = arith.constant 256 : i32
      %scan3A_336 = arith.addi %scan3A_334, %scan3A_335 : i32
      %scan3A_337 = arith.constant 1 : i32
      %scan3A_338:3 = scf.for %scan3A_967 = %scan3A_334 to %scan3A_336 step %scan3A_337 iter_args(%scan3A_968 = %broadcast_in_dim3A_38, %scan3A_969 = %broadcast_in_dim3A_48, %scan3A_970 = %iota3A) -> (vector<16xf32>, vector<16xi32>, vector<16xi32>)  : i32 {
        %mul3A_971 = arith.constant 16 : i32
        %mul3A_972 = arith.muli %scan3A_967, %mul3A_971 : i32
        %get3A_973 = arith.index_cast %mul3A_972 : i32 to index
        %get3A_974 = tpu.vector_load %arg13[%get3A_973] {strides = array<i32>} : memref<4096xf32, #tpu.memory_space<vmem>>, vector<16xf32>,
        %get3A_975 = vector.shape_cast %get3A_974 : vector<16xf32> to vector<16xf32>
        %get3A_976 = arith.index_cast %mul3A_972 : i32 to index
        %get3A_977 = tpu.vector_load %arg14[%get3A_976] {strides = array<i32>} : memref<4096xf32, #tpu.memory_space<vmem>>, vector<16xf32>,
        %get3A_978 = vector.shape_cast %get3A_977 : vector<16xf32> to vector<16xf32>
        %get3A_979 = arith.index_cast %mul3A_972 : i32 to index
        %get3A_980 = tpu.vector_load %arg15[%get3A_979] {strides = array<i32>} : memref<4096xf32, #tpu.memory_space<vmem>>, vector<16xf32>,
        %get3A_981 = vector.shape_cast %get3A_980 : vector<16xf32> to vector<16xf32>
        %get3A_982 = arith.index_cast %mul3A_972 : i32 to index
        %get3A_983 = tpu.vector_load %arg16[%get3A_982] {strides = array<i32>} : memref<4096xf32, #tpu.memory_space<vmem>>, vector<16xf32>,
        %get3A_984 = vector.shape_cast %get3A_983 : vector<16xf32> to vector<16xf32>
        %mul3A_985 = arith.mulf %broadcast_in_dim3A_324, %get3A_975 : vector<16xf32>
        %mul3A_986 = arith.mulf %broadcast_in_dim3A_327, %get3A_978 : vector<16xf32>
        %add3A_987 = arith.addf %mul3A_985, %mul3A_986 : vector<16xf32>
        %mul3A_988 = arith.mulf %broadcast_in_dim3A_330, %get3A_981 : vector<16xf32>
        %add3A_989 = arith.addf %add3A_987, %mul3A_988 : vector<16xf32>
        %add3A_990 = arith.addf %broadcast_in_dim3A_333, %get3A_984 : vector<16xf32>
        %add3A_991 = arith.addf %add3A_990, %add3A_989 : vector<16xf32>
        %max3A = arith.constant 0.000000e+00 : f32
        %max3A_992 = vector.broadcast %max3A : f32 to vector<16xf32>
        %max3A_993 = arith.maximumf %add3A_991, %max3A_992 : vector<16xf32>
        %lt3A_994 = arith.cmpf olt, %max3A_993, %scan3A_968 : vector<16xf32>
        %select_n3A_995 = arith.select %lt3A_994, %max3A_993, %scan3A_968 : vector<16xi1>, vector<16xf32>
        %select_n3A_996 = arith.select %lt3A_994, %scan3A_970, %scan3A_969 : vector<16xi1>, vector<16xi32>
        %get3A_997 = arith.index_cast %mul3A_972 : i32 to index
        %get3A_998 = tpu.vector_load %arg23[%get3A_997] {strides = array<i32>} : memref<4096xf32, #tpu.memory_space<vmem>>, vector<16xf32>,
        %get3A_999 = vector.shape_cast %get3A_998 : vector<16xf32> to vector<16xf32>
        %min3A_1000 = arith.minimumf %get3A_999, %max3A_993 : vector<16xf32>
        %swap3A_1001 = arith.index_cast %mul3A_972 : i32 to index
        %swap3A_1002 = tpu.vector_load %arg23[%swap3A_1001] {strides = array<i32>} : memref<4096xf32, #tpu.memory_space<vmem>>, vector<16xf32>,
        %swap3A_1003 = vector.shape_cast %swap3A_1002 : vector<16xf32> to vector<16xf32>
        %swap3A_1004 = vector.shape_cast %min3A_1000 : vector<16xf32> to vector<16xf32>
        tpu.vector_store %arg23[%swap3A_1001], %swap3A_1004 {strides = array<i32>} : memref<4096xf32, #tpu.memory_space<vmem>>, vector<16xf32>,
        %add3A_1005 = arith.constant 16 : i32
        %add3A_1006 = vector.broadcast %add3A_1005 : i32 to vector<16xi32>
        %add3A_1007 = arith.addi %scan3A_970, %add3A_1006 : vector<16xi32>
        scf.yield %select_n3A_995, %select_n3A_996, %add3A_1007 : vector<16xf32>, vector<16xi32>, vector<16xi32>
      }
      %scan3A_339 = arith.constant 256 : i32
      %gather3A_340 = vector.shape_cast %broadcast_in_dim3A_74 : vector<16x1xi32> to vector<16xi32>
      %gather3A_341 = tpu.dynamic_gather %scan3A_338#0[%gather3A_340] in [0] : vector<16xf32>, vector<16xi32> -> vector<16xf32>
      %min3A_342 = arith.minimumf %scan3A_338#0, %gather3A_341 : vector<16xf32>
      %gather3A_343 = vector.shape_cast %broadcast_in_dim3A_100 : vector<16x1xi32> to vector<16xi32>
      %gather3A_344 = tpu.dynamic_gather %min3A_342[%gather3A_343] in [0] : vector<16xf32>, vector<16xi32> -> vector<16xf32>
      %min3A_345 = arith.minimumf %min3A_342, %gather3A_344 : vector<16xf32>
      %gather3A_346 = vector.shape_cast %broadcast_in_dim3A_126 : vector<16x1xi32> to vector<16xi32>
      %gather3A_347 = tpu.dynamic_gather %min3A_345[%gather3A_346] in [0] : vector<16xf32>, vector<16xi32> -> vector<16xf32>
      %min3A_348 = arith.minimumf %min3A_345, %gather3A_347 : vector<16xf32>
      %gather3A_349 = vector.shape_cast %broadcast_in_dim3A_152 : vector<16x1xi32> to vector<16xi32>
      %gather3A_350 = tpu.dynamic_gather %min3A_348[%gather3A_349] in [0] : vector<16xf32>, vector<16xi32> -> vector<16xf32>
      %min3A_351 = arith.minimumf %min3A_348, %gather3A_350 : vector<16xf32>
      %eq3A_352 = arith.cmpf oeq, %scan3A_338#0, %min3A_351 : vector<16xf32>
      %select_n3A_353 = arith.select %eq3A_352, %scan3A_338#1, %broadcast_in_dim3A_46 : vector<16xi1>, vector<16xi32>
      %gather3A_354 = vector.shape_cast %broadcast_in_dim3A_74 : vector<16x1xi32> to vector<16xi32>
      %gather3A_355 = tpu.dynamic_gather %select_n3A_353[%gather3A_354] in [0] : vector<16xi32>, vector<16xi32> -> vector<16xi32>
      %min3A_356 = arith.minsi %select_n3A_353, %gather3A_355 : vector<16xi32>
      %gather3A_357 = vector.shape_cast %broadcast_in_dim3A_100 : vector<16x1xi32> to vector<16xi32>
      %gather3A_358 = tpu.dynamic_gather %min3A_356[%gather3A_357] in [0] : vector<16xi32>, vector<16xi32> -> vector<16xi32>
      %min3A_359 = arith.minsi %min3A_356, %gather3A_358 : vector<16xi32>
      %gather3A_360 = vector.shape_cast %broadcast_in_dim3A_126 : vector<16x1xi32> to vector<16xi32>
      %gather3A_361 = tpu.dynamic_gather %min3A_359[%gather3A_360] in [0] : vector<16xi32>, vector<16xi32> -> vector<16xi32>
      %min3A_362 = arith.minsi %min3A_359, %gather3A_361 : vector<16xi32>
      %gather3A_363 = vector.shape_cast %broadcast_in_dim3A_152 : vector<16x1xi32> to vector<16xi32>
      %gather3A_364 = tpu.dynamic_gather %min3A_362[%gather3A_363] in [0] : vector<16xi32>, vector<16xi32> -> vector<16xi32>
      %min3A_365 = arith.minsi %min3A_362, %gather3A_364 : vector<16xi32>
      %eq3A_366 = arith.constant 3 : i32
      %eq3A_367 = vector.broadcast %eq3A_366 : i32 to vector<16xi32>
      %eq3A_368 = arith.cmpi eq, %iota3A, %eq3A_367 : vector<16xi32>
      %select_n3A_369 = arith.select %eq3A_368, %min3A_351, %select_n3A_320 : vector<16xi1>, vector<16xf32>
      %select_n3A_370 = arith.select %eq3A_368, %min3A_365, %select_n3A_321 : vector<16xi1>, vector<16xi32>
      %slice3A_371 = vector.extract_strided_slice %get3A_167 {offsets = [4], sizes = [1], strides = [1]} : vector<16xf32> to vector<1xf32>
      %squeeze3A_372 = vector.extract %slice3A_371[0] : f32 from vector<1xf32>
      %broadcast_in_dim3A_373 = vector.broadcast %squeeze3A_372 : f32 to vector<16xf32>
      %slice3A_374 = vector.extract_strided_slice %get3A_170 {offsets = [4], sizes = [1], strides = [1]} : vector<16xf32> to vector<1xf32>
      %squeeze3A_375 = vector.extract %slice3A_374[0] : f32 from vector<1xf32>
      %broadcast_in_dim3A_376 = vector.broadcast %squeeze3A_375 : f32 to vector<16xf32>
      %slice3A_377 = vector.extract_strided_slice %get3A_173 {offsets = [4], sizes = [1], strides = [1]} : vector<16xf32> to vector<1xf32>
      %squeeze3A_378 = vector.extract %slice3A_377[0] : f32 from vector<1xf32>
      %broadcast_in_dim3A_379 = vector.broadcast %squeeze3A_378 : f32 to vector<16xf32>
      %slice3A_380 = vector.extract_strided_slice %get3A_176 {offsets = [4], sizes = [1], strides = [1]} : vector<16xf32> to vector<1xf32>
      %squeeze3A_381 = vector.extract %slice3A_380[0] : f32 from vector<1xf32>
      %broadcast_in_dim3A_382 = vector.broadcast %squeeze3A_381 : f32 to vector<16xf32>
      %scan3A_383 = arith.constant 0 : i32
      %scan3A_384 = arith.constant 256 : i32
      %scan3A_385 = arith.addi %scan3A_383, %scan3A_384 : i32
      %scan3A_386 = arith.constant 1 : i32
      %scan3A_387:3 = scf.for %scan3A_967 = %scan3A_383 to %scan3A_385 step %scan3A_386 iter_args(%scan3A_968 = %broadcast_in_dim3A_38, %scan3A_969 = %broadcast_in_dim3A_48, %scan3A_970 = %iota3A) -> (vector<16xf32>, vector<16xi32>, vector<16xi32>)  : i32 {
        %mul3A_971 = arith.constant 16 : i32
        %mul3A_972 = arith.muli %scan3A_967, %mul3A_971 : i32
        %get3A_973 = arith.index_cast %mul3A_972 : i32 to index
        %get3A_974 = tpu.vector_load %arg13[%get3A_973] {strides = array<i32>} : memref<4096xf32, #tpu.memory_space<vmem>>, vector<16xf32>,
        %get3A_975 = vector.shape_cast %get3A_974 : vector<16xf32> to vector<16xf32>
        %get3A_976 = arith.index_cast %mul3A_972 : i32 to index
        %get3A_977 = tpu.vector_load %arg14[%get3A_976] {strides = array<i32>} : memref<4096xf32, #tpu.memory_space<vmem>>, vector<16xf32>,
        %get3A_978 = vector.shape_cast %get3A_977 : vector<16xf32> to vector<16xf32>
        %get3A_979 = arith.index_cast %mul3A_972 : i32 to index
        %get3A_980 = tpu.vector_load %arg15[%get3A_979] {strides = array<i32>} : memref<4096xf32, #tpu.memory_space<vmem>>, vector<16xf32>,
        %get3A_981 = vector.shape_cast %get3A_980 : vector<16xf32> to vector<16xf32>
        %get3A_982 = arith.index_cast %mul3A_972 : i32 to index
        %get3A_983 = tpu.vector_load %arg16[%get3A_982] {strides = array<i32>} : memref<4096xf32, #tpu.memory_space<vmem>>, vector<16xf32>,
        %get3A_984 = vector.shape_cast %get3A_983 : vector<16xf32> to vector<16xf32>
        %mul3A_985 = arith.mulf %broadcast_in_dim3A_373, %get3A_975 : vector<16xf32>
        %mul3A_986 = arith.mulf %broadcast_in_dim3A_376, %get3A_978 : vector<16xf32>
        %add3A_987 = arith.addf %mul3A_985, %mul3A_986 : vector<16xf32>
        %mul3A_988 = arith.mulf %broadcast_in_dim3A_379, %get3A_981 : vector<16xf32>
        %add3A_989 = arith.addf %add3A_987, %mul3A_988 : vector<16xf32>
        %add3A_990 = arith.addf %broadcast_in_dim3A_382, %get3A_984 : vector<16xf32>
        %add3A_991 = arith.addf %add3A_990, %add3A_989 : vector<16xf32>
        %max3A = arith.constant 0.000000e+00 : f32
        %max3A_992 = vector.broadcast %max3A : f32 to vector<16xf32>
        %max3A_993 = arith.maximumf %add3A_991, %max3A_992 : vector<16xf32>
        %lt3A_994 = arith.cmpf olt, %max3A_993, %scan3A_968 : vector<16xf32>
        %select_n3A_995 = arith.select %lt3A_994, %max3A_993, %scan3A_968 : vector<16xi1>, vector<16xf32>
        %select_n3A_996 = arith.select %lt3A_994, %scan3A_970, %scan3A_969 : vector<16xi1>, vector<16xi32>
        %get3A_997 = arith.index_cast %mul3A_972 : i32 to index
        %get3A_998 = tpu.vector_load %arg23[%get3A_997] {strides = array<i32>} : memref<4096xf32, #tpu.memory_space<vmem>>, vector<16xf32>,
        %get3A_999 = vector.shape_cast %get3A_998 : vector<16xf32> to vector<16xf32>
        %min3A_1000 = arith.minimumf %get3A_999, %max3A_993 : vector<16xf32>
        %swap3A_1001 = arith.index_cast %mul3A_972 : i32 to index
        %swap3A_1002 = tpu.vector_load %arg23[%swap3A_1001] {strides = array<i32>} : memref<4096xf32, #tpu.memory_space<vmem>>, vector<16xf32>,
        %swap3A_1003 = vector.shape_cast %swap3A_1002 : vector<16xf32> to vector<16xf32>
        %swap3A_1004 = vector.shape_cast %min3A_1000 : vector<16xf32> to vector<16xf32>
        tpu.vector_store %arg23[%swap3A_1001], %swap3A_1004 {strides = array<i32>} : memref<4096xf32, #tpu.memory_space<vmem>>, vector<16xf32>,
        %add3A_1005 = arith.constant 16 : i32
        %add3A_1006 = vector.broadcast %add3A_1005 : i32 to vector<16xi32>
        %add3A_1007 = arith.addi %scan3A_970, %add3A_1006 : vector<16xi32>
        scf.yield %select_n3A_995, %select_n3A_996, %add3A_1007 : vector<16xf32>, vector<16xi32>, vector<16xi32>
      }
      %scan3A_388 = arith.constant 256 : i32
      %gather3A_389 = vector.shape_cast %broadcast_in_dim3A_74 : vector<16x1xi32> to vector<16xi32>
      %gather3A_390 = tpu.dynamic_gather %scan3A_387#0[%gather3A_389] in [0] : vector<16xf32>, vector<16xi32> -> vector<16xf32>
      %min3A_391 = arith.minimumf %scan3A_387#0, %gather3A_390 : vector<16xf32>
      %gather3A_392 = vector.shape_cast %broadcast_in_dim3A_100 : vector<16x1xi32> to vector<16xi32>
      %gather3A_393 = tpu.dynamic_gather %min3A_391[%gather3A_392] in [0] : vector<16xf32>, vector<16xi32> -> vector<16xf32>
      %min3A_394 = arith.minimumf %min3A_391, %gather3A_393 : vector<16xf32>
      %gather3A_395 = vector.shape_cast %broadcast_in_dim3A_126 : vector<16x1xi32> to vector<16xi32>
      %gather3A_396 = tpu.dynamic_gather %min3A_394[%gather3A_395] in [0] : vector<16xf32>, vector<16xi32> -> vector<16xf32>
      %min3A_397 = arith.minimumf %min3A_394, %gather3A_396 : vector<16xf32>
      %gather3A_398 = vector.shape_cast %broadcast_in_dim3A_152 : vector<16x1xi32> to vector<16xi32>
      %gather3A_399 = tpu.dynamic_gather %min3A_397[%gather3A_398] in [0] : vector<16xf32>, vector<16xi32> -> vector<16xf32>
      %min3A_400 = arith.minimumf %min3A_397, %gather3A_399 : vector<16xf32>
      %eq3A_401 = arith.cmpf oeq, %scan3A_387#0, %min3A_400 : vector<16xf32>
      %select_n3A_402 = arith.select %eq3A_401, %scan3A_387#1, %broadcast_in_dim3A_46 : vector<16xi1>, vector<16xi32>
      %gather3A_403 = vector.shape_cast %broadcast_in_dim3A_74 : vector<16x1xi32> to vector<16xi32>
      %gather3A_404 = tpu.dynamic_gather %select_n3A_402[%gather3A_403] in [0] : vector<16xi32>, vector<16xi32> -> vector<16xi32>
      %min3A_405 = arith.minsi %select_n3A_402, %gather3A_404 : vector<16xi32>
      %gather3A_406 = vector.shape_cast %broadcast_in_dim3A_100 : vector<16x1xi32> to vector<16xi32>
      %gather3A_407 = tpu.dynamic_gather %min3A_405[%gather3A_406] in [0] : vector<16xi32>, vector<16xi32> -> vector<16xi32>
      %min3A_408 = arith.minsi %min3A_405, %gather3A_407 : vector<16xi32>
      %gather3A_409 = vector.shape_cast %broadcast_in_dim3A_126 : vector<16x1xi32> to vector<16xi32>
      %gather3A_410 = tpu.dynamic_gather %min3A_408[%gather3A_409] in [0] : vector<16xi32>, vector<16xi32> -> vector<16xi32>
      %min3A_411 = arith.minsi %min3A_408, %gather3A_410 : vector<16xi32>
      %gather3A_412 = vector.shape_cast %broadcast_in_dim3A_152 : vector<16x1xi32> to vector<16xi32>
      %gather3A_413 = tpu.dynamic_gather %min3A_411[%gather3A_412] in [0] : vector<16xi32>, vector<16xi32> -> vector<16xi32>
      %min3A_414 = arith.minsi %min3A_411, %gather3A_413 : vector<16xi32>
      %eq3A_415 = arith.constant 4 : i32
      %eq3A_416 = vector.broadcast %eq3A_415 : i32 to vector<16xi32>
      %eq3A_417 = arith.cmpi eq, %iota3A, %eq3A_416 : vector<16xi32>
      %select_n3A_418 = arith.select %eq3A_417, %min3A_400, %select_n3A_369 : vector<16xi1>, vector<16xf32>
      %select_n3A_419 = arith.select %eq3A_417, %min3A_414, %select_n3A_370 : vector<16xi1>, vector<16xi32>
      %slice3A_420 = vector.extract_strided_slice %get3A_167 {offsets = [5], sizes = [1], strides = [1]} : vector<16xf32> to vector<1xf32>
      %squeeze3A_421 = vector.extract %slice3A_420[0] : f32 from vector<1xf32>
      %broadcast_in_dim3A_422 = vector.broadcast %squeeze3A_421 : f32 to vector<16xf32>
      %slice3A_423 = vector.extract_strided_slice %get3A_170 {offsets = [5], sizes = [1], strides = [1]} : vector<16xf32> to vector<1xf32>
      %squeeze3A_424 = vector.extract %slice3A_423[0] : f32 from vector<1xf32>
      %broadcast_in_dim3A_425 = vector.broadcast %squeeze3A_424 : f32 to vector<16xf32>
      %slice3A_426 = vector.extract_strided_slice %get3A_173 {offsets = [5], sizes = [1], strides = [1]} : vector<16xf32> to vector<1xf32>
      %squeeze3A_427 = vector.extract %slice3A_426[0] : f32 from vector<1xf32>
      %broadcast_in_dim3A_428 = vector.broadcast %squeeze3A_427 : f32 to vector<16xf32>
      %slice3A_429 = vector.extract_strided_slice %get3A_176 {offsets = [5], sizes = [1], strides = [1]} : vector<16xf32> to vector<1xf32>
      %squeeze3A_430 = vector.extract %slice3A_429[0] : f32 from vector<1xf32>
      %broadcast_in_dim3A_431 = vector.broadcast %squeeze3A_430 : f32 to vector<16xf32>
      %scan3A_432 = arith.constant 0 : i32
      %scan3A_433 = arith.constant 256 : i32
      %scan3A_434 = arith.addi %scan3A_432, %scan3A_433 : i32
      %scan3A_435 = arith.constant 1 : i32
      %scan3A_436:3 = scf.for %scan3A_967 = %scan3A_432 to %scan3A_434 step %scan3A_435 iter_args(%scan3A_968 = %broadcast_in_dim3A_38, %scan3A_969 = %broadcast_in_dim3A_48, %scan3A_970 = %iota3A) -> (vector<16xf32>, vector<16xi32>, vector<16xi32>)  : i32 {
        %mul3A_971 = arith.constant 16 : i32
        %mul3A_972 = arith.muli %scan3A_967, %mul3A_971 : i32
        %get3A_973 = arith.index_cast %mul3A_972 : i32 to index
        %get3A_974 = tpu.vector_load %arg13[%get3A_973] {strides = array<i32>} : memref<4096xf32, #tpu.memory_space<vmem>>, vector<16xf32>,
        %get3A_975 = vector.shape_cast %get3A_974 : vector<16xf32> to vector<16xf32>
        %get3A_976 = arith.index_cast %mul3A_972 : i32 to index
        %get3A_977 = tpu.vector_load %arg14[%get3A_976] {strides = array<i32>} : memref<4096xf32, #tpu.memory_space<vmem>>, vector<16xf32>,
        %get3A_978 = vector.shape_cast %get3A_977 : vector<16xf32> to vector<16xf32>
        %get3A_979 = arith.index_cast %mul3A_972 : i32 to index
        %get3A_980 = tpu.vector_load %arg15[%get3A_979] {strides = array<i32>} : memref<4096xf32, #tpu.memory_space<vmem>>, vector<16xf32>,
        %get3A_981 = vector.shape_cast %get3A_980 : vector<16xf32> to vector<16xf32>
        %get3A_982 = arith.index_cast %mul3A_972 : i32 to index
        %get3A_983 = tpu.vector_load %arg16[%get3A_982] {strides = array<i32>} : memref<4096xf32, #tpu.memory_space<vmem>>, vector<16xf32>,
        %get3A_984 = vector.shape_cast %get3A_983 : vector<16xf32> to vector<16xf32>
        %mul3A_985 = arith.mulf %broadcast_in_dim3A_422, %get3A_975 : vector<16xf32>
        %mul3A_986 = arith.mulf %broadcast_in_dim3A_425, %get3A_978 : vector<16xf32>
        %add3A_987 = arith.addf %mul3A_985, %mul3A_986 : vector<16xf32>
        %mul3A_988 = arith.mulf %broadcast_in_dim3A_428, %get3A_981 : vector<16xf32>
        %add3A_989 = arith.addf %add3A_987, %mul3A_988 : vector<16xf32>
        %add3A_990 = arith.addf %broadcast_in_dim3A_431, %get3A_984 : vector<16xf32>
        %add3A_991 = arith.addf %add3A_990, %add3A_989 : vector<16xf32>
        %max3A = arith.constant 0.000000e+00 : f32
        %max3A_992 = vector.broadcast %max3A : f32 to vector<16xf32>
        %max3A_993 = arith.maximumf %add3A_991, %max3A_992 : vector<16xf32>
        %lt3A_994 = arith.cmpf olt, %max3A_993, %scan3A_968 : vector<16xf32>
        %select_n3A_995 = arith.select %lt3A_994, %max3A_993, %scan3A_968 : vector<16xi1>, vector<16xf32>
        %select_n3A_996 = arith.select %lt3A_994, %scan3A_970, %scan3A_969 : vector<16xi1>, vector<16xi32>
        %get3A_997 = arith.index_cast %mul3A_972 : i32 to index
        %get3A_998 = tpu.vector_load %arg23[%get3A_997] {strides = array<i32>} : memref<4096xf32, #tpu.memory_space<vmem>>, vector<16xf32>,
        %get3A_999 = vector.shape_cast %get3A_998 : vector<16xf32> to vector<16xf32>
        %min3A_1000 = arith.minimumf %get3A_999, %max3A_993 : vector<16xf32>
        %swap3A_1001 = arith.index_cast %mul3A_972 : i32 to index
        %swap3A_1002 = tpu.vector_load %arg23[%swap3A_1001] {strides = array<i32>} : memref<4096xf32, #tpu.memory_space<vmem>>, vector<16xf32>,
        %swap3A_1003 = vector.shape_cast %swap3A_1002 : vector<16xf32> to vector<16xf32>
        %swap3A_1004 = vector.shape_cast %min3A_1000 : vector<16xf32> to vector<16xf32>
        tpu.vector_store %arg23[%swap3A_1001], %swap3A_1004 {strides = array<i32>} : memref<4096xf32, #tpu.memory_space<vmem>>, vector<16xf32>,
        %add3A_1005 = arith.constant 16 : i32
        %add3A_1006 = vector.broadcast %add3A_1005 : i32 to vector<16xi32>
        %add3A_1007 = arith.addi %scan3A_970, %add3A_1006 : vector<16xi32>
        scf.yield %select_n3A_995, %select_n3A_996, %add3A_1007 : vector<16xf32>, vector<16xi32>, vector<16xi32>
      }
      %scan3A_437 = arith.constant 256 : i32
      %gather3A_438 = vector.shape_cast %broadcast_in_dim3A_74 : vector<16x1xi32> to vector<16xi32>
      %gather3A_439 = tpu.dynamic_gather %scan3A_436#0[%gather3A_438] in [0] : vector<16xf32>, vector<16xi32> -> vector<16xf32>
      %min3A_440 = arith.minimumf %scan3A_436#0, %gather3A_439 : vector<16xf32>
      %gather3A_441 = vector.shape_cast %broadcast_in_dim3A_100 : vector<16x1xi32> to vector<16xi32>
      %gather3A_442 = tpu.dynamic_gather %min3A_440[%gather3A_441] in [0] : vector<16xf32>, vector<16xi32> -> vector<16xf32>
      %min3A_443 = arith.minimumf %min3A_440, %gather3A_442 : vector<16xf32>
      %gather3A_444 = vector.shape_cast %broadcast_in_dim3A_126 : vector<16x1xi32> to vector<16xi32>
      %gather3A_445 = tpu.dynamic_gather %min3A_443[%gather3A_444] in [0] : vector<16xf32>, vector<16xi32> -> vector<16xf32>
      %min3A_446 = arith.minimumf %min3A_443, %gather3A_445 : vector<16xf32>
      %gather3A_447 = vector.shape_cast %broadcast_in_dim3A_152 : vector<16x1xi32> to vector<16xi32>
      %gather3A_448 = tpu.dynamic_gather %min3A_446[%gather3A_447] in [0] : vector<16xf32>, vector<16xi32> -> vector<16xf32>
      %min3A_449 = arith.minimumf %min3A_446, %gather3A_448 : vector<16xf32>
      %eq3A_450 = arith.cmpf oeq, %scan3A_436#0, %min3A_449 : vector<16xf32>
      %select_n3A_451 = arith.select %eq3A_450, %scan3A_436#1, %broadcast_in_dim3A_46 : vector<16xi1>, vector<16xi32>
      %gather3A_452 = vector.shape_cast %broadcast_in_dim3A_74 : vector<16x1xi32> to vector<16xi32>
      %gather3A_453 = tpu.dynamic_gather %select_n3A_451[%gather3A_452] in [0] : vector<16xi32>, vector<16xi32> -> vector<16xi32>
      %min3A_454 = arith.minsi %select_n3A_451, %gather3A_453 : vector<16xi32>
      %gather3A_455 = vector.shape_cast %broadcast_in_dim3A_100 : vector<16x1xi32> to vector<16xi32>
      %gather3A_456 = tpu.dynamic_gather %min3A_454[%gather3A_455] in [0] : vector<16xi32>, vector<16xi32> -> vector<16xi32>
      %min3A_457 = arith.minsi %min3A_454, %gather3A_456 : vector<16xi32>
      %gather3A_458 = vector.shape_cast %broadcast_in_dim3A_126 : vector<16x1xi32> to vector<16xi32>
      %gather3A_459 = tpu.dynamic_gather %min3A_457[%gather3A_458] in [0] : vector<16xi32>, vector<16xi32> -> vector<16xi32>
      %min3A_460 = arith.minsi %min3A_457, %gather3A_459 : vector<16xi32>
      %gather3A_461 = vector.shape_cast %broadcast_in_dim3A_152 : vector<16x1xi32> to vector<16xi32>
      %gather3A_462 = tpu.dynamic_gather %min3A_460[%gather3A_461] in [0] : vector<16xi32>, vector<16xi32> -> vector<16xi32>
      %min3A_463 = arith.minsi %min3A_460, %gather3A_462 : vector<16xi32>
      %eq3A_464 = arith.constant 5 : i32
      %eq3A_465 = vector.broadcast %eq3A_464 : i32 to vector<16xi32>
      %eq3A_466 = arith.cmpi eq, %iota3A, %eq3A_465 : vector<16xi32>
      %select_n3A_467 = arith.select %eq3A_466, %min3A_449, %select_n3A_418 : vector<16xi1>, vector<16xf32>
      %select_n3A_468 = arith.select %eq3A_466, %min3A_463, %select_n3A_419 : vector<16xi1>, vector<16xi32>
      %slice3A_469 = vector.extract_strided_slice %get3A_167 {offsets = [6], sizes = [1], strides = [1]} : vector<16xf32> to vector<1xf32>
      %squeeze3A_470 = vector.extract %slice3A_469[0] : f32 from vector<1xf32>
      %broadcast_in_dim3A_471 = vector.broadcast %squeeze3A_470 : f32 to vector<16xf32>
      %slice3A_472 = vector.extract_strided_slice %get3A_170 {offsets = [6], sizes = [1], strides = [1]} : vector<16xf32> to vector<1xf32>
      %squeeze3A_473 = vector.extract %slice3A_472[0] : f32 from vector<1xf32>
      %broadcast_in_dim3A_474 = vector.broadcast %squeeze3A_473 : f32 to vector<16xf32>
      %slice3A_475 = vector.extract_strided_slice %get3A_173 {offsets = [6], sizes = [1], strides = [1]} : vector<16xf32> to vector<1xf32>
      %squeeze3A_476 = vector.extract %slice3A_475[0] : f32 from vector<1xf32>
      %broadcast_in_dim3A_477 = vector.broadcast %squeeze3A_476 : f32 to vector<16xf32>
      %slice3A_478 = vector.extract_strided_slice %get3A_176 {offsets = [6], sizes = [1], strides = [1]} : vector<16xf32> to vector<1xf32>
      %squeeze3A_479 = vector.extract %slice3A_478[0] : f32 from vector<1xf32>
      %broadcast_in_dim3A_480 = vector.broadcast %squeeze3A_479 : f32 to vector<16xf32>
      %scan3A_481 = arith.constant 0 : i32
      %scan3A_482 = arith.constant 256 : i32
      %scan3A_483 = arith.addi %scan3A_481, %scan3A_482 : i32
      %scan3A_484 = arith.constant 1 : i32
      %scan3A_485:3 = scf.for %scan3A_967 = %scan3A_481 to %scan3A_483 step %scan3A_484 iter_args(%scan3A_968 = %broadcast_in_dim3A_38, %scan3A_969 = %broadcast_in_dim3A_48, %scan3A_970 = %iota3A) -> (vector<16xf32>, vector<16xi32>, vector<16xi32>)  : i32 {
        %mul3A_971 = arith.constant 16 : i32
        %mul3A_972 = arith.muli %scan3A_967, %mul3A_971 : i32
        %get3A_973 = arith.index_cast %mul3A_972 : i32 to index
        %get3A_974 = tpu.vector_load %arg13[%get3A_973] {strides = array<i32>} : memref<4096xf32, #tpu.memory_space<vmem>>, vector<16xf32>,
        %get3A_975 = vector.shape_cast %get3A_974 : vector<16xf32> to vector<16xf32>
        %get3A_976 = arith.index_cast %mul3A_972 : i32 to index
        %get3A_977 = tpu.vector_load %arg14[%get3A_976] {strides = array<i32>} : memref<4096xf32, #tpu.memory_space<vmem>>, vector<16xf32>,
        %get3A_978 = vector.shape_cast %get3A_977 : vector<16xf32> to vector<16xf32>
        %get3A_979 = arith.index_cast %mul3A_972 : i32 to index
        %get3A_980 = tpu.vector_load %arg15[%get3A_979] {strides = array<i32>} : memref<4096xf32, #tpu.memory_space<vmem>>, vector<16xf32>,
        %get3A_981 = vector.shape_cast %get3A_980 : vector<16xf32> to vector<16xf32>
        %get3A_982 = arith.index_cast %mul3A_972 : i32 to index
        %get3A_983 = tpu.vector_load %arg16[%get3A_982] {strides = array<i32>} : memref<4096xf32, #tpu.memory_space<vmem>>, vector<16xf32>,
        %get3A_984 = vector.shape_cast %get3A_983 : vector<16xf32> to vector<16xf32>
        %mul3A_985 = arith.mulf %broadcast_in_dim3A_471, %get3A_975 : vector<16xf32>
        %mul3A_986 = arith.mulf %broadcast_in_dim3A_474, %get3A_978 : vector<16xf32>
        %add3A_987 = arith.addf %mul3A_985, %mul3A_986 : vector<16xf32>
        %mul3A_988 = arith.mulf %broadcast_in_dim3A_477, %get3A_981 : vector<16xf32>
        %add3A_989 = arith.addf %add3A_987, %mul3A_988 : vector<16xf32>
        %add3A_990 = arith.addf %broadcast_in_dim3A_480, %get3A_984 : vector<16xf32>
        %add3A_991 = arith.addf %add3A_990, %add3A_989 : vector<16xf32>
        %max3A = arith.constant 0.000000e+00 : f32
        %max3A_992 = vector.broadcast %max3A : f32 to vector<16xf32>
        %max3A_993 = arith.maximumf %add3A_991, %max3A_992 : vector<16xf32>
        %lt3A_994 = arith.cmpf olt, %max3A_993, %scan3A_968 : vector<16xf32>
        %select_n3A_995 = arith.select %lt3A_994, %max3A_993, %scan3A_968 : vector<16xi1>, vector<16xf32>
        %select_n3A_996 = arith.select %lt3A_994, %scan3A_970, %scan3A_969 : vector<16xi1>, vector<16xi32>
        %get3A_997 = arith.index_cast %mul3A_972 : i32 to index
        %get3A_998 = tpu.vector_load %arg23[%get3A_997] {strides = array<i32>} : memref<4096xf32, #tpu.memory_space<vmem>>, vector<16xf32>,
        %get3A_999 = vector.shape_cast %get3A_998 : vector<16xf32> to vector<16xf32>
        %min3A_1000 = arith.minimumf %get3A_999, %max3A_993 : vector<16xf32>
        %swap3A_1001 = arith.index_cast %mul3A_972 : i32 to index
        %swap3A_1002 = tpu.vector_load %arg23[%swap3A_1001] {strides = array<i32>} : memref<4096xf32, #tpu.memory_space<vmem>>, vector<16xf32>,
        %swap3A_1003 = vector.shape_cast %swap3A_1002 : vector<16xf32> to vector<16xf32>
        %swap3A_1004 = vector.shape_cast %min3A_1000 : vector<16xf32> to vector<16xf32>
        tpu.vector_store %arg23[%swap3A_1001], %swap3A_1004 {strides = array<i32>} : memref<4096xf32, #tpu.memory_space<vmem>>, vector<16xf32>,
        %add3A_1005 = arith.constant 16 : i32
        %add3A_1006 = vector.broadcast %add3A_1005 : i32 to vector<16xi32>
        %add3A_1007 = arith.addi %scan3A_970, %add3A_1006 : vector<16xi32>
        scf.yield %select_n3A_995, %select_n3A_996, %add3A_1007 : vector<16xf32>, vector<16xi32>, vector<16xi32>
      }
      %scan3A_486 = arith.constant 256 : i32
      %gather3A_487 = vector.shape_cast %broadcast_in_dim3A_74 : vector<16x1xi32> to vector<16xi32>
      %gather3A_488 = tpu.dynamic_gather %scan3A_485#0[%gather3A_487] in [0] : vector<16xf32>, vector<16xi32> -> vector<16xf32>
      %min3A_489 = arith.minimumf %scan3A_485#0, %gather3A_488 : vector<16xf32>
      %gather3A_490 = vector.shape_cast %broadcast_in_dim3A_100 : vector<16x1xi32> to vector<16xi32>
      %gather3A_491 = tpu.dynamic_gather %min3A_489[%gather3A_490] in [0] : vector<16xf32>, vector<16xi32> -> vector<16xf32>
      %min3A_492 = arith.minimumf %min3A_489, %gather3A_491 : vector<16xf32>
      %gather3A_493 = vector.shape_cast %broadcast_in_dim3A_126 : vector<16x1xi32> to vector<16xi32>
      %gather3A_494 = tpu.dynamic_gather %min3A_492[%gather3A_493] in [0] : vector<16xf32>, vector<16xi32> -> vector<16xf32>
      %min3A_495 = arith.minimumf %min3A_492, %gather3A_494 : vector<16xf32>
      %gather3A_496 = vector.shape_cast %broadcast_in_dim3A_152 : vector<16x1xi32> to vector<16xi32>
      %gather3A_497 = tpu.dynamic_gather %min3A_495[%gather3A_496] in [0] : vector<16xf32>, vector<16xi32> -> vector<16xf32>
      %min3A_498 = arith.minimumf %min3A_495, %gather3A_497 : vector<16xf32>
      %eq3A_499 = arith.cmpf oeq, %scan3A_485#0, %min3A_498 : vector<16xf32>
      %select_n3A_500 = arith.select %eq3A_499, %scan3A_485#1, %broadcast_in_dim3A_46 : vector<16xi1>, vector<16xi32>
      %gather3A_501 = vector.shape_cast %broadcast_in_dim3A_74 : vector<16x1xi32> to vector<16xi32>
      %gather3A_502 = tpu.dynamic_gather %select_n3A_500[%gather3A_501] in [0] : vector<16xi32>, vector<16xi32> -> vector<16xi32>
      %min3A_503 = arith.minsi %select_n3A_500, %gather3A_502 : vector<16xi32>
      %gather3A_504 = vector.shape_cast %broadcast_in_dim3A_100 : vector<16x1xi32> to vector<16xi32>
      %gather3A_505 = tpu.dynamic_gather %min3A_503[%gather3A_504] in [0] : vector<16xi32>, vector<16xi32> -> vector<16xi32>
      %min3A_506 = arith.minsi %min3A_503, %gather3A_505 : vector<16xi32>
      %gather3A_507 = vector.shape_cast %broadcast_in_dim3A_126 : vector<16x1xi32> to vector<16xi32>
      %gather3A_508 = tpu.dynamic_gather %min3A_506[%gather3A_507] in [0] : vector<16xi32>, vector<16xi32> -> vector<16xi32>
      %min3A_509 = arith.minsi %min3A_506, %gather3A_508 : vector<16xi32>
      %gather3A_510 = vector.shape_cast %broadcast_in_dim3A_152 : vector<16x1xi32> to vector<16xi32>
      %gather3A_511 = tpu.dynamic_gather %min3A_509[%gather3A_510] in [0] : vector<16xi32>, vector<16xi32> -> vector<16xi32>
      %min3A_512 = arith.minsi %min3A_509, %gather3A_511 : vector<16xi32>
      %eq3A_513 = arith.constant 6 : i32
      %eq3A_514 = vector.broadcast %eq3A_513 : i32 to vector<16xi32>
      %eq3A_515 = arith.cmpi eq, %iota3A, %eq3A_514 : vector<16xi32>
      %select_n3A_516 = arith.select %eq3A_515, %min3A_498, %select_n3A_467 : vector<16xi1>, vector<16xf32>
      %select_n3A_517 = arith.select %eq3A_515, %min3A_512, %select_n3A_468 : vector<16xi1>, vector<16xi32>
      %slice3A_518 = vector.extract_strided_slice %get3A_167 {offsets = [7], sizes = [1], strides = [1]} : vector<16xf32> to vector<1xf32>
      %squeeze3A_519 = vector.extract %slice3A_518[0] : f32 from vector<1xf32>
      %broadcast_in_dim3A_520 = vector.broadcast %squeeze3A_519 : f32 to vector<16xf32>
      %slice3A_521 = vector.extract_strided_slice %get3A_170 {offsets = [7], sizes = [1], strides = [1]} : vector<16xf32> to vector<1xf32>
      %squeeze3A_522 = vector.extract %slice3A_521[0] : f32 from vector<1xf32>
      %broadcast_in_dim3A_523 = vector.broadcast %squeeze3A_522 : f32 to vector<16xf32>
      %slice3A_524 = vector.extract_strided_slice %get3A_173 {offsets = [7], sizes = [1], strides = [1]} : vector<16xf32> to vector<1xf32>
      %squeeze3A_525 = vector.extract %slice3A_524[0] : f32 from vector<1xf32>
      %broadcast_in_dim3A_526 = vector.broadcast %squeeze3A_525 : f32 to vector<16xf32>
      %slice3A_527 = vector.extract_strided_slice %get3A_176 {offsets = [7], sizes = [1], strides = [1]} : vector<16xf32> to vector<1xf32>
      %squeeze3A_528 = vector.extract %slice3A_527[0] : f32 from vector<1xf32>
      %broadcast_in_dim3A_529 = vector.broadcast %squeeze3A_528 : f32 to vector<16xf32>
      %scan3A_530 = arith.constant 0 : i32
      %scan3A_531 = arith.constant 256 : i32
      %scan3A_532 = arith.addi %scan3A_530, %scan3A_531 : i32
      %scan3A_533 = arith.constant 1 : i32
      %scan3A_534:3 = scf.for %scan3A_967 = %scan3A_530 to %scan3A_532 step %scan3A_533 iter_args(%scan3A_968 = %broadcast_in_dim3A_38, %scan3A_969 = %broadcast_in_dim3A_48, %scan3A_970 = %iota3A) -> (vector<16xf32>, vector<16xi32>, vector<16xi32>)  : i32 {
        %mul3A_971 = arith.constant 16 : i32
        %mul3A_972 = arith.muli %scan3A_967, %mul3A_971 : i32
        %get3A_973 = arith.index_cast %mul3A_972 : i32 to index
        %get3A_974 = tpu.vector_load %arg13[%get3A_973] {strides = array<i32>} : memref<4096xf32, #tpu.memory_space<vmem>>, vector<16xf32>,
        %get3A_975 = vector.shape_cast %get3A_974 : vector<16xf32> to vector<16xf32>
        %get3A_976 = arith.index_cast %mul3A_972 : i32 to index
        %get3A_977 = tpu.vector_load %arg14[%get3A_976] {strides = array<i32>} : memref<4096xf32, #tpu.memory_space<vmem>>, vector<16xf32>,
        %get3A_978 = vector.shape_cast %get3A_977 : vector<16xf32> to vector<16xf32>
        %get3A_979 = arith.index_cast %mul3A_972 : i32 to index
        %get3A_980 = tpu.vector_load %arg15[%get3A_979] {strides = array<i32>} : memref<4096xf32, #tpu.memory_space<vmem>>, vector<16xf32>,
        %get3A_981 = vector.shape_cast %get3A_980 : vector<16xf32> to vector<16xf32>
        %get3A_982 = arith.index_cast %mul3A_972 : i32 to index
        %get3A_983 = tpu.vector_load %arg16[%get3A_982] {strides = array<i32>} : memref<4096xf32, #tpu.memory_space<vmem>>, vector<16xf32>,
        %get3A_984 = vector.shape_cast %get3A_983 : vector<16xf32> to vector<16xf32>
        %mul3A_985 = arith.mulf %broadcast_in_dim3A_520, %get3A_975 : vector<16xf32>
        %mul3A_986 = arith.mulf %broadcast_in_dim3A_523, %get3A_978 : vector<16xf32>
        %add3A_987 = arith.addf %mul3A_985, %mul3A_986 : vector<16xf32>
        %mul3A_988 = arith.mulf %broadcast_in_dim3A_526, %get3A_981 : vector<16xf32>
        %add3A_989 = arith.addf %add3A_987, %mul3A_988 : vector<16xf32>
        %add3A_990 = arith.addf %broadcast_in_dim3A_529, %get3A_984 : vector<16xf32>
        %add3A_991 = arith.addf %add3A_990, %add3A_989 : vector<16xf32>
        %max3A = arith.constant 0.000000e+00 : f32
        %max3A_992 = vector.broadcast %max3A : f32 to vector<16xf32>
        %max3A_993 = arith.maximumf %add3A_991, %max3A_992 : vector<16xf32>
        %lt3A_994 = arith.cmpf olt, %max3A_993, %scan3A_968 : vector<16xf32>
        %select_n3A_995 = arith.select %lt3A_994, %max3A_993, %scan3A_968 : vector<16xi1>, vector<16xf32>
        %select_n3A_996 = arith.select %lt3A_994, %scan3A_970, %scan3A_969 : vector<16xi1>, vector<16xi32>
        %get3A_997 = arith.index_cast %mul3A_972 : i32 to index
        %get3A_998 = tpu.vector_load %arg23[%get3A_997] {strides = array<i32>} : memref<4096xf32, #tpu.memory_space<vmem>>, vector<16xf32>,
        %get3A_999 = vector.shape_cast %get3A_998 : vector<16xf32> to vector<16xf32>
        %min3A_1000 = arith.minimumf %get3A_999, %max3A_993 : vector<16xf32>
        %swap3A_1001 = arith.index_cast %mul3A_972 : i32 to index
        %swap3A_1002 = tpu.vector_load %arg23[%swap3A_1001] {strides = array<i32>} : memref<4096xf32, #tpu.memory_space<vmem>>, vector<16xf32>,
        %swap3A_1003 = vector.shape_cast %swap3A_1002 : vector<16xf32> to vector<16xf32>
        %swap3A_1004 = vector.shape_cast %min3A_1000 : vector<16xf32> to vector<16xf32>
        tpu.vector_store %arg23[%swap3A_1001], %swap3A_1004 {strides = array<i32>} : memref<4096xf32, #tpu.memory_space<vmem>>, vector<16xf32>,
        %add3A_1005 = arith.constant 16 : i32
        %add3A_1006 = vector.broadcast %add3A_1005 : i32 to vector<16xi32>
        %add3A_1007 = arith.addi %scan3A_970, %add3A_1006 : vector<16xi32>
        scf.yield %select_n3A_995, %select_n3A_996, %add3A_1007 : vector<16xf32>, vector<16xi32>, vector<16xi32>
      }
      %scan3A_535 = arith.constant 256 : i32
      %gather3A_536 = vector.shape_cast %broadcast_in_dim3A_74 : vector<16x1xi32> to vector<16xi32>
      %gather3A_537 = tpu.dynamic_gather %scan3A_534#0[%gather3A_536] in [0] : vector<16xf32>, vector<16xi32> -> vector<16xf32>
      %min3A_538 = arith.minimumf %scan3A_534#0, %gather3A_537 : vector<16xf32>
      %gather3A_539 = vector.shape_cast %broadcast_in_dim3A_100 : vector<16x1xi32> to vector<16xi32>
      %gather3A_540 = tpu.dynamic_gather %min3A_538[%gather3A_539] in [0] : vector<16xf32>, vector<16xi32> -> vector<16xf32>
      %min3A_541 = arith.minimumf %min3A_538, %gather3A_540 : vector<16xf32>
      %gather3A_542 = vector.shape_cast %broadcast_in_dim3A_126 : vector<16x1xi32> to vector<16xi32>
      %gather3A_543 = tpu.dynamic_gather %min3A_541[%gather3A_542] in [0] : vector<16xf32>, vector<16xi32> -> vector<16xf32>
      %min3A_544 = arith.minimumf %min3A_541, %gather3A_543 : vector<16xf32>
      %gather3A_545 = vector.shape_cast %broadcast_in_dim3A_152 : vector<16x1xi32> to vector<16xi32>
      %gather3A_546 = tpu.dynamic_gather %min3A_544[%gather3A_545] in [0] : vector<16xf32>, vector<16xi32> -> vector<16xf32>
      %min3A_547 = arith.minimumf %min3A_544, %gather3A_546 : vector<16xf32>
      %eq3A_548 = arith.cmpf oeq, %scan3A_534#0, %min3A_547 : vector<16xf32>
      %select_n3A_549 = arith.select %eq3A_548, %scan3A_534#1, %broadcast_in_dim3A_46 : vector<16xi1>, vector<16xi32>
      %gather3A_550 = vector.shape_cast %broadcast_in_dim3A_74 : vector<16x1xi32> to vector<16xi32>
      %gather3A_551 = tpu.dynamic_gather %select_n3A_549[%gather3A_550] in [0] : vector<16xi32>, vector<16xi32> -> vector<16xi32>
      %min3A_552 = arith.minsi %select_n3A_549, %gather3A_551 : vector<16xi32>
      %gather3A_553 = vector.shape_cast %broadcast_in_dim3A_100 : vector<16x1xi32> to vector<16xi32>
      %gather3A_554 = tpu.dynamic_gather %min3A_552[%gather3A_553] in [0] : vector<16xi32>, vector<16xi32> -> vector<16xi32>
      %min3A_555 = arith.minsi %min3A_552, %gather3A_554 : vector<16xi32>
      %gather3A_556 = vector.shape_cast %broadcast_in_dim3A_126 : vector<16x1xi32> to vector<16xi32>
      %gather3A_557 = tpu.dynamic_gather %min3A_555[%gather3A_556] in [0] : vector<16xi32>, vector<16xi32> -> vector<16xi32>
      %min3A_558 = arith.minsi %min3A_555, %gather3A_557 : vector<16xi32>
      %gather3A_559 = vector.shape_cast %broadcast_in_dim3A_152 : vector<16x1xi32> to vector<16xi32>
      %gather3A_560 = tpu.dynamic_gather %min3A_558[%gather3A_559] in [0] : vector<16xi32>, vector<16xi32> -> vector<16xi32>
      %min3A_561 = arith.minsi %min3A_558, %gather3A_560 : vector<16xi32>
      %eq3A_562 = arith.constant 7 : i32
      %eq3A_563 = vector.broadcast %eq3A_562 : i32 to vector<16xi32>
      %eq3A_564 = arith.cmpi eq, %iota3A, %eq3A_563 : vector<16xi32>
      %select_n3A_565 = arith.select %eq3A_564, %min3A_547, %select_n3A_516 : vector<16xi1>, vector<16xf32>
      %select_n3A_566 = arith.select %eq3A_564, %min3A_561, %select_n3A_517 : vector<16xi1>, vector<16xi32>
      %slice3A_567 = vector.extract_strided_slice %get3A_167 {offsets = [8], sizes = [1], strides = [1]} : vector<16xf32> to vector<1xf32>
      %squeeze3A_568 = vector.extract %slice3A_567[0] : f32 from vector<1xf32>
      %broadcast_in_dim3A_569 = vector.broadcast %squeeze3A_568 : f32 to vector<16xf32>
      %slice3A_570 = vector.extract_strided_slice %get3A_170 {offsets = [8], sizes = [1], strides = [1]} : vector<16xf32> to vector<1xf32>
      %squeeze3A_571 = vector.extract %slice3A_570[0] : f32 from vector<1xf32>
      %broadcast_in_dim3A_572 = vector.broadcast %squeeze3A_571 : f32 to vector<16xf32>
      %slice3A_573 = vector.extract_strided_slice %get3A_173 {offsets = [8], sizes = [1], strides = [1]} : vector<16xf32> to vector<1xf32>
      %squeeze3A_574 = vector.extract %slice3A_573[0] : f32 from vector<1xf32>
      %broadcast_in_dim3A_575 = vector.broadcast %squeeze3A_574 : f32 to vector<16xf32>
      %slice3A_576 = vector.extract_strided_slice %get3A_176 {offsets = [8], sizes = [1], strides = [1]} : vector<16xf32> to vector<1xf32>
      %squeeze3A_577 = vector.extract %slice3A_576[0] : f32 from vector<1xf32>
      %broadcast_in_dim3A_578 = vector.broadcast %squeeze3A_577 : f32 to vector<16xf32>
      %scan3A_579 = arith.constant 0 : i32
      %scan3A_580 = arith.constant 256 : i32
      %scan3A_581 = arith.addi %scan3A_579, %scan3A_580 : i32
      %scan3A_582 = arith.constant 1 : i32
      %scan3A_583:3 = scf.for %scan3A_967 = %scan3A_579 to %scan3A_581 step %scan3A_582 iter_args(%scan3A_968 = %broadcast_in_dim3A_38, %scan3A_969 = %broadcast_in_dim3A_48, %scan3A_970 = %iota3A) -> (vector<16xf32>, vector<16xi32>, vector<16xi32>)  : i32 {
        %mul3A_971 = arith.constant 16 : i32
        %mul3A_972 = arith.muli %scan3A_967, %mul3A_971 : i32
        %get3A_973 = arith.index_cast %mul3A_972 : i32 to index
        %get3A_974 = tpu.vector_load %arg13[%get3A_973] {strides = array<i32>} : memref<4096xf32, #tpu.memory_space<vmem>>, vector<16xf32>,
        %get3A_975 = vector.shape_cast %get3A_974 : vector<16xf32> to vector<16xf32>
        %get3A_976 = arith.index_cast %mul3A_972 : i32 to index
        %get3A_977 = tpu.vector_load %arg14[%get3A_976] {strides = array<i32>} : memref<4096xf32, #tpu.memory_space<vmem>>, vector<16xf32>,
        %get3A_978 = vector.shape_cast %get3A_977 : vector<16xf32> to vector<16xf32>
        %get3A_979 = arith.index_cast %mul3A_972 : i32 to index
        %get3A_980 = tpu.vector_load %arg15[%get3A_979] {strides = array<i32>} : memref<4096xf32, #tpu.memory_space<vmem>>, vector<16xf32>,
        %get3A_981 = vector.shape_cast %get3A_980 : vector<16xf32> to vector<16xf32>
        %get3A_982 = arith.index_cast %mul3A_972 : i32 to index
        %get3A_983 = tpu.vector_load %arg16[%get3A_982] {strides = array<i32>} : memref<4096xf32, #tpu.memory_space<vmem>>, vector<16xf32>,
        %get3A_984 = vector.shape_cast %get3A_983 : vector<16xf32> to vector<16xf32>
        %mul3A_985 = arith.mulf %broadcast_in_dim3A_569, %get3A_975 : vector<16xf32>
        %mul3A_986 = arith.mulf %broadcast_in_dim3A_572, %get3A_978 : vector<16xf32>
        %add3A_987 = arith.addf %mul3A_985, %mul3A_986 : vector<16xf32>
        %mul3A_988 = arith.mulf %broadcast_in_dim3A_575, %get3A_981 : vector<16xf32>
        %add3A_989 = arith.addf %add3A_987, %mul3A_988 : vector<16xf32>
        %add3A_990 = arith.addf %broadcast_in_dim3A_578, %get3A_984 : vector<16xf32>
        %add3A_991 = arith.addf %add3A_990, %add3A_989 : vector<16xf32>
        %max3A = arith.constant 0.000000e+00 : f32
        %max3A_992 = vector.broadcast %max3A : f32 to vector<16xf32>
        %max3A_993 = arith.maximumf %add3A_991, %max3A_992 : vector<16xf32>
        %lt3A_994 = arith.cmpf olt, %max3A_993, %scan3A_968 : vector<16xf32>
        %select_n3A_995 = arith.select %lt3A_994, %max3A_993, %scan3A_968 : vector<16xi1>, vector<16xf32>
        %select_n3A_996 = arith.select %lt3A_994, %scan3A_970, %scan3A_969 : vector<16xi1>, vector<16xi32>
        %get3A_997 = arith.index_cast %mul3A_972 : i32 to index
        %get3A_998 = tpu.vector_load %arg23[%get3A_997] {strides = array<i32>} : memref<4096xf32, #tpu.memory_space<vmem>>, vector<16xf32>,
        %get3A_999 = vector.shape_cast %get3A_998 : vector<16xf32> to vector<16xf32>
        %min3A_1000 = arith.minimumf %get3A_999, %max3A_993 : vector<16xf32>
        %swap3A_1001 = arith.index_cast %mul3A_972 : i32 to index
        %swap3A_1002 = tpu.vector_load %arg23[%swap3A_1001] {strides = array<i32>} : memref<4096xf32, #tpu.memory_space<vmem>>, vector<16xf32>,
        %swap3A_1003 = vector.shape_cast %swap3A_1002 : vector<16xf32> to vector<16xf32>
        %swap3A_1004 = vector.shape_cast %min3A_1000 : vector<16xf32> to vector<16xf32>
        tpu.vector_store %arg23[%swap3A_1001], %swap3A_1004 {strides = array<i32>} : memref<4096xf32, #tpu.memory_space<vmem>>, vector<16xf32>,
        %add3A_1005 = arith.constant 16 : i32
        %add3A_1006 = vector.broadcast %add3A_1005 : i32 to vector<16xi32>
        %add3A_1007 = arith.addi %scan3A_970, %add3A_1006 : vector<16xi32>
        scf.yield %select_n3A_995, %select_n3A_996, %add3A_1007 : vector<16xf32>, vector<16xi32>, vector<16xi32>
      }
      %scan3A_584 = arith.constant 256 : i32
      %gather3A_585 = vector.shape_cast %broadcast_in_dim3A_74 : vector<16x1xi32> to vector<16xi32>
      %gather3A_586 = tpu.dynamic_gather %scan3A_583#0[%gather3A_585] in [0] : vector<16xf32>, vector<16xi32> -> vector<16xf32>
      %min3A_587 = arith.minimumf %scan3A_583#0, %gather3A_586 : vector<16xf32>
      %gather3A_588 = vector.shape_cast %broadcast_in_dim3A_100 : vector<16x1xi32> to vector<16xi32>
      %gather3A_589 = tpu.dynamic_gather %min3A_587[%gather3A_588] in [0] : vector<16xf32>, vector<16xi32> -> vector<16xf32>
      %min3A_590 = arith.minimumf %min3A_587, %gather3A_589 : vector<16xf32>
      %gather3A_591 = vector.shape_cast %broadcast_in_dim3A_126 : vector<16x1xi32> to vector<16xi32>
      %gather3A_592 = tpu.dynamic_gather %min3A_590[%gather3A_591] in [0] : vector<16xf32>, vector<16xi32> -> vector<16xf32>
      %min3A_593 = arith.minimumf %min3A_590, %gather3A_592 : vector<16xf32>
      %gather3A_594 = vector.shape_cast %broadcast_in_dim3A_152 : vector<16x1xi32> to vector<16xi32>
      %gather3A_595 = tpu.dynamic_gather %min3A_593[%gather3A_594] in [0] : vector<16xf32>, vector<16xi32> -> vector<16xf32>
      %min3A_596 = arith.minimumf %min3A_593, %gather3A_595 : vector<16xf32>
      %eq3A_597 = arith.cmpf oeq, %scan3A_583#0, %min3A_596 : vector<16xf32>
      %select_n3A_598 = arith.select %eq3A_597, %scan3A_583#1, %broadcast_in_dim3A_46 : vector<16xi1>, vector<16xi32>
      %gather3A_599 = vector.shape_cast %broadcast_in_dim3A_74 : vector<16x1xi32> to vector<16xi32>
      %gather3A_600 = tpu.dynamic_gather %select_n3A_598[%gather3A_599] in [0] : vector<16xi32>, vector<16xi32> -> vector<16xi32>
      %min3A_601 = arith.minsi %select_n3A_598, %gather3A_600 : vector<16xi32>
      %gather3A_602 = vector.shape_cast %broadcast_in_dim3A_100 : vector<16x1xi32> to vector<16xi32>
      %gather3A_603 = tpu.dynamic_gather %min3A_601[%gather3A_602] in [0] : vector<16xi32>, vector<16xi32> -> vector<16xi32>
      %min3A_604 = arith.minsi %min3A_601, %gather3A_603 : vector<16xi32>
      %gather3A_605 = vector.shape_cast %broadcast_in_dim3A_126 : vector<16x1xi32> to vector<16xi32>
      %gather3A_606 = tpu.dynamic_gather %min3A_604[%gather3A_605] in [0] : vector<16xi32>, vector<16xi32> -> vector<16xi32>
      %min3A_607 = arith.minsi %min3A_604, %gather3A_606 : vector<16xi32>
      %gather3A_608 = vector.shape_cast %broadcast_in_dim3A_152 : vector<16x1xi32> to vector<16xi32>
      %gather3A_609 = tpu.dynamic_gather %min3A_607[%gather3A_608] in [0] : vector<16xi32>, vector<16xi32> -> vector<16xi32>
      %min3A_610 = arith.minsi %min3A_607, %gather3A_609 : vector<16xi32>
      %eq3A_611 = arith.constant 8 : i32
      %eq3A_612 = vector.broadcast %eq3A_611 : i32 to vector<16xi32>
      %eq3A_613 = arith.cmpi eq, %iota3A, %eq3A_612 : vector<16xi32>
      %select_n3A_614 = arith.select %eq3A_613, %min3A_596, %select_n3A_565 : vector<16xi1>, vector<16xf32>
      %select_n3A_615 = arith.select %eq3A_613, %min3A_610, %select_n3A_566 : vector<16xi1>, vector<16xi32>
      %slice3A_616 = vector.extract_strided_slice %get3A_167 {offsets = [9], sizes = [1], strides = [1]} : vector<16xf32> to vector<1xf32>
      %squeeze3A_617 = vector.extract %slice3A_616[0] : f32 from vector<1xf32>
      %broadcast_in_dim3A_618 = vector.broadcast %squeeze3A_617 : f32 to vector<16xf32>
      %slice3A_619 = vector.extract_strided_slice %get3A_170 {offsets = [9], sizes = [1], strides = [1]} : vector<16xf32> to vector<1xf32>
      %squeeze3A_620 = vector.extract %slice3A_619[0] : f32 from vector<1xf32>
      %broadcast_in_dim3A_621 = vector.broadcast %squeeze3A_620 : f32 to vector<16xf32>
      %slice3A_622 = vector.extract_strided_slice %get3A_173 {offsets = [9], sizes = [1], strides = [1]} : vector<16xf32> to vector<1xf32>
      %squeeze3A_623 = vector.extract %slice3A_622[0] : f32 from vector<1xf32>
      %broadcast_in_dim3A_624 = vector.broadcast %squeeze3A_623 : f32 to vector<16xf32>
      %slice3A_625 = vector.extract_strided_slice %get3A_176 {offsets = [9], sizes = [1], strides = [1]} : vector<16xf32> to vector<1xf32>
      %squeeze3A_626 = vector.extract %slice3A_625[0] : f32 from vector<1xf32>
      %broadcast_in_dim3A_627 = vector.broadcast %squeeze3A_626 : f32 to vector<16xf32>
      %scan3A_628 = arith.constant 0 : i32
      %scan3A_629 = arith.constant 256 : i32
      %scan3A_630 = arith.addi %scan3A_628, %scan3A_629 : i32
      %scan3A_631 = arith.constant 1 : i32
      %scan3A_632:3 = scf.for %scan3A_967 = %scan3A_628 to %scan3A_630 step %scan3A_631 iter_args(%scan3A_968 = %broadcast_in_dim3A_38, %scan3A_969 = %broadcast_in_dim3A_48, %scan3A_970 = %iota3A) -> (vector<16xf32>, vector<16xi32>, vector<16xi32>)  : i32 {
        %mul3A_971 = arith.constant 16 : i32
        %mul3A_972 = arith.muli %scan3A_967, %mul3A_971 : i32
        %get3A_973 = arith.index_cast %mul3A_972 : i32 to index
        %get3A_974 = tpu.vector_load %arg13[%get3A_973] {strides = array<i32>} : memref<4096xf32, #tpu.memory_space<vmem>>, vector<16xf32>,
        %get3A_975 = vector.shape_cast %get3A_974 : vector<16xf32> to vector<16xf32>
        %get3A_976 = arith.index_cast %mul3A_972 : i32 to index
        %get3A_977 = tpu.vector_load %arg14[%get3A_976] {strides = array<i32>} : memref<4096xf32, #tpu.memory_space<vmem>>, vector<16xf32>,
        %get3A_978 = vector.shape_cast %get3A_977 : vector<16xf32> to vector<16xf32>
        %get3A_979 = arith.index_cast %mul3A_972 : i32 to index
        %get3A_980 = tpu.vector_load %arg15[%get3A_979] {strides = array<i32>} : memref<4096xf32, #tpu.memory_space<vmem>>, vector<16xf32>,
        %get3A_981 = vector.shape_cast %get3A_980 : vector<16xf32> to vector<16xf32>
        %get3A_982 = arith.index_cast %mul3A_972 : i32 to index
        %get3A_983 = tpu.vector_load %arg16[%get3A_982] {strides = array<i32>} : memref<4096xf32, #tpu.memory_space<vmem>>, vector<16xf32>,
        %get3A_984 = vector.shape_cast %get3A_983 : vector<16xf32> to vector<16xf32>
        %mul3A_985 = arith.mulf %broadcast_in_dim3A_618, %get3A_975 : vector<16xf32>
        %mul3A_986 = arith.mulf %broadcast_in_dim3A_621, %get3A_978 : vector<16xf32>
        %add3A_987 = arith.addf %mul3A_985, %mul3A_986 : vector<16xf32>
        %mul3A_988 = arith.mulf %broadcast_in_dim3A_624, %get3A_981 : vector<16xf32>
        %add3A_989 = arith.addf %add3A_987, %mul3A_988 : vector<16xf32>
        %add3A_990 = arith.addf %broadcast_in_dim3A_627, %get3A_984 : vector<16xf32>
        %add3A_991 = arith.addf %add3A_990, %add3A_989 : vector<16xf32>
        %max3A = arith.constant 0.000000e+00 : f32
        %max3A_992 = vector.broadcast %max3A : f32 to vector<16xf32>
        %max3A_993 = arith.maximumf %add3A_991, %max3A_992 : vector<16xf32>
        %lt3A_994 = arith.cmpf olt, %max3A_993, %scan3A_968 : vector<16xf32>
        %select_n3A_995 = arith.select %lt3A_994, %max3A_993, %scan3A_968 : vector<16xi1>, vector<16xf32>
        %select_n3A_996 = arith.select %lt3A_994, %scan3A_970, %scan3A_969 : vector<16xi1>, vector<16xi32>
        %get3A_997 = arith.index_cast %mul3A_972 : i32 to index
        %get3A_998 = tpu.vector_load %arg23[%get3A_997] {strides = array<i32>} : memref<4096xf32, #tpu.memory_space<vmem>>, vector<16xf32>,
        %get3A_999 = vector.shape_cast %get3A_998 : vector<16xf32> to vector<16xf32>
        %min3A_1000 = arith.minimumf %get3A_999, %max3A_993 : vector<16xf32>
        %swap3A_1001 = arith.index_cast %mul3A_972 : i32 to index
        %swap3A_1002 = tpu.vector_load %arg23[%swap3A_1001] {strides = array<i32>} : memref<4096xf32, #tpu.memory_space<vmem>>, vector<16xf32>,
        %swap3A_1003 = vector.shape_cast %swap3A_1002 : vector<16xf32> to vector<16xf32>
        %swap3A_1004 = vector.shape_cast %min3A_1000 : vector<16xf32> to vector<16xf32>
        tpu.vector_store %arg23[%swap3A_1001], %swap3A_1004 {strides = array<i32>} : memref<4096xf32, #tpu.memory_space<vmem>>, vector<16xf32>,
        %add3A_1005 = arith.constant 16 : i32
        %add3A_1006 = vector.broadcast %add3A_1005 : i32 to vector<16xi32>
        %add3A_1007 = arith.addi %scan3A_970, %add3A_1006 : vector<16xi32>
        scf.yield %select_n3A_995, %select_n3A_996, %add3A_1007 : vector<16xf32>, vector<16xi32>, vector<16xi32>
      }
      %scan3A_633 = arith.constant 256 : i32
      %gather3A_634 = vector.shape_cast %broadcast_in_dim3A_74 : vector<16x1xi32> to vector<16xi32>
      %gather3A_635 = tpu.dynamic_gather %scan3A_632#0[%gather3A_634] in [0] : vector<16xf32>, vector<16xi32> -> vector<16xf32>
      %min3A_636 = arith.minimumf %scan3A_632#0, %gather3A_635 : vector<16xf32>
      %gather3A_637 = vector.shape_cast %broadcast_in_dim3A_100 : vector<16x1xi32> to vector<16xi32>
      %gather3A_638 = tpu.dynamic_gather %min3A_636[%gather3A_637] in [0] : vector<16xf32>, vector<16xi32> -> vector<16xf32>
      %min3A_639 = arith.minimumf %min3A_636, %gather3A_638 : vector<16xf32>
      %gather3A_640 = vector.shape_cast %broadcast_in_dim3A_126 : vector<16x1xi32> to vector<16xi32>
      %gather3A_641 = tpu.dynamic_gather %min3A_639[%gather3A_640] in [0] : vector<16xf32>, vector<16xi32> -> vector<16xf32>
      %min3A_642 = arith.minimumf %min3A_639, %gather3A_641 : vector<16xf32>
      %gather3A_643 = vector.shape_cast %broadcast_in_dim3A_152 : vector<16x1xi32> to vector<16xi32>
      %gather3A_644 = tpu.dynamic_gather %min3A_642[%gather3A_643] in [0] : vector<16xf32>, vector<16xi32> -> vector<16xf32>
      %min3A_645 = arith.minimumf %min3A_642, %gather3A_644 : vector<16xf32>
      %eq3A_646 = arith.cmpf oeq, %scan3A_632#0, %min3A_645 : vector<16xf32>
      %select_n3A_647 = arith.select %eq3A_646, %scan3A_632#1, %broadcast_in_dim3A_46 : vector<16xi1>, vector<16xi32>
      %gather3A_648 = vector.shape_cast %broadcast_in_dim3A_74 : vector<16x1xi32> to vector<16xi32>
      %gather3A_649 = tpu.dynamic_gather %select_n3A_647[%gather3A_648] in [0] : vector<16xi32>, vector<16xi32> -> vector<16xi32>
      %min3A_650 = arith.minsi %select_n3A_647, %gather3A_649 : vector<16xi32>
      %gather3A_651 = vector.shape_cast %broadcast_in_dim3A_100 : vector<16x1xi32> to vector<16xi32>
      %gather3A_652 = tpu.dynamic_gather %min3A_650[%gather3A_651] in [0] : vector<16xi32>, vector<16xi32> -> vector<16xi32>
      %min3A_653 = arith.minsi %min3A_650, %gather3A_652 : vector<16xi32>
      %gather3A_654 = vector.shape_cast %broadcast_in_dim3A_126 : vector<16x1xi32> to vector<16xi32>
      %gather3A_655 = tpu.dynamic_gather %min3A_653[%gather3A_654] in [0] : vector<16xi32>, vector<16xi32> -> vector<16xi32>
      %min3A_656 = arith.minsi %min3A_653, %gather3A_655 : vector<16xi32>
      %gather3A_657 = vector.shape_cast %broadcast_in_dim3A_152 : vector<16x1xi32> to vector<16xi32>
      %gather3A_658 = tpu.dynamic_gather %min3A_656[%gather3A_657] in [0] : vector<16xi32>, vector<16xi32> -> vector<16xi32>
      %min3A_659 = arith.minsi %min3A_656, %gather3A_658 : vector<16xi32>
      %eq3A_660 = arith.constant 9 : i32
      %eq3A_661 = vector.broadcast %eq3A_660 : i32 to vector<16xi32>
      %eq3A_662 = arith.cmpi eq, %iota3A, %eq3A_661 : vector<16xi32>
      %select_n3A_663 = arith.select %eq3A_662, %min3A_645, %select_n3A_614 : vector<16xi1>, vector<16xf32>
      %select_n3A_664 = arith.select %eq3A_662, %min3A_659, %select_n3A_615 : vector<16xi1>, vector<16xi32>
      %slice3A_665 = vector.extract_strided_slice %get3A_167 {offsets = [10], sizes = [1], strides = [1]} : vector<16xf32> to vector<1xf32>
      %squeeze3A_666 = vector.extract %slice3A_665[0] : f32 from vector<1xf32>
      %broadcast_in_dim3A_667 = vector.broadcast %squeeze3A_666 : f32 to vector<16xf32>
      %slice3A_668 = vector.extract_strided_slice %get3A_170 {offsets = [10], sizes = [1], strides = [1]} : vector<16xf32> to vector<1xf32>
      %squeeze3A_669 = vector.extract %slice3A_668[0] : f32 from vector<1xf32>
      %broadcast_in_dim3A_670 = vector.broadcast %squeeze3A_669 : f32 to vector<16xf32>
      %slice3A_671 = vector.extract_strided_slice %get3A_173 {offsets = [10], sizes = [1], strides = [1]} : vector<16xf32> to vector<1xf32>
      %squeeze3A_672 = vector.extract %slice3A_671[0] : f32 from vector<1xf32>
      %broadcast_in_dim3A_673 = vector.broadcast %squeeze3A_672 : f32 to vector<16xf32>
      %slice3A_674 = vector.extract_strided_slice %get3A_176 {offsets = [10], sizes = [1], strides = [1]} : vector<16xf32> to vector<1xf32>
      %squeeze3A_675 = vector.extract %slice3A_674[0] : f32 from vector<1xf32>
      %broadcast_in_dim3A_676 = vector.broadcast %squeeze3A_675 : f32 to vector<16xf32>
      %scan3A_677 = arith.constant 0 : i32
      %scan3A_678 = arith.constant 256 : i32
      %scan3A_679 = arith.addi %scan3A_677, %scan3A_678 : i32
      %scan3A_680 = arith.constant 1 : i32
      %scan3A_681:3 = scf.for %scan3A_967 = %scan3A_677 to %scan3A_679 step %scan3A_680 iter_args(%scan3A_968 = %broadcast_in_dim3A_38, %scan3A_969 = %broadcast_in_dim3A_48, %scan3A_970 = %iota3A) -> (vector<16xf32>, vector<16xi32>, vector<16xi32>)  : i32 {
        %mul3A_971 = arith.constant 16 : i32
        %mul3A_972 = arith.muli %scan3A_967, %mul3A_971 : i32
        %get3A_973 = arith.index_cast %mul3A_972 : i32 to index
        %get3A_974 = tpu.vector_load %arg13[%get3A_973] {strides = array<i32>} : memref<4096xf32, #tpu.memory_space<vmem>>, vector<16xf32>,
        %get3A_975 = vector.shape_cast %get3A_974 : vector<16xf32> to vector<16xf32>
        %get3A_976 = arith.index_cast %mul3A_972 : i32 to index
        %get3A_977 = tpu.vector_load %arg14[%get3A_976] {strides = array<i32>} : memref<4096xf32, #tpu.memory_space<vmem>>, vector<16xf32>,
        %get3A_978 = vector.shape_cast %get3A_977 : vector<16xf32> to vector<16xf32>
        %get3A_979 = arith.index_cast %mul3A_972 : i32 to index
        %get3A_980 = tpu.vector_load %arg15[%get3A_979] {strides = array<i32>} : memref<4096xf32, #tpu.memory_space<vmem>>, vector<16xf32>,
        %get3A_981 = vector.shape_cast %get3A_980 : vector<16xf32> to vector<16xf32>
        %get3A_982 = arith.index_cast %mul3A_972 : i32 to index
        %get3A_983 = tpu.vector_load %arg16[%get3A_982] {strides = array<i32>} : memref<4096xf32, #tpu.memory_space<vmem>>, vector<16xf32>,
        %get3A_984 = vector.shape_cast %get3A_983 : vector<16xf32> to vector<16xf32>
        %mul3A_985 = arith.mulf %broadcast_in_dim3A_667, %get3A_975 : vector<16xf32>
        %mul3A_986 = arith.mulf %broadcast_in_dim3A_670, %get3A_978 : vector<16xf32>
        %add3A_987 = arith.addf %mul3A_985, %mul3A_986 : vector<16xf32>
        %mul3A_988 = arith.mulf %broadcast_in_dim3A_673, %get3A_981 : vector<16xf32>
        %add3A_989 = arith.addf %add3A_987, %mul3A_988 : vector<16xf32>
        %add3A_990 = arith.addf %broadcast_in_dim3A_676, %get3A_984 : vector<16xf32>
        %add3A_991 = arith.addf %add3A_990, %add3A_989 : vector<16xf32>
        %max3A = arith.constant 0.000000e+00 : f32
        %max3A_992 = vector.broadcast %max3A : f32 to vector<16xf32>
        %max3A_993 = arith.maximumf %add3A_991, %max3A_992 : vector<16xf32>
        %lt3A_994 = arith.cmpf olt, %max3A_993, %scan3A_968 : vector<16xf32>
        %select_n3A_995 = arith.select %lt3A_994, %max3A_993, %scan3A_968 : vector<16xi1>, vector<16xf32>
        %select_n3A_996 = arith.select %lt3A_994, %scan3A_970, %scan3A_969 : vector<16xi1>, vector<16xi32>
        %get3A_997 = arith.index_cast %mul3A_972 : i32 to index
        %get3A_998 = tpu.vector_load %arg23[%get3A_997] {strides = array<i32>} : memref<4096xf32, #tpu.memory_space<vmem>>, vector<16xf32>,
        %get3A_999 = vector.shape_cast %get3A_998 : vector<16xf32> to vector<16xf32>
        %min3A_1000 = arith.minimumf %get3A_999, %max3A_993 : vector<16xf32>
        %swap3A_1001 = arith.index_cast %mul3A_972 : i32 to index
        %swap3A_1002 = tpu.vector_load %arg23[%swap3A_1001] {strides = array<i32>} : memref<4096xf32, #tpu.memory_space<vmem>>, vector<16xf32>,
        %swap3A_1003 = vector.shape_cast %swap3A_1002 : vector<16xf32> to vector<16xf32>
        %swap3A_1004 = vector.shape_cast %min3A_1000 : vector<16xf32> to vector<16xf32>
        tpu.vector_store %arg23[%swap3A_1001], %swap3A_1004 {strides = array<i32>} : memref<4096xf32, #tpu.memory_space<vmem>>, vector<16xf32>,
        %add3A_1005 = arith.constant 16 : i32
        %add3A_1006 = vector.broadcast %add3A_1005 : i32 to vector<16xi32>
        %add3A_1007 = arith.addi %scan3A_970, %add3A_1006 : vector<16xi32>
        scf.yield %select_n3A_995, %select_n3A_996, %add3A_1007 : vector<16xf32>, vector<16xi32>, vector<16xi32>
      }
      %scan3A_682 = arith.constant 256 : i32
      %gather3A_683 = vector.shape_cast %broadcast_in_dim3A_74 : vector<16x1xi32> to vector<16xi32>
      %gather3A_684 = tpu.dynamic_gather %scan3A_681#0[%gather3A_683] in [0] : vector<16xf32>, vector<16xi32> -> vector<16xf32>
      %min3A_685 = arith.minimumf %scan3A_681#0, %gather3A_684 : vector<16xf32>
      %gather3A_686 = vector.shape_cast %broadcast_in_dim3A_100 : vector<16x1xi32> to vector<16xi32>
      %gather3A_687 = tpu.dynamic_gather %min3A_685[%gather3A_686] in [0] : vector<16xf32>, vector<16xi32> -> vector<16xf32>
      %min3A_688 = arith.minimumf %min3A_685, %gather3A_687 : vector<16xf32>
      %gather3A_689 = vector.shape_cast %broadcast_in_dim3A_126 : vector<16x1xi32> to vector<16xi32>
      %gather3A_690 = tpu.dynamic_gather %min3A_688[%gather3A_689] in [0] : vector<16xf32>, vector<16xi32> -> vector<16xf32>
      %min3A_691 = arith.minimumf %min3A_688, %gather3A_690 : vector<16xf32>
      %gather3A_692 = vector.shape_cast %broadcast_in_dim3A_152 : vector<16x1xi32> to vector<16xi32>
      %gather3A_693 = tpu.dynamic_gather %min3A_691[%gather3A_692] in [0] : vector<16xf32>, vector<16xi32> -> vector<16xf32>
      %min3A_694 = arith.minimumf %min3A_691, %gather3A_693 : vector<16xf32>
      %eq3A_695 = arith.cmpf oeq, %scan3A_681#0, %min3A_694 : vector<16xf32>
      %select_n3A_696 = arith.select %eq3A_695, %scan3A_681#1, %broadcast_in_dim3A_46 : vector<16xi1>, vector<16xi32>
      %gather3A_697 = vector.shape_cast %broadcast_in_dim3A_74 : vector<16x1xi32> to vector<16xi32>
      %gather3A_698 = tpu.dynamic_gather %select_n3A_696[%gather3A_697] in [0] : vector<16xi32>, vector<16xi32> -> vector<16xi32>
      %min3A_699 = arith.minsi %select_n3A_696, %gather3A_698 : vector<16xi32>
      %gather3A_700 = vector.shape_cast %broadcast_in_dim3A_100 : vector<16x1xi32> to vector<16xi32>
      %gather3A_701 = tpu.dynamic_gather %min3A_699[%gather3A_700] in [0] : vector<16xi32>, vector<16xi32> -> vector<16xi32>
      %min3A_702 = arith.minsi %min3A_699, %gather3A_701 : vector<16xi32>
      %gather3A_703 = vector.shape_cast %broadcast_in_dim3A_126 : vector<16x1xi32> to vector<16xi32>
      %gather3A_704 = tpu.dynamic_gather %min3A_702[%gather3A_703] in [0] : vector<16xi32>, vector<16xi32> -> vector<16xi32>
      %min3A_705 = arith.minsi %min3A_702, %gather3A_704 : vector<16xi32>
      %gather3A_706 = vector.shape_cast %broadcast_in_dim3A_152 : vector<16x1xi32> to vector<16xi32>
      %gather3A_707 = tpu.dynamic_gather %min3A_705[%gather3A_706] in [0] : vector<16xi32>, vector<16xi32> -> vector<16xi32>
      %min3A_708 = arith.minsi %min3A_705, %gather3A_707 : vector<16xi32>
      %eq3A_709 = arith.constant 10 : i32
      %eq3A_710 = vector.broadcast %eq3A_709 : i32 to vector<16xi32>
      %eq3A_711 = arith.cmpi eq, %iota3A, %eq3A_710 : vector<16xi32>
      %select_n3A_712 = arith.select %eq3A_711, %min3A_694, %select_n3A_663 : vector<16xi1>, vector<16xf32>
      %select_n3A_713 = arith.select %eq3A_711, %min3A_708, %select_n3A_664 : vector<16xi1>, vector<16xi32>
      %slice3A_714 = vector.extract_strided_slice %get3A_167 {offsets = [11], sizes = [1], strides = [1]} : vector<16xf32> to vector<1xf32>
      %squeeze3A_715 = vector.extract %slice3A_714[0] : f32 from vector<1xf32>
      %broadcast_in_dim3A_716 = vector.broadcast %squeeze3A_715 : f32 to vector<16xf32>
      %slice3A_717 = vector.extract_strided_slice %get3A_170 {offsets = [11], sizes = [1], strides = [1]} : vector<16xf32> to vector<1xf32>
      %squeeze3A_718 = vector.extract %slice3A_717[0] : f32 from vector<1xf32>
      %broadcast_in_dim3A_719 = vector.broadcast %squeeze3A_718 : f32 to vector<16xf32>
      %slice3A_720 = vector.extract_strided_slice %get3A_173 {offsets = [11], sizes = [1], strides = [1]} : vector<16xf32> to vector<1xf32>
      %squeeze3A_721 = vector.extract %slice3A_720[0] : f32 from vector<1xf32>
      %broadcast_in_dim3A_722 = vector.broadcast %squeeze3A_721 : f32 to vector<16xf32>
      %slice3A_723 = vector.extract_strided_slice %get3A_176 {offsets = [11], sizes = [1], strides = [1]} : vector<16xf32> to vector<1xf32>
      %squeeze3A_724 = vector.extract %slice3A_723[0] : f32 from vector<1xf32>
      %broadcast_in_dim3A_725 = vector.broadcast %squeeze3A_724 : f32 to vector<16xf32>
      %scan3A_726 = arith.constant 0 : i32
      %scan3A_727 = arith.constant 256 : i32
      %scan3A_728 = arith.addi %scan3A_726, %scan3A_727 : i32
      %scan3A_729 = arith.constant 1 : i32
      %scan3A_730:3 = scf.for %scan3A_967 = %scan3A_726 to %scan3A_728 step %scan3A_729 iter_args(%scan3A_968 = %broadcast_in_dim3A_38, %scan3A_969 = %broadcast_in_dim3A_48, %scan3A_970 = %iota3A) -> (vector<16xf32>, vector<16xi32>, vector<16xi32>)  : i32 {
        %mul3A_971 = arith.constant 16 : i32
        %mul3A_972 = arith.muli %scan3A_967, %mul3A_971 : i32
        %get3A_973 = arith.index_cast %mul3A_972 : i32 to index
        %get3A_974 = tpu.vector_load %arg13[%get3A_973] {strides = array<i32>} : memref<4096xf32, #tpu.memory_space<vmem>>, vector<16xf32>,
        %get3A_975 = vector.shape_cast %get3A_974 : vector<16xf32> to vector<16xf32>
        %get3A_976 = arith.index_cast %mul3A_972 : i32 to index
        %get3A_977 = tpu.vector_load %arg14[%get3A_976] {strides = array<i32>} : memref<4096xf32, #tpu.memory_space<vmem>>, vector<16xf32>,
        %get3A_978 = vector.shape_cast %get3A_977 : vector<16xf32> to vector<16xf32>
        %get3A_979 = arith.index_cast %mul3A_972 : i32 to index
        %get3A_980 = tpu.vector_load %arg15[%get3A_979] {strides = array<i32>} : memref<4096xf32, #tpu.memory_space<vmem>>, vector<16xf32>,
        %get3A_981 = vector.shape_cast %get3A_980 : vector<16xf32> to vector<16xf32>
        %get3A_982 = arith.index_cast %mul3A_972 : i32 to index
        %get3A_983 = tpu.vector_load %arg16[%get3A_982] {strides = array<i32>} : memref<4096xf32, #tpu.memory_space<vmem>>, vector<16xf32>,
        %get3A_984 = vector.shape_cast %get3A_983 : vector<16xf32> to vector<16xf32>
        %mul3A_985 = arith.mulf %broadcast_in_dim3A_716, %get3A_975 : vector<16xf32>
        %mul3A_986 = arith.mulf %broadcast_in_dim3A_719, %get3A_978 : vector<16xf32>
        %add3A_987 = arith.addf %mul3A_985, %mul3A_986 : vector<16xf32>
        %mul3A_988 = arith.mulf %broadcast_in_dim3A_722, %get3A_981 : vector<16xf32>
        %add3A_989 = arith.addf %add3A_987, %mul3A_988 : vector<16xf32>
        %add3A_990 = arith.addf %broadcast_in_dim3A_725, %get3A_984 : vector<16xf32>
        %add3A_991 = arith.addf %add3A_990, %add3A_989 : vector<16xf32>
        %max3A = arith.constant 0.000000e+00 : f32
        %max3A_992 = vector.broadcast %max3A : f32 to vector<16xf32>
        %max3A_993 = arith.maximumf %add3A_991, %max3A_992 : vector<16xf32>
        %lt3A_994 = arith.cmpf olt, %max3A_993, %scan3A_968 : vector<16xf32>
        %select_n3A_995 = arith.select %lt3A_994, %max3A_993, %scan3A_968 : vector<16xi1>, vector<16xf32>
        %select_n3A_996 = arith.select %lt3A_994, %scan3A_970, %scan3A_969 : vector<16xi1>, vector<16xi32>
        %get3A_997 = arith.index_cast %mul3A_972 : i32 to index
        %get3A_998 = tpu.vector_load %arg23[%get3A_997] {strides = array<i32>} : memref<4096xf32, #tpu.memory_space<vmem>>, vector<16xf32>,
        %get3A_999 = vector.shape_cast %get3A_998 : vector<16xf32> to vector<16xf32>
        %min3A_1000 = arith.minimumf %get3A_999, %max3A_993 : vector<16xf32>
        %swap3A_1001 = arith.index_cast %mul3A_972 : i32 to index
        %swap3A_1002 = tpu.vector_load %arg23[%swap3A_1001] {strides = array<i32>} : memref<4096xf32, #tpu.memory_space<vmem>>, vector<16xf32>,
        %swap3A_1003 = vector.shape_cast %swap3A_1002 : vector<16xf32> to vector<16xf32>
        %swap3A_1004 = vector.shape_cast %min3A_1000 : vector<16xf32> to vector<16xf32>
        tpu.vector_store %arg23[%swap3A_1001], %swap3A_1004 {strides = array<i32>} : memref<4096xf32, #tpu.memory_space<vmem>>, vector<16xf32>,
        %add3A_1005 = arith.constant 16 : i32
        %add3A_1006 = vector.broadcast %add3A_1005 : i32 to vector<16xi32>
        %add3A_1007 = arith.addi %scan3A_970, %add3A_1006 : vector<16xi32>
        scf.yield %select_n3A_995, %select_n3A_996, %add3A_1007 : vector<16xf32>, vector<16xi32>, vector<16xi32>
      }
      %scan3A_731 = arith.constant 256 : i32
      %gather3A_732 = vector.shape_cast %broadcast_in_dim3A_74 : vector<16x1xi32> to vector<16xi32>
      %gather3A_733 = tpu.dynamic_gather %scan3A_730#0[%gather3A_732] in [0] : vector<16xf32>, vector<16xi32> -> vector<16xf32>
      %min3A_734 = arith.minimumf %scan3A_730#0, %gather3A_733 : vector<16xf32>
      %gather3A_735 = vector.shape_cast %broadcast_in_dim3A_100 : vector<16x1xi32> to vector<16xi32>
      %gather3A_736 = tpu.dynamic_gather %min3A_734[%gather3A_735] in [0] : vector<16xf32>, vector<16xi32> -> vector<16xf32>
      %min3A_737 = arith.minimumf %min3A_734, %gather3A_736 : vector<16xf32>
      %gather3A_738 = vector.shape_cast %broadcast_in_dim3A_126 : vector<16x1xi32> to vector<16xi32>
      %gather3A_739 = tpu.dynamic_gather %min3A_737[%gather3A_738] in [0] : vector<16xf32>, vector<16xi32> -> vector<16xf32>
      %min3A_740 = arith.minimumf %min3A_737, %gather3A_739 : vector<16xf32>
      %gather3A_741 = vector.shape_cast %broadcast_in_dim3A_152 : vector<16x1xi32> to vector<16xi32>
      %gather3A_742 = tpu.dynamic_gather %min3A_740[%gather3A_741] in [0] : vector<16xf32>, vector<16xi32> -> vector<16xf32>
      %min3A_743 = arith.minimumf %min3A_740, %gather3A_742 : vector<16xf32>
      %eq3A_744 = arith.cmpf oeq, %scan3A_730#0, %min3A_743 : vector<16xf32>
      %select_n3A_745 = arith.select %eq3A_744, %scan3A_730#1, %broadcast_in_dim3A_46 : vector<16xi1>, vector<16xi32>
      %gather3A_746 = vector.shape_cast %broadcast_in_dim3A_74 : vector<16x1xi32> to vector<16xi32>
      %gather3A_747 = tpu.dynamic_gather %select_n3A_745[%gather3A_746] in [0] : vector<16xi32>, vector<16xi32> -> vector<16xi32>
      %min3A_748 = arith.minsi %select_n3A_745, %gather3A_747 : vector<16xi32>
      %gather3A_749 = vector.shape_cast %broadcast_in_dim3A_100 : vector<16x1xi32> to vector<16xi32>
      %gather3A_750 = tpu.dynamic_gather %min3A_748[%gather3A_749] in [0] : vector<16xi32>, vector<16xi32> -> vector<16xi32>
      %min3A_751 = arith.minsi %min3A_748, %gather3A_750 : vector<16xi32>
      %gather3A_752 = vector.shape_cast %broadcast_in_dim3A_126 : vector<16x1xi32> to vector<16xi32>
      %gather3A_753 = tpu.dynamic_gather %min3A_751[%gather3A_752] in [0] : vector<16xi32>, vector<16xi32> -> vector<16xi32>
      %min3A_754 = arith.minsi %min3A_751, %gather3A_753 : vector<16xi32>
      %gather3A_755 = vector.shape_cast %broadcast_in_dim3A_152 : vector<16x1xi32> to vector<16xi32>
      %gather3A_756 = tpu.dynamic_gather %min3A_754[%gather3A_755] in [0] : vector<16xi32>, vector<16xi32> -> vector<16xi32>
      %min3A_757 = arith.minsi %min3A_754, %gather3A_756 : vector<16xi32>
      %eq3A_758 = arith.constant 11 : i32
      %eq3A_759 = vector.broadcast %eq3A_758 : i32 to vector<16xi32>
      %eq3A_760 = arith.cmpi eq, %iota3A, %eq3A_759 : vector<16xi32>
      %select_n3A_761 = arith.select %eq3A_760, %min3A_743, %select_n3A_712 : vector<16xi1>, vector<16xf32>
      %select_n3A_762 = arith.select %eq3A_760, %min3A_757, %select_n3A_713 : vector<16xi1>, vector<16xi32>
      %slice3A_763 = vector.extract_strided_slice %get3A_167 {offsets = [12], sizes = [1], strides = [1]} : vector<16xf32> to vector<1xf32>
      %squeeze3A_764 = vector.extract %slice3A_763[0] : f32 from vector<1xf32>
      %broadcast_in_dim3A_765 = vector.broadcast %squeeze3A_764 : f32 to vector<16xf32>
      %slice3A_766 = vector.extract_strided_slice %get3A_170 {offsets = [12], sizes = [1], strides = [1]} : vector<16xf32> to vector<1xf32>
      %squeeze3A_767 = vector.extract %slice3A_766[0] : f32 from vector<1xf32>
      %broadcast_in_dim3A_768 = vector.broadcast %squeeze3A_767 : f32 to vector<16xf32>
      %slice3A_769 = vector.extract_strided_slice %get3A_173 {offsets = [12], sizes = [1], strides = [1]} : vector<16xf32> to vector<1xf32>
      %squeeze3A_770 = vector.extract %slice3A_769[0] : f32 from vector<1xf32>
      %broadcast_in_dim3A_771 = vector.broadcast %squeeze3A_770 : f32 to vector<16xf32>
      %slice3A_772 = vector.extract_strided_slice %get3A_176 {offsets = [12], sizes = [1], strides = [1]} : vector<16xf32> to vector<1xf32>
      %squeeze3A_773 = vector.extract %slice3A_772[0] : f32 from vector<1xf32>
      %broadcast_in_dim3A_774 = vector.broadcast %squeeze3A_773 : f32 to vector<16xf32>
      %scan3A_775 = arith.constant 0 : i32
      %scan3A_776 = arith.constant 256 : i32
      %scan3A_777 = arith.addi %scan3A_775, %scan3A_776 : i32
      %scan3A_778 = arith.constant 1 : i32
      %scan3A_779:3 = scf.for %scan3A_967 = %scan3A_775 to %scan3A_777 step %scan3A_778 iter_args(%scan3A_968 = %broadcast_in_dim3A_38, %scan3A_969 = %broadcast_in_dim3A_48, %scan3A_970 = %iota3A) -> (vector<16xf32>, vector<16xi32>, vector<16xi32>)  : i32 {
        %mul3A_971 = arith.constant 16 : i32
        %mul3A_972 = arith.muli %scan3A_967, %mul3A_971 : i32
        %get3A_973 = arith.index_cast %mul3A_972 : i32 to index
        %get3A_974 = tpu.vector_load %arg13[%get3A_973] {strides = array<i32>} : memref<4096xf32, #tpu.memory_space<vmem>>, vector<16xf32>,
        %get3A_975 = vector.shape_cast %get3A_974 : vector<16xf32> to vector<16xf32>
        %get3A_976 = arith.index_cast %mul3A_972 : i32 to index
        %get3A_977 = tpu.vector_load %arg14[%get3A_976] {strides = array<i32>} : memref<4096xf32, #tpu.memory_space<vmem>>, vector<16xf32>,
        %get3A_978 = vector.shape_cast %get3A_977 : vector<16xf32> to vector<16xf32>
        %get3A_979 = arith.index_cast %mul3A_972 : i32 to index
        %get3A_980 = tpu.vector_load %arg15[%get3A_979] {strides = array<i32>} : memref<4096xf32, #tpu.memory_space<vmem>>, vector<16xf32>,
        %get3A_981 = vector.shape_cast %get3A_980 : vector<16xf32> to vector<16xf32>
        %get3A_982 = arith.index_cast %mul3A_972 : i32 to index
        %get3A_983 = tpu.vector_load %arg16[%get3A_982] {strides = array<i32>} : memref<4096xf32, #tpu.memory_space<vmem>>, vector<16xf32>,
        %get3A_984 = vector.shape_cast %get3A_983 : vector<16xf32> to vector<16xf32>
        %mul3A_985 = arith.mulf %broadcast_in_dim3A_765, %get3A_975 : vector<16xf32>
        %mul3A_986 = arith.mulf %broadcast_in_dim3A_768, %get3A_978 : vector<16xf32>
        %add3A_987 = arith.addf %mul3A_985, %mul3A_986 : vector<16xf32>
        %mul3A_988 = arith.mulf %broadcast_in_dim3A_771, %get3A_981 : vector<16xf32>
        %add3A_989 = arith.addf %add3A_987, %mul3A_988 : vector<16xf32>
        %add3A_990 = arith.addf %broadcast_in_dim3A_774, %get3A_984 : vector<16xf32>
        %add3A_991 = arith.addf %add3A_990, %add3A_989 : vector<16xf32>
        %max3A = arith.constant 0.000000e+00 : f32
        %max3A_992 = vector.broadcast %max3A : f32 to vector<16xf32>
        %max3A_993 = arith.maximumf %add3A_991, %max3A_992 : vector<16xf32>
        %lt3A_994 = arith.cmpf olt, %max3A_993, %scan3A_968 : vector<16xf32>
        %select_n3A_995 = arith.select %lt3A_994, %max3A_993, %scan3A_968 : vector<16xi1>, vector<16xf32>
        %select_n3A_996 = arith.select %lt3A_994, %scan3A_970, %scan3A_969 : vector<16xi1>, vector<16xi32>
        %get3A_997 = arith.index_cast %mul3A_972 : i32 to index
        %get3A_998 = tpu.vector_load %arg23[%get3A_997] {strides = array<i32>} : memref<4096xf32, #tpu.memory_space<vmem>>, vector<16xf32>,
        %get3A_999 = vector.shape_cast %get3A_998 : vector<16xf32> to vector<16xf32>
        %min3A_1000 = arith.minimumf %get3A_999, %max3A_993 : vector<16xf32>
        %swap3A_1001 = arith.index_cast %mul3A_972 : i32 to index
        %swap3A_1002 = tpu.vector_load %arg23[%swap3A_1001] {strides = array<i32>} : memref<4096xf32, #tpu.memory_space<vmem>>, vector<16xf32>,
        %swap3A_1003 = vector.shape_cast %swap3A_1002 : vector<16xf32> to vector<16xf32>
        %swap3A_1004 = vector.shape_cast %min3A_1000 : vector<16xf32> to vector<16xf32>
        tpu.vector_store %arg23[%swap3A_1001], %swap3A_1004 {strides = array<i32>} : memref<4096xf32, #tpu.memory_space<vmem>>, vector<16xf32>,
        %add3A_1005 = arith.constant 16 : i32
        %add3A_1006 = vector.broadcast %add3A_1005 : i32 to vector<16xi32>
        %add3A_1007 = arith.addi %scan3A_970, %add3A_1006 : vector<16xi32>
        scf.yield %select_n3A_995, %select_n3A_996, %add3A_1007 : vector<16xf32>, vector<16xi32>, vector<16xi32>
      }
      %scan3A_780 = arith.constant 256 : i32
      %gather3A_781 = vector.shape_cast %broadcast_in_dim3A_74 : vector<16x1xi32> to vector<16xi32>
      %gather3A_782 = tpu.dynamic_gather %scan3A_779#0[%gather3A_781] in [0] : vector<16xf32>, vector<16xi32> -> vector<16xf32>
      %min3A_783 = arith.minimumf %scan3A_779#0, %gather3A_782 : vector<16xf32>
      %gather3A_784 = vector.shape_cast %broadcast_in_dim3A_100 : vector<16x1xi32> to vector<16xi32>
      %gather3A_785 = tpu.dynamic_gather %min3A_783[%gather3A_784] in [0] : vector<16xf32>, vector<16xi32> -> vector<16xf32>
      %min3A_786 = arith.minimumf %min3A_783, %gather3A_785 : vector<16xf32>
      %gather3A_787 = vector.shape_cast %broadcast_in_dim3A_126 : vector<16x1xi32> to vector<16xi32>
      %gather3A_788 = tpu.dynamic_gather %min3A_786[%gather3A_787] in [0] : vector<16xf32>, vector<16xi32> -> vector<16xf32>
      %min3A_789 = arith.minimumf %min3A_786, %gather3A_788 : vector<16xf32>
      %gather3A_790 = vector.shape_cast %broadcast_in_dim3A_152 : vector<16x1xi32> to vector<16xi32>
      %gather3A_791 = tpu.dynamic_gather %min3A_789[%gather3A_790] in [0] : vector<16xf32>, vector<16xi32> -> vector<16xf32>
      %min3A_792 = arith.minimumf %min3A_789, %gather3A_791 : vector<16xf32>
      %eq3A_793 = arith.cmpf oeq, %scan3A_779#0, %min3A_792 : vector<16xf32>
      %select_n3A_794 = arith.select %eq3A_793, %scan3A_779#1, %broadcast_in_dim3A_46 : vector<16xi1>, vector<16xi32>
      %gather3A_795 = vector.shape_cast %broadcast_in_dim3A_74 : vector<16x1xi32> to vector<16xi32>
      %gather3A_796 = tpu.dynamic_gather %select_n3A_794[%gather3A_795] in [0] : vector<16xi32>, vector<16xi32> -> vector<16xi32>
      %min3A_797 = arith.minsi %select_n3A_794, %gather3A_796 : vector<16xi32>
      %gather3A_798 = vector.shape_cast %broadcast_in_dim3A_100 : vector<16x1xi32> to vector<16xi32>
      %gather3A_799 = tpu.dynamic_gather %min3A_797[%gather3A_798] in [0] : vector<16xi32>, vector<16xi32> -> vector<16xi32>
      %min3A_800 = arith.minsi %min3A_797, %gather3A_799 : vector<16xi32>
      %gather3A_801 = vector.shape_cast %broadcast_in_dim3A_126 : vector<16x1xi32> to vector<16xi32>
      %gather3A_802 = tpu.dynamic_gather %min3A_800[%gather3A_801] in [0] : vector<16xi32>, vector<16xi32> -> vector<16xi32>
      %min3A_803 = arith.minsi %min3A_800, %gather3A_802 : vector<16xi32>
      %gather3A_804 = vector.shape_cast %broadcast_in_dim3A_152 : vector<16x1xi32> to vector<16xi32>
      %gather3A_805 = tpu.dynamic_gather %min3A_803[%gather3A_804] in [0] : vector<16xi32>, vector<16xi32> -> vector<16xi32>
      %min3A_806 = arith.minsi %min3A_803, %gather3A_805 : vector<16xi32>
      %eq3A_807 = arith.constant 12 : i32
      %eq3A_808 = vector.broadcast %eq3A_807 : i32 to vector<16xi32>
      %eq3A_809 = arith.cmpi eq, %iota3A, %eq3A_808 : vector<16xi32>
      %select_n3A_810 = arith.select %eq3A_809, %min3A_792, %select_n3A_761 : vector<16xi1>, vector<16xf32>
      %select_n3A_811 = arith.select %eq3A_809, %min3A_806, %select_n3A_762 : vector<16xi1>, vector<16xi32>
      %slice3A_812 = vector.extract_strided_slice %get3A_167 {offsets = [13], sizes = [1], strides = [1]} : vector<16xf32> to vector<1xf32>
      %squeeze3A_813 = vector.extract %slice3A_812[0] : f32 from vector<1xf32>
      %broadcast_in_dim3A_814 = vector.broadcast %squeeze3A_813 : f32 to vector<16xf32>
      %slice3A_815 = vector.extract_strided_slice %get3A_170 {offsets = [13], sizes = [1], strides = [1]} : vector<16xf32> to vector<1xf32>
      %squeeze3A_816 = vector.extract %slice3A_815[0] : f32 from vector<1xf32>
      %broadcast_in_dim3A_817 = vector.broadcast %squeeze3A_816 : f32 to vector<16xf32>
      %slice3A_818 = vector.extract_strided_slice %get3A_173 {offsets = [13], sizes = [1], strides = [1]} : vector<16xf32> to vector<1xf32>
      %squeeze3A_819 = vector.extract %slice3A_818[0] : f32 from vector<1xf32>
      %broadcast_in_dim3A_820 = vector.broadcast %squeeze3A_819 : f32 to vector<16xf32>
      %slice3A_821 = vector.extract_strided_slice %get3A_176 {offsets = [13], sizes = [1], strides = [1]} : vector<16xf32> to vector<1xf32>
      %squeeze3A_822 = vector.extract %slice3A_821[0] : f32 from vector<1xf32>
      %broadcast_in_dim3A_823 = vector.broadcast %squeeze3A_822 : f32 to vector<16xf32>
      %scan3A_824 = arith.constant 0 : i32
      %scan3A_825 = arith.constant 256 : i32
      %scan3A_826 = arith.addi %scan3A_824, %scan3A_825 : i32
      %scan3A_827 = arith.constant 1 : i32
      %scan3A_828:3 = scf.for %scan3A_967 = %scan3A_824 to %scan3A_826 step %scan3A_827 iter_args(%scan3A_968 = %broadcast_in_dim3A_38, %scan3A_969 = %broadcast_in_dim3A_48, %scan3A_970 = %iota3A) -> (vector<16xf32>, vector<16xi32>, vector<16xi32>)  : i32 {
        %mul3A_971 = arith.constant 16 : i32
        %mul3A_972 = arith.muli %scan3A_967, %mul3A_971 : i32
        %get3A_973 = arith.index_cast %mul3A_972 : i32 to index
        %get3A_974 = tpu.vector_load %arg13[%get3A_973] {strides = array<i32>} : memref<4096xf32, #tpu.memory_space<vmem>>, vector<16xf32>,
        %get3A_975 = vector.shape_cast %get3A_974 : vector<16xf32> to vector<16xf32>
        %get3A_976 = arith.index_cast %mul3A_972 : i32 to index
        %get3A_977 = tpu.vector_load %arg14[%get3A_976] {strides = array<i32>} : memref<4096xf32, #tpu.memory_space<vmem>>, vector<16xf32>,
        %get3A_978 = vector.shape_cast %get3A_977 : vector<16xf32> to vector<16xf32>
        %get3A_979 = arith.index_cast %mul3A_972 : i32 to index
        %get3A_980 = tpu.vector_load %arg15[%get3A_979] {strides = array<i32>} : memref<4096xf32, #tpu.memory_space<vmem>>, vector<16xf32>,
        %get3A_981 = vector.shape_cast %get3A_980 : vector<16xf32> to vector<16xf32>
        %get3A_982 = arith.index_cast %mul3A_972 : i32 to index
        %get3A_983 = tpu.vector_load %arg16[%get3A_982] {strides = array<i32>} : memref<4096xf32, #tpu.memory_space<vmem>>, vector<16xf32>,
        %get3A_984 = vector.shape_cast %get3A_983 : vector<16xf32> to vector<16xf32>
        %mul3A_985 = arith.mulf %broadcast_in_dim3A_814, %get3A_975 : vector<16xf32>
        %mul3A_986 = arith.mulf %broadcast_in_dim3A_817, %get3A_978 : vector<16xf32>
        %add3A_987 = arith.addf %mul3A_985, %mul3A_986 : vector<16xf32>
        %mul3A_988 = arith.mulf %broadcast_in_dim3A_820, %get3A_981 : vector<16xf32>
        %add3A_989 = arith.addf %add3A_987, %mul3A_988 : vector<16xf32>
        %add3A_990 = arith.addf %broadcast_in_dim3A_823, %get3A_984 : vector<16xf32>
        %add3A_991 = arith.addf %add3A_990, %add3A_989 : vector<16xf32>
        %max3A = arith.constant 0.000000e+00 : f32
        %max3A_992 = vector.broadcast %max3A : f32 to vector<16xf32>
        %max3A_993 = arith.maximumf %add3A_991, %max3A_992 : vector<16xf32>
        %lt3A_994 = arith.cmpf olt, %max3A_993, %scan3A_968 : vector<16xf32>
        %select_n3A_995 = arith.select %lt3A_994, %max3A_993, %scan3A_968 : vector<16xi1>, vector<16xf32>
        %select_n3A_996 = arith.select %lt3A_994, %scan3A_970, %scan3A_969 : vector<16xi1>, vector<16xi32>
        %get3A_997 = arith.index_cast %mul3A_972 : i32 to index
        %get3A_998 = tpu.vector_load %arg23[%get3A_997] {strides = array<i32>} : memref<4096xf32, #tpu.memory_space<vmem>>, vector<16xf32>,
        %get3A_999 = vector.shape_cast %get3A_998 : vector<16xf32> to vector<16xf32>
        %min3A_1000 = arith.minimumf %get3A_999, %max3A_993 : vector<16xf32>
        %swap3A_1001 = arith.index_cast %mul3A_972 : i32 to index
        %swap3A_1002 = tpu.vector_load %arg23[%swap3A_1001] {strides = array<i32>} : memref<4096xf32, #tpu.memory_space<vmem>>, vector<16xf32>,
        %swap3A_1003 = vector.shape_cast %swap3A_1002 : vector<16xf32> to vector<16xf32>
        %swap3A_1004 = vector.shape_cast %min3A_1000 : vector<16xf32> to vector<16xf32>
        tpu.vector_store %arg23[%swap3A_1001], %swap3A_1004 {strides = array<i32>} : memref<4096xf32, #tpu.memory_space<vmem>>, vector<16xf32>,
        %add3A_1005 = arith.constant 16 : i32
        %add3A_1006 = vector.broadcast %add3A_1005 : i32 to vector<16xi32>
        %add3A_1007 = arith.addi %scan3A_970, %add3A_1006 : vector<16xi32>
        scf.yield %select_n3A_995, %select_n3A_996, %add3A_1007 : vector<16xf32>, vector<16xi32>, vector<16xi32>
      }
      %scan3A_829 = arith.constant 256 : i32
      %gather3A_830 = vector.shape_cast %broadcast_in_dim3A_74 : vector<16x1xi32> to vector<16xi32>
      %gather3A_831 = tpu.dynamic_gather %scan3A_828#0[%gather3A_830] in [0] : vector<16xf32>, vector<16xi32> -> vector<16xf32>
      %min3A_832 = arith.minimumf %scan3A_828#0, %gather3A_831 : vector<16xf32>
      %gather3A_833 = vector.shape_cast %broadcast_in_dim3A_100 : vector<16x1xi32> to vector<16xi32>
      %gather3A_834 = tpu.dynamic_gather %min3A_832[%gather3A_833] in [0] : vector<16xf32>, vector<16xi32> -> vector<16xf32>
      %min3A_835 = arith.minimumf %min3A_832, %gather3A_834 : vector<16xf32>
      %gather3A_836 = vector.shape_cast %broadcast_in_dim3A_126 : vector<16x1xi32> to vector<16xi32>
      %gather3A_837 = tpu.dynamic_gather %min3A_835[%gather3A_836] in [0] : vector<16xf32>, vector<16xi32> -> vector<16xf32>
      %min3A_838 = arith.minimumf %min3A_835, %gather3A_837 : vector<16xf32>
      %gather3A_839 = vector.shape_cast %broadcast_in_dim3A_152 : vector<16x1xi32> to vector<16xi32>
      %gather3A_840 = tpu.dynamic_gather %min3A_838[%gather3A_839] in [0] : vector<16xf32>, vector<16xi32> -> vector<16xf32>
      %min3A_841 = arith.minimumf %min3A_838, %gather3A_840 : vector<16xf32>
      %eq3A_842 = arith.cmpf oeq, %scan3A_828#0, %min3A_841 : vector<16xf32>
      %select_n3A_843 = arith.select %eq3A_842, %scan3A_828#1, %broadcast_in_dim3A_46 : vector<16xi1>, vector<16xi32>
      %gather3A_844 = vector.shape_cast %broadcast_in_dim3A_74 : vector<16x1xi32> to vector<16xi32>
      %gather3A_845 = tpu.dynamic_gather %select_n3A_843[%gather3A_844] in [0] : vector<16xi32>, vector<16xi32> -> vector<16xi32>
      %min3A_846 = arith.minsi %select_n3A_843, %gather3A_845 : vector<16xi32>
      %gather3A_847 = vector.shape_cast %broadcast_in_dim3A_100 : vector<16x1xi32> to vector<16xi32>
      %gather3A_848 = tpu.dynamic_gather %min3A_846[%gather3A_847] in [0] : vector<16xi32>, vector<16xi32> -> vector<16xi32>
      %min3A_849 = arith.minsi %min3A_846, %gather3A_848 : vector<16xi32>
      %gather3A_850 = vector.shape_cast %broadcast_in_dim3A_126 : vector<16x1xi32> to vector<16xi32>
      %gather3A_851 = tpu.dynamic_gather %min3A_849[%gather3A_850] in [0] : vector<16xi32>, vector<16xi32> -> vector<16xi32>
      %min3A_852 = arith.minsi %min3A_849, %gather3A_851 : vector<16xi32>
      %gather3A_853 = vector.shape_cast %broadcast_in_dim3A_152 : vector<16x1xi32> to vector<16xi32>
      %gather3A_854 = tpu.dynamic_gather %min3A_852[%gather3A_853] in [0] : vector<16xi32>, vector<16xi32> -> vector<16xi32>
      %min3A_855 = arith.minsi %min3A_852, %gather3A_854 : vector<16xi32>
      %eq3A_856 = arith.constant 13 : i32
      %eq3A_857 = vector.broadcast %eq3A_856 : i32 to vector<16xi32>
      %eq3A_858 = arith.cmpi eq, %iota3A, %eq3A_857 : vector<16xi32>
      %select_n3A_859 = arith.select %eq3A_858, %min3A_841, %select_n3A_810 : vector<16xi1>, vector<16xf32>
      %select_n3A_860 = arith.select %eq3A_858, %min3A_855, %select_n3A_811 : vector<16xi1>, vector<16xi32>
      %slice3A_861 = vector.extract_strided_slice %get3A_167 {offsets = [14], sizes = [1], strides = [1]} : vector<16xf32> to vector<1xf32>
      %squeeze3A_862 = vector.extract %slice3A_861[0] : f32 from vector<1xf32>
      %broadcast_in_dim3A_863 = vector.broadcast %squeeze3A_862 : f32 to vector<16xf32>
      %slice3A_864 = vector.extract_strided_slice %get3A_170 {offsets = [14], sizes = [1], strides = [1]} : vector<16xf32> to vector<1xf32>
      %squeeze3A_865 = vector.extract %slice3A_864[0] : f32 from vector<1xf32>
      %broadcast_in_dim3A_866 = vector.broadcast %squeeze3A_865 : f32 to vector<16xf32>
      %slice3A_867 = vector.extract_strided_slice %get3A_173 {offsets = [14], sizes = [1], strides = [1]} : vector<16xf32> to vector<1xf32>
      %squeeze3A_868 = vector.extract %slice3A_867[0] : f32 from vector<1xf32>
      %broadcast_in_dim3A_869 = vector.broadcast %squeeze3A_868 : f32 to vector<16xf32>
      %slice3A_870 = vector.extract_strided_slice %get3A_176 {offsets = [14], sizes = [1], strides = [1]} : vector<16xf32> to vector<1xf32>
      %squeeze3A_871 = vector.extract %slice3A_870[0] : f32 from vector<1xf32>
      %broadcast_in_dim3A_872 = vector.broadcast %squeeze3A_871 : f32 to vector<16xf32>
      %scan3A_873 = arith.constant 0 : i32
      %scan3A_874 = arith.constant 256 : i32
      %scan3A_875 = arith.addi %scan3A_873, %scan3A_874 : i32
      %scan3A_876 = arith.constant 1 : i32
      %scan3A_877:3 = scf.for %scan3A_967 = %scan3A_873 to %scan3A_875 step %scan3A_876 iter_args(%scan3A_968 = %broadcast_in_dim3A_38, %scan3A_969 = %broadcast_in_dim3A_48, %scan3A_970 = %iota3A) -> (vector<16xf32>, vector<16xi32>, vector<16xi32>)  : i32 {
        %mul3A_971 = arith.constant 16 : i32
        %mul3A_972 = arith.muli %scan3A_967, %mul3A_971 : i32
        %get3A_973 = arith.index_cast %mul3A_972 : i32 to index
        %get3A_974 = tpu.vector_load %arg13[%get3A_973] {strides = array<i32>} : memref<4096xf32, #tpu.memory_space<vmem>>, vector<16xf32>,
        %get3A_975 = vector.shape_cast %get3A_974 : vector<16xf32> to vector<16xf32>
        %get3A_976 = arith.index_cast %mul3A_972 : i32 to index
        %get3A_977 = tpu.vector_load %arg14[%get3A_976] {strides = array<i32>} : memref<4096xf32, #tpu.memory_space<vmem>>, vector<16xf32>,
        %get3A_978 = vector.shape_cast %get3A_977 : vector<16xf32> to vector<16xf32>
        %get3A_979 = arith.index_cast %mul3A_972 : i32 to index
        %get3A_980 = tpu.vector_load %arg15[%get3A_979] {strides = array<i32>} : memref<4096xf32, #tpu.memory_space<vmem>>, vector<16xf32>,
        %get3A_981 = vector.shape_cast %get3A_980 : vector<16xf32> to vector<16xf32>
        %get3A_982 = arith.index_cast %mul3A_972 : i32 to index
        %get3A_983 = tpu.vector_load %arg16[%get3A_982] {strides = array<i32>} : memref<4096xf32, #tpu.memory_space<vmem>>, vector<16xf32>,
        %get3A_984 = vector.shape_cast %get3A_983 : vector<16xf32> to vector<16xf32>
        %mul3A_985 = arith.mulf %broadcast_in_dim3A_863, %get3A_975 : vector<16xf32>
        %mul3A_986 = arith.mulf %broadcast_in_dim3A_866, %get3A_978 : vector<16xf32>
        %add3A_987 = arith.addf %mul3A_985, %mul3A_986 : vector<16xf32>
        %mul3A_988 = arith.mulf %broadcast_in_dim3A_869, %get3A_981 : vector<16xf32>
        %add3A_989 = arith.addf %add3A_987, %mul3A_988 : vector<16xf32>
        %add3A_990 = arith.addf %broadcast_in_dim3A_872, %get3A_984 : vector<16xf32>
        %add3A_991 = arith.addf %add3A_990, %add3A_989 : vector<16xf32>
        %max3A = arith.constant 0.000000e+00 : f32
        %max3A_992 = vector.broadcast %max3A : f32 to vector<16xf32>
        %max3A_993 = arith.maximumf %add3A_991, %max3A_992 : vector<16xf32>
        %lt3A_994 = arith.cmpf olt, %max3A_993, %scan3A_968 : vector<16xf32>
        %select_n3A_995 = arith.select %lt3A_994, %max3A_993, %scan3A_968 : vector<16xi1>, vector<16xf32>
        %select_n3A_996 = arith.select %lt3A_994, %scan3A_970, %scan3A_969 : vector<16xi1>, vector<16xi32>
        %get3A_997 = arith.index_cast %mul3A_972 : i32 to index
        %get3A_998 = tpu.vector_load %arg23[%get3A_997] {strides = array<i32>} : memref<4096xf32, #tpu.memory_space<vmem>>, vector<16xf32>,
        %get3A_999 = vector.shape_cast %get3A_998 : vector<16xf32> to vector<16xf32>
        %min3A_1000 = arith.minimumf %get3A_999, %max3A_993 : vector<16xf32>
        %swap3A_1001 = arith.index_cast %mul3A_972 : i32 to index
        %swap3A_1002 = tpu.vector_load %arg23[%swap3A_1001] {strides = array<i32>} : memref<4096xf32, #tpu.memory_space<vmem>>, vector<16xf32>,
        %swap3A_1003 = vector.shape_cast %swap3A_1002 : vector<16xf32> to vector<16xf32>
        %swap3A_1004 = vector.shape_cast %min3A_1000 : vector<16xf32> to vector<16xf32>
        tpu.vector_store %arg23[%swap3A_1001], %swap3A_1004 {strides = array<i32>} : memref<4096xf32, #tpu.memory_space<vmem>>, vector<16xf32>,
        %add3A_1005 = arith.constant 16 : i32
        %add3A_1006 = vector.broadcast %add3A_1005 : i32 to vector<16xi32>
        %add3A_1007 = arith.addi %scan3A_970, %add3A_1006 : vector<16xi32>
        scf.yield %select_n3A_995, %select_n3A_996, %add3A_1007 : vector<16xf32>, vector<16xi32>, vector<16xi32>
      }
      %scan3A_878 = arith.constant 256 : i32
      %gather3A_879 = vector.shape_cast %broadcast_in_dim3A_74 : vector<16x1xi32> to vector<16xi32>
      %gather3A_880 = tpu.dynamic_gather %scan3A_877#0[%gather3A_879] in [0] : vector<16xf32>, vector<16xi32> -> vector<16xf32>
      %min3A_881 = arith.minimumf %scan3A_877#0, %gather3A_880 : vector<16xf32>
      %gather3A_882 = vector.shape_cast %broadcast_in_dim3A_100 : vector<16x1xi32> to vector<16xi32>
      %gather3A_883 = tpu.dynamic_gather %min3A_881[%gather3A_882] in [0] : vector<16xf32>, vector<16xi32> -> vector<16xf32>
      %min3A_884 = arith.minimumf %min3A_881, %gather3A_883 : vector<16xf32>
      %gather3A_885 = vector.shape_cast %broadcast_in_dim3A_126 : vector<16x1xi32> to vector<16xi32>
      %gather3A_886 = tpu.dynamic_gather %min3A_884[%gather3A_885] in [0] : vector<16xf32>, vector<16xi32> -> vector<16xf32>
      %min3A_887 = arith.minimumf %min3A_884, %gather3A_886 : vector<16xf32>
      %gather3A_888 = vector.shape_cast %broadcast_in_dim3A_152 : vector<16x1xi32> to vector<16xi32>
      %gather3A_889 = tpu.dynamic_gather %min3A_887[%gather3A_888] in [0] : vector<16xf32>, vector<16xi32> -> vector<16xf32>
      %min3A_890 = arith.minimumf %min3A_887, %gather3A_889 : vector<16xf32>
      %eq3A_891 = arith.cmpf oeq, %scan3A_877#0, %min3A_890 : vector<16xf32>
      %select_n3A_892 = arith.select %eq3A_891, %scan3A_877#1, %broadcast_in_dim3A_46 : vector<16xi1>, vector<16xi32>
      %gather3A_893 = vector.shape_cast %broadcast_in_dim3A_74 : vector<16x1xi32> to vector<16xi32>
      %gather3A_894 = tpu.dynamic_gather %select_n3A_892[%gather3A_893] in [0] : vector<16xi32>, vector<16xi32> -> vector<16xi32>
      %min3A_895 = arith.minsi %select_n3A_892, %gather3A_894 : vector<16xi32>
      %gather3A_896 = vector.shape_cast %broadcast_in_dim3A_100 : vector<16x1xi32> to vector<16xi32>
      %gather3A_897 = tpu.dynamic_gather %min3A_895[%gather3A_896] in [0] : vector<16xi32>, vector<16xi32> -> vector<16xi32>
      %min3A_898 = arith.minsi %min3A_895, %gather3A_897 : vector<16xi32>
      %gather3A_899 = vector.shape_cast %broadcast_in_dim3A_126 : vector<16x1xi32> to vector<16xi32>
      %gather3A_900 = tpu.dynamic_gather %min3A_898[%gather3A_899] in [0] : vector<16xi32>, vector<16xi32> -> vector<16xi32>
      %min3A_901 = arith.minsi %min3A_898, %gather3A_900 : vector<16xi32>
      %gather3A_902 = vector.shape_cast %broadcast_in_dim3A_152 : vector<16x1xi32> to vector<16xi32>
      %gather3A_903 = tpu.dynamic_gather %min3A_901[%gather3A_902] in [0] : vector<16xi32>, vector<16xi32> -> vector<16xi32>
      %min3A_904 = arith.minsi %min3A_901, %gather3A_903 : vector<16xi32>
      %eq3A_905 = arith.constant 14 : i32
      %eq3A_906 = vector.broadcast %eq3A_905 : i32 to vector<16xi32>
      %eq3A_907 = arith.cmpi eq, %iota3A, %eq3A_906 : vector<16xi32>
      %select_n3A_908 = arith.select %eq3A_907, %min3A_890, %select_n3A_859 : vector<16xi1>, vector<16xf32>
      %select_n3A_909 = arith.select %eq3A_907, %min3A_904, %select_n3A_860 : vector<16xi1>, vector<16xi32>
      %slice3A_910 = vector.extract_strided_slice %get3A_167 {offsets = [15], sizes = [1], strides = [1]} : vector<16xf32> to vector<1xf32>
      %squeeze3A_911 = vector.extract %slice3A_910[0] : f32 from vector<1xf32>
      %broadcast_in_dim3A_912 = vector.broadcast %squeeze3A_911 : f32 to vector<16xf32>
      %slice3A_913 = vector.extract_strided_slice %get3A_170 {offsets = [15], sizes = [1], strides = [1]} : vector<16xf32> to vector<1xf32>
      %squeeze3A_914 = vector.extract %slice3A_913[0] : f32 from vector<1xf32>
      %broadcast_in_dim3A_915 = vector.broadcast %squeeze3A_914 : f32 to vector<16xf32>
      %slice3A_916 = vector.extract_strided_slice %get3A_173 {offsets = [15], sizes = [1], strides = [1]} : vector<16xf32> to vector<1xf32>
      %squeeze3A_917 = vector.extract %slice3A_916[0] : f32 from vector<1xf32>
      %broadcast_in_dim3A_918 = vector.broadcast %squeeze3A_917 : f32 to vector<16xf32>
      %slice3A_919 = vector.extract_strided_slice %get3A_176 {offsets = [15], sizes = [1], strides = [1]} : vector<16xf32> to vector<1xf32>
      %squeeze3A_920 = vector.extract %slice3A_919[0] : f32 from vector<1xf32>
      %broadcast_in_dim3A_921 = vector.broadcast %squeeze3A_920 : f32 to vector<16xf32>
      %scan3A_922 = arith.constant 0 : i32
      %scan3A_923 = arith.constant 256 : i32
      %scan3A_924 = arith.addi %scan3A_922, %scan3A_923 : i32
      %scan3A_925 = arith.constant 1 : i32
      %scan3A_926:3 = scf.for %scan3A_967 = %scan3A_922 to %scan3A_924 step %scan3A_925 iter_args(%scan3A_968 = %broadcast_in_dim3A_38, %scan3A_969 = %broadcast_in_dim3A_48, %scan3A_970 = %iota3A) -> (vector<16xf32>, vector<16xi32>, vector<16xi32>)  : i32 {
        %mul3A_971 = arith.constant 16 : i32
        %mul3A_972 = arith.muli %scan3A_967, %mul3A_971 : i32
        %get3A_973 = arith.index_cast %mul3A_972 : i32 to index
        %get3A_974 = tpu.vector_load %arg13[%get3A_973] {strides = array<i32>} : memref<4096xf32, #tpu.memory_space<vmem>>, vector<16xf32>,
        %get3A_975 = vector.shape_cast %get3A_974 : vector<16xf32> to vector<16xf32>
        %get3A_976 = arith.index_cast %mul3A_972 : i32 to index
        %get3A_977 = tpu.vector_load %arg14[%get3A_976] {strides = array<i32>} : memref<4096xf32, #tpu.memory_space<vmem>>, vector<16xf32>,
        %get3A_978 = vector.shape_cast %get3A_977 : vector<16xf32> to vector<16xf32>
        %get3A_979 = arith.index_cast %mul3A_972 : i32 to index
        %get3A_980 = tpu.vector_load %arg15[%get3A_979] {strides = array<i32>} : memref<4096xf32, #tpu.memory_space<vmem>>, vector<16xf32>,
        %get3A_981 = vector.shape_cast %get3A_980 : vector<16xf32> to vector<16xf32>
        %get3A_982 = arith.index_cast %mul3A_972 : i32 to index
        %get3A_983 = tpu.vector_load %arg16[%get3A_982] {strides = array<i32>} : memref<4096xf32, #tpu.memory_space<vmem>>, vector<16xf32>,
        %get3A_984 = vector.shape_cast %get3A_983 : vector<16xf32> to vector<16xf32>
        %mul3A_985 = arith.mulf %broadcast_in_dim3A_912, %get3A_975 : vector<16xf32>
        %mul3A_986 = arith.mulf %broadcast_in_dim3A_915, %get3A_978 : vector<16xf32>
        %add3A_987 = arith.addf %mul3A_985, %mul3A_986 : vector<16xf32>
        %mul3A_988 = arith.mulf %broadcast_in_dim3A_918, %get3A_981 : vector<16xf32>
        %add3A_989 = arith.addf %add3A_987, %mul3A_988 : vector<16xf32>
        %add3A_990 = arith.addf %broadcast_in_dim3A_921, %get3A_984 : vector<16xf32>
        %add3A_991 = arith.addf %add3A_990, %add3A_989 : vector<16xf32>
        %max3A = arith.constant 0.000000e+00 : f32
        %max3A_992 = vector.broadcast %max3A : f32 to vector<16xf32>
        %max3A_993 = arith.maximumf %add3A_991, %max3A_992 : vector<16xf32>
        %lt3A_994 = arith.cmpf olt, %max3A_993, %scan3A_968 : vector<16xf32>
        %select_n3A_995 = arith.select %lt3A_994, %max3A_993, %scan3A_968 : vector<16xi1>, vector<16xf32>
        %select_n3A_996 = arith.select %lt3A_994, %scan3A_970, %scan3A_969 : vector<16xi1>, vector<16xi32>
        %get3A_997 = arith.index_cast %mul3A_972 : i32 to index
        %get3A_998 = tpu.vector_load %arg23[%get3A_997] {strides = array<i32>} : memref<4096xf32, #tpu.memory_space<vmem>>, vector<16xf32>,
        %get3A_999 = vector.shape_cast %get3A_998 : vector<16xf32> to vector<16xf32>
        %min3A_1000 = arith.minimumf %get3A_999, %max3A_993 : vector<16xf32>
        %swap3A_1001 = arith.index_cast %mul3A_972 : i32 to index
        %swap3A_1002 = tpu.vector_load %arg23[%swap3A_1001] {strides = array<i32>} : memref<4096xf32, #tpu.memory_space<vmem>>, vector<16xf32>,
        %swap3A_1003 = vector.shape_cast %swap3A_1002 : vector<16xf32> to vector<16xf32>
        %swap3A_1004 = vector.shape_cast %min3A_1000 : vector<16xf32> to vector<16xf32>
        tpu.vector_store %arg23[%swap3A_1001], %swap3A_1004 {strides = array<i32>} : memref<4096xf32, #tpu.memory_space<vmem>>, vector<16xf32>,
        %add3A_1005 = arith.constant 16 : i32
        %add3A_1006 = vector.broadcast %add3A_1005 : i32 to vector<16xi32>
        %add3A_1007 = arith.addi %scan3A_970, %add3A_1006 : vector<16xi32>
        scf.yield %select_n3A_995, %select_n3A_996, %add3A_1007 : vector<16xf32>, vector<16xi32>, vector<16xi32>
      }
      %scan3A_927 = arith.constant 256 : i32
      %gather3A_928 = vector.shape_cast %broadcast_in_dim3A_74 : vector<16x1xi32> to vector<16xi32>
      %gather3A_929 = tpu.dynamic_gather %scan3A_926#0[%gather3A_928] in [0] : vector<16xf32>, vector<16xi32> -> vector<16xf32>
      %min3A_930 = arith.minimumf %scan3A_926#0, %gather3A_929 : vector<16xf32>
      %gather3A_931 = vector.shape_cast %broadcast_in_dim3A_100 : vector<16x1xi32> to vector<16xi32>
      %gather3A_932 = tpu.dynamic_gather %min3A_930[%gather3A_931] in [0] : vector<16xf32>, vector<16xi32> -> vector<16xf32>
      %min3A_933 = arith.minimumf %min3A_930, %gather3A_932 : vector<16xf32>
      %gather3A_934 = vector.shape_cast %broadcast_in_dim3A_126 : vector<16x1xi32> to vector<16xi32>
      %gather3A_935 = tpu.dynamic_gather %min3A_933[%gather3A_934] in [0] : vector<16xf32>, vector<16xi32> -> vector<16xf32>
      %min3A_936 = arith.minimumf %min3A_933, %gather3A_935 : vector<16xf32>
      %gather3A_937 = vector.shape_cast %broadcast_in_dim3A_152 : vector<16x1xi32> to vector<16xi32>
      %gather3A_938 = tpu.dynamic_gather %min3A_936[%gather3A_937] in [0] : vector<16xf32>, vector<16xi32> -> vector<16xf32>
      %min3A_939 = arith.minimumf %min3A_936, %gather3A_938 : vector<16xf32>
      %eq3A_940 = arith.cmpf oeq, %scan3A_926#0, %min3A_939 : vector<16xf32>
      %select_n3A_941 = arith.select %eq3A_940, %scan3A_926#1, %broadcast_in_dim3A_46 : vector<16xi1>, vector<16xi32>
      %gather3A_942 = vector.shape_cast %broadcast_in_dim3A_74 : vector<16x1xi32> to vector<16xi32>
      %gather3A_943 = tpu.dynamic_gather %select_n3A_941[%gather3A_942] in [0] : vector<16xi32>, vector<16xi32> -> vector<16xi32>
      %min3A_944 = arith.minsi %select_n3A_941, %gather3A_943 : vector<16xi32>
      %gather3A_945 = vector.shape_cast %broadcast_in_dim3A_100 : vector<16x1xi32> to vector<16xi32>
      %gather3A_946 = tpu.dynamic_gather %min3A_944[%gather3A_945] in [0] : vector<16xi32>, vector<16xi32> -> vector<16xi32>
      %min3A_947 = arith.minsi %min3A_944, %gather3A_946 : vector<16xi32>
      %gather3A_948 = vector.shape_cast %broadcast_in_dim3A_126 : vector<16x1xi32> to vector<16xi32>
      %gather3A_949 = tpu.dynamic_gather %min3A_947[%gather3A_948] in [0] : vector<16xi32>, vector<16xi32> -> vector<16xi32>
      %min3A_950 = arith.minsi %min3A_947, %gather3A_949 : vector<16xi32>
      %gather3A_951 = vector.shape_cast %broadcast_in_dim3A_152 : vector<16x1xi32> to vector<16xi32>
      %gather3A_952 = tpu.dynamic_gather %min3A_950[%gather3A_951] in [0] : vector<16xi32>, vector<16xi32> -> vector<16xi32>
      %min3A_953 = arith.minsi %min3A_950, %gather3A_952 : vector<16xi32>
      %eq3A_954 = arith.constant 15 : i32
      %eq3A_955 = vector.broadcast %eq3A_954 : i32 to vector<16xi32>
      %eq3A_956 = arith.cmpi eq, %iota3A, %eq3A_955 : vector<16xi32>
      %select_n3A_957 = arith.select %eq3A_956, %min3A_939, %select_n3A_908 : vector<16xi1>, vector<16xf32>
      %select_n3A_958 = arith.select %eq3A_956, %min3A_953, %select_n3A_909 : vector<16xi1>, vector<16xi32>
      %swap3A = arith.index_cast %mul3A_165 : i32 to index
      %swap3A_959 = tpu.vector_load %arg21[%swap3A] {strides = array<i32>} : memref<1024xf32, #tpu.memory_space<vmem>>, vector<16xf32>,
      %swap3A_960 = vector.shape_cast %swap3A_959 : vector<16xf32> to vector<16xf32>
      %swap3A_961 = vector.shape_cast %select_n3A_957 : vector<16xf32> to vector<16xf32>
      tpu.vector_store %arg21[%swap3A], %swap3A_961 {strides = array<i32>} : memref<1024xf32, #tpu.memory_space<vmem>>, vector<16xf32>,
      %swap3A_962 = arith.index_cast %mul3A_165 : i32 to index
      %swap3A_963 = tpu.vector_load %arg22[%swap3A_962] {strides = array<i32>} : memref<1024xi32, #tpu.memory_space<vmem>>, vector<16xi32>,
      %swap3A_964 = vector.shape_cast %swap3A_963 : vector<16xi32> to vector<16xi32>
      %swap3A_965 = vector.shape_cast %select_n3A_958 : vector<16xi32> to vector<16xi32>
      tpu.vector_store %arg22[%swap3A_962], %swap3A_965 {strides = array<i32>} : memref<1024xi32, #tpu.memory_space<vmem>>, vector<16xi32>,
      %scan3A_966 = arith.constant 0 : i32
      scf.yield %scan3A_966 : i32
    }
    %scan3A_159 = arith.constant 64 : i32
    "tpu.region"() ({
      %run_scoped3A = tpu.sem_alloc : memref<!tpu.dma_semaphore, #tpu.memory_space<semaphore_mem>>
      %dma_start3A = tpu.memref_slice %arg10[%add3A_37] : memref<32768xf32, #tpu.memory_space<hbm>> -> memref<1024xf32, #tpu.memory_space<hbm>>
      %dma_start3A_162 = tpu.memref_slice %arg10[%add3A_37] : memref<32768xf32, #tpu.memory_space<hbm>> -> memref<1024xf32, #tpu.memory_space<hbm>>
      tpu.enqueue_dma source(%arg21 : memref<1024xf32, #tpu.memory_space<vmem>>) target(%dma_start3A_162 : memref<1024xf32, #tpu.memory_space<hbm>>) target_semaphore(%run_scoped3A : memref<!tpu.dma_semaphore, #tpu.memory_space<semaphore_mem>>)
      %dma_wait3A = tpu.memref_slice %arg10[%add3A_37] : memref<32768xf32, #tpu.memory_space<hbm>> -> memref<1024xf32, #tpu.memory_space<hbm>>
      %dma_wait3A_163 = tpu.memref_slice %arg10[%add3A_37] : memref<32768xf32, #tpu.memory_space<hbm>> -> memref<1024xf32, #tpu.memory_space<hbm>>
      tpu.wait_dma2 semaphore(%run_scoped3A : memref<!tpu.dma_semaphore, #tpu.memory_space<semaphore_mem>>) src(%arg21 : memref<1024xf32, #tpu.memory_space<vmem>>) dst(%dma_wait3A_163 : memref<1024xf32, #tpu.memory_space<hbm>>)
      tpu.yield
    }) : () -> ()
    "tpu.region"() ({
      %run_scoped3A = tpu.sem_alloc : memref<!tpu.dma_semaphore, #tpu.memory_space<semaphore_mem>>
      %dma_start3A = tpu.memref_slice %arg11[%add3A_37] : memref<32768xi32, #tpu.memory_space<hbm>> -> memref<1024xi32, #tpu.memory_space<hbm>>
      %dma_start3A_162 = tpu.memref_slice %arg11[%add3A_37] : memref<32768xi32, #tpu.memory_space<hbm>> -> memref<1024xi32, #tpu.memory_space<hbm>>
      tpu.enqueue_dma source(%arg22 : memref<1024xi32, #tpu.memory_space<vmem>>) target(%dma_start3A_162 : memref<1024xi32, #tpu.memory_space<hbm>>) target_semaphore(%run_scoped3A : memref<!tpu.dma_semaphore, #tpu.memory_space<semaphore_mem>>)
      %dma_wait3A = tpu.memref_slice %arg11[%add3A_37] : memref<32768xi32, #tpu.memory_space<hbm>> -> memref<1024xi32, #tpu.memory_space<hbm>>
      %dma_wait3A_163 = tpu.memref_slice %arg11[%add3A_37] : memref<32768xi32, #tpu.memory_space<hbm>> -> memref<1024xi32, #tpu.memory_space<hbm>>
      tpu.wait_dma2 semaphore(%run_scoped3A : memref<!tpu.dma_semaphore, #tpu.memory_space<semaphore_mem>>) src(%arg22 : memref<1024xi32, #tpu.memory_space<vmem>>) dst(%dma_wait3A_163 : memref<1024xi32, #tpu.memory_space<hbm>>)
      tpu.yield
    }) : () -> ()
    %mul3A_160 = arith.constant 4096 : i32
    %mul3A_161 = arith.muli %add3A, %mul3A_160 : i32
    "tpu.region"() ({
      %run_scoped3A = tpu.sem_alloc : memref<!tpu.dma_semaphore, #tpu.memory_space<semaphore_mem>>
      %dma_start3A = tpu.memref_slice %arg12[%mul3A_161] : memref<131072xf32, #tpu.memory_space<hbm>> -> memref<4096xf32, #tpu.memory_space<hbm>>
      %dma_start3A_162 = tpu.memref_slice %arg12[%mul3A_161] : memref<131072xf32, #tpu.memory_space<hbm>> -> memref<4096xf32, #tpu.memory_space<hbm>>
      tpu.enqueue_dma source(%arg23 : memref<4096xf32, #tpu.memory_space<vmem>>) target(%dma_start3A_162 : memref<4096xf32, #tpu.memory_space<hbm>>) target_semaphore(%run_scoped3A : memref<!tpu.dma_semaphore, #tpu.memory_space<semaphore_mem>>)
      %dma_wait3A = tpu.memref_slice %arg12[%mul3A_161] : memref<131072xf32, #tpu.memory_space<hbm>> -> memref<4096xf32, #tpu.memory_space<hbm>>
      %dma_wait3A_163 = tpu.memref_slice %arg12[%mul3A_161] : memref<131072xf32, #tpu.memory_space<hbm>> -> memref<4096xf32, #tpu.memory_space<hbm>>
      tpu.wait_dma2 semaphore(%run_scoped3A : memref<!tpu.dma_semaphore, #tpu.memory_space<semaphore_mem>>) src(%arg23 : memref<4096xf32, #tpu.memory_space<vmem>>) dst(%dma_wait3A_163 : memref<4096xf32, #tpu.memory_space<hbm>>)
      tpu.yield
    }) : () -> ()
    return
  }
}

</mosaic_0001>

<sc_bundles>
// kernel: kernel.3.cloned.1.call-start
scs
__scs_entry_jumppad:
0x0: {  	(pc) =	sbr.rel $0x88, $3  }
0x1: {  	(tag) =	ssettag $0x0;
	lr =	simm.s32 $0x1  }
0x2: {  	[smem:$0x3F9F] =	sst lr;
	_ =	strace $0xD0000000  }
0x3: {  	_ = 	snop  }
0x4: {  	_ = 	snop  }
0x5: {  	_ = 	snop  }
0x6: {  	_ = 	snop  }
0x7: {  	_ = 	snop  }
__scs_overlays_trampoline_lowered:
0x8: {  	[smem:$0x3FAE] =	sst s0  }
0x9: {  	[smem:$0x3FAF] =	sst s1  }
0xa: {  	[smem:$0x3FB0] =	sst s2  }
0xb: {  	[smem:$0x3FB1] =	sst s3  }
0xc: {  	[smem:$0x3FB2] =	sst s4  }
0xd: {  	[smem:$0x3FB3] =	sst s5  }
0xe: {  	[smem:$0x3FB4] =	sst s6  }
0xf: {  	[smem:$0x3FB5] =	sst s7  }
0x10: {  	[smem:$0x3FB6] =	sst s8  }
0x11: {  	[smem:$0x3FB7] =	sst s9;
	s0 =	simm.s32 @!p0 $0x0  }
0x12: {  	s1 =	sld [smem:$0x3F9D];
	s0 =	simm.s32 @p0 $0x1  }
0x13: {  	[smem:$0x3FB8] =	sst s0;
	s0 =	simm.s32 @!p1 $0x0  }
0x14: {  	s2 =	sld [smem:$0x3F9C];
	s0 =	simm.s32 @p1 $0x1  }
0x15: {  	[smem:$0x3FB9] =	sst s0;
	s0 =	simm.s32 @!p2 $0x0  }
0x16: {  	s3 =	sld [smem:$0x3FDB];
	s0 =	simm.s32 @p2 $0x1  }
0x17: {  	s4 =	simm.s32 $0x1BF5;
	[smem:$0x3FBB] =	sst s0  }
0x18: {  	s0 =	sld [smem:$0x3F9E];
	_ =	swait.ge [sflag:s4], $0x0  }
0x19: {  	s7 =	sld [smem:$0x3F9F]  }
0x1a: {  	s8 =	sadd.s32 $0xFFFFE003, lr  }
0x1b: {  	s9 =	sadd.s32 $0xFFFFFEF7, lr;
	s5 =	simm.s32 $0xFFFFFFFF;
	p2 =	slt.u32 s8, $0xFFFFF086  }
0x1c: {  	p1 =	slt.u32 s9, $0xF7A;
	s5 =	simm.s32 @!p2 $0x0  }
0x1d: {  	s5 =	simm.s32 @p1 $0x1;
	p0 =	seq.s32 s7, s2  }
0x1e: {  	s7 =	smul.u32 @!p0 $0xF7A, s2;
	p2 =	seq.s32 @!p0 s5, $0x0  }
0x1f: {  	s9 =	smul.u32 $0xF7A, s1;
	s8 =	simm.s32 @!p0 $0x1BF5;
	p2 =	por !p2, p0  }
0x20: {  	[sflag:s8] =	ssyncset.s32 @!p0 $0xFFFFF086;
	s6 =	sadd.s32 @!p0 s3, s7;
	s7 =	simm.s32 @!p0 $0x108  }
0x21: {  	s3 =	sadd.s32 s3, s9;
	s6 =	sadd.s32 @!p0 $0x88, s6;
	s7 =	simm.s32 @p2 $0x1082  }
0x22: {  	[simem:s7], [sflag:s8] =	dma.local @!p0 [hbm:s6], $0xF7A  }
0x23: {  	s9 =	sor.u32 $0xD0000000, s2;
	s6 =	simm.s32 $0x108;
	_ =	swait.ge @!p0 [sflag:s8], $0x0  }
0x24: {  	s3 =	sadd.s32 $0x88, s3;
	s6 =	simm.s32 @!p1 $0x1082;
	[sflag:s4] =	ssyncset.s32 $0xFFFFF086  }
0x25: {  	[simem:s6], [sflag:s4] =	dma.local [hbm:s3], $0xF7A  }
0x26: {  	[smem:$0x3F9F] =	sst s1;
	(tag) =	ssettag s2;
	_ =	strace s9  }
0x27: {  	s1 =	sld [smem:$0x3FAF]  }
0x28: {  	s2 =	sld [smem:$0x3FB0]  }
0x29: {  	s4 =	sld [smem:$0x3FB2]  }
0x2a: {  	p0 =	seq.s32 s5, $0x0;
	s5 =	sld [smem:$0x3FB3]  }
0x2b: {  	s6 =	sld [smem:$0x3FB4]  }
0x2c: {  	s7 =	sld [smem:$0x3FB5]  }
0x2d: {  	s3 =	simm.s32 $0x108;
	s8 =	sld [smem:$0x3FB6]  }
0x2e: {  	s3 =	simm.s32 @!p0 $0x1082;
	s9 =	sld [smem:$0x3FB7]  }
0x2f: {  	lr =	sadd.s32 s0, s3;
	s0 =	sld [smem:$0x3FAE]  }
0x30: {  	s3 =	sld [smem:$0x3FB1]  }
0x31: {  	[smem:$0x3FBA] =	sst s10  }
0x32: {  	s10 =	sld [smem:$0x3FB8];
	_ =	sdelay $0x3  }
0x33: {  	p0 =	seq.s32 s10, $0x1;
	s10 =	sld [smem:$0x3FBA];
	_ =	sdelay $0x3  }
0x34: {  	[smem:$0x3FBA] =	sst s10  }
0x35: {  	s10 =	sld [smem:$0x3FB9];
	_ =	sdelay $0x3  }
0x36: {  	p1 =	seq.s32 s10, $0x1;
	s10 =	sld [smem:$0x3FBA];
	_ =	sdelay $0x3  }
0x37: {  	[smem:$0x3FBA] =	sst s10  }
0x38: {  	s10 =	sld [smem:$0x3FBB]  }
0x39: {  	_ = 	snop;
	(pc) =	sbr.ind lr, $3  }
0x3a: {  	_ = 	snop  }
0x3b: {  	_ = 	snop  }
0x3c: {  	p2 =	seq.s32 s10, $0x1;
	s10 =	sld [smem:$0x3FBA]  }
0x3d: {  	_ =	shalt  }
0x3e: {  	_ =	shalt  }
0x3f: {  	_ =	shalt  }
0x40: {  	_ =	shalt  }
0x41: {  	_ =	shalt  }
0x42: {  	_ =	shalt  }
0x43: {  	_ =	shalt  }
0x44: {  	_ =	shalt  }
0x45: {  	_ =	shalt  }
0x46: {  	_ =	shalt  }
0x47: {  	_ =	shalt  }
0x48: {  	_ =	shalt  }
0x49: {  	_ =	shalt  }
0x4a: {  	_ =	shalt  }
0x4b: {  	_ =	shalt  }
0x4c: {  	_ =	shalt  }
0x4d: {  	_ =	shalt  }
0x4e: {  	_ =	shalt  }
0x4f: {  	_ =	shalt  }
0x50: {  	_ =	shalt  }
0x51: {  	_ =	shalt  }
0x52: {  	_ =	shalt  }
0x53: {  	_ =	shalt  }
0x54: {  	_ =	shalt  }
0x55: {  	_ =	shalt  }
0x56: {  	_ =	shalt  }
0x57: {  	_ =	shalt  }
0x58: {  	_ =	shalt  }
0x59: {  	_ =	shalt  }
0x5a: {  	_ =	shalt  }
0x5b: {  	_ =	shalt  }
0x5c: {  	_ =	shalt  }
0x5d: {  	_ =	shalt  }
0x5e: {  	_ =	shalt  }
0x5f: {  	_ =	shalt  }
0x60: {  	_ =	shalt  }
0x61: {  	_ =	shalt  }
0x62: {  	_ =	shalt  }
0x63: {  	_ =	shalt  }
0x64: {  	_ =	shalt  }
0x65: {  	_ =	shalt  }
0x66: {  	_ =	shalt  }
0x67: {  	_ =	shalt  }
0x68: {  	_ =	shalt  }
0x69: {  	_ =	shalt  }
0x6a: {  	_ =	shalt  }
0x6b: {  	_ =	shalt  }
0x6c: {  	_ =	shalt  }
0x6d: {  	_ =	shalt  }
0x6e: {  	_ =	shalt  }
0x6f: {  	_ =	shalt  }
0x70: {  	_ =	shalt  }
0x71: {  	_ =	shalt  }
0x72: {  	_ =	shalt  }
0x73: {  	_ =	shalt  }
0x74: {  	_ =	shalt  }
0x75: {  	_ =	shalt  }
0x76: {  	_ =	shalt  }
0x77: {  	_ =	shalt  }
0x78: {  	_ =	shalt  }
0x79: {  	_ =	shalt  }
0x7a: {  	_ =	shalt  }
0x7b: {  	_ =	shalt  }
0x7c: {  	_ =	shalt  }
0x7d: {  	_ =	shalt  }
0x7e: {  	_ =	shalt  }
0x7f: {  	_ =	shalt  }
0x80: {  	_ =	shalt  }
0x81: {  	_ =	shalt  }
0x82: {  	_ =	shalt  }
0x83: {  	_ =	shalt  }
0x84: {  	_ =	shalt  }
0x85: {  	_ =	shalt  }
0x86: {  	_ =	shalt  }
0x87: {  	_ =	shalt  }
.Lfunc_end0:
.L_simem_size_0:
called_computation_lowered:
.L_overlay_start_0:
0x88: {  	s2 =	sld [smem:$0x3FD9]  }
0x89: {  	s3 =	sld [smem:$0x3FFE];
	_ =	sdelay $0x1  }
0x8a: {  	s1 =	srdreg.scid  }
0x8b: {  	s0 =	sand.u32 $0x1, s1  }
0x8c: {  	s14 =	sshll.u32 s0, $0xA;
	s2 =	sadd.s32 s3, s2  }
0x8d: {  	s2 =	sadd.s32 s2, s14  }
0x8e: {  	[smem:$0x3FC6] =	sst s2  }
0x8f: {  	_ = 	snop  }
0x90: {  	s2 =	sld [smem:$0x3FD0];
	_ =	sdelay $0x2  }
0x91: {  	s15 =	simm.s32 $0xA;
	s4 =	simm.s32 $0x10  }
0x92: {  	[smem:s4], [sflag:s15] =	dma.local [hbm:s2], $0x1  }
0x93: {  	_ =	swait.eq [sflag:s15], $0x1  }
0x94: {  	[sflag:s15] =	ssyncset.done $0x0  }
0x95: {  	[sflag:s15] =	ssyncadd.s32 $0xFFFFFFFF  }
0x96: {  	s16 =	sld [smem:$0x11];
	(tm) =	ssettm $0x1  }
0x97: {  	s17 =	sld [smem:$0x3FFB];
	_ =	sdelay $0x3  }
0x98: {  	_ =	strace s17  }
0x99: {  	s3 =	sld [smem:$0x3FFC];
	_ =	sdelay $0x3  }
0x9a: {  	_ =	strace s3  }
0x9b: {  	s3 =	sld [smem:$0x3FFD];
	_ =	sdelay $0x3  }
0x9c: {  	_ =	strace s3  }
0x9d: {  	_ =	strace $0x8FFFFFFF  }
0x9e: {  	s18 =	sld [smem:$0x3FDB];
	_ =	sdelay $0x1  }
0x9f: {  	s19 =	simm.s32 $_scs_section_size  }
0xa0: {  	s5 =	simm.s32 $_size__tile_overlayer_lowered;
	s6 =	simm.s32 $_tile_overlayer_lowered  }
0xa1: {  	s22 =	simm.s32 $0x1BFF;
	s21 =	sshll.u32 s6, $0x1;
	s3 =	sadd.s32 s19, s18  }
0xa2: {  	s7 =	simm.s32 $0x0;
	s20 =	sshll.u32 s5, $0x1;
	s5 =	sadd.s32 s21, s3  }
0xa3: {  	[timem:s7], [sflag:s22] =	dma.local [hbm:s5], s20  }
0xa4: {  	_ =	swait.ge [sflag:s22], s20  }
0xa5: {  	s4 =	ssub.s32 $0x0, s20;
	[sflag:s22] =	ssyncset.done $0x0  }
0xa6: {  	[sflag:s22] =	ssyncadd.s32 s4;
	_ =	sdelay $0x1  }
0xa7: {  	s23 =	simm.s32 $0x1B8B  }
0xa8: {  	_ =	swait.ge [sflag:s23], $0x1  }
0xa9: {  	[sflag:s23] =	ssyncset.done $0x0  }
0xaa: {  	s25 =	simm.s32 $0x1B8E;
	s24 =	sld [smem:$0x3FFE];
	[sflag:s23] =	ssyncadd.s32 $0xFFFFFFFF  }
0xab: {  	s26 =	simm.s32 $execute0_lowered;
	[smem:$0x3FD2] =	sst s25  }
0xac: {  	s5 =	sshll.u32 s26, $0x1;
	_ =	strace $0x80000046;
	[dreg:$0x1] =	wrdreg $0xFFFFFFFF  }
0xad: {  	s28 =	simm.s32 $_size_execute0_lowered;
	s3 =	sadd.s32 s3, s5;
	[dreg:$0x0] =	wrdreg $0x0  }
0xae: {  	s5 =	sshll.u32 s28, $0x1;
	[dreg:$0x2] =	wrdreg s3  }
0xaf: {  	[dreg:$0x3] =	wrdreg s5  }
0xb0: {  	[dreg:$0x4] =	wrdreg $0xC0  }
0xb1: {  	_ =	task [dreg:s7], $0x5FFFF  }
0xb2: {  	[dreg:$0x1] =	wrdreg $0xFFFFFFFF  }
0xb3: {  	[dreg:$0x0] =	wrdreg $0x60  }
0xb4: {  	[dreg:$0x2] =	wrdreg s24  }
0xb5: {  	[dreg:$0x3] =	wrdreg s16  }
0xb6: {  	[dreg:$0x4] =	wrdreg $0x9  }
0xb7: {  	_ =	task.clear_ibuf [dreg:s7], $0x5FFFF;
	_ =	strace $0x90000046  }
0xb8: {  	s29 =	simm.s32 $0x9;
	_ =	strace $0x80000048  }
0xb9: {  	_ =	swait.ge [sflag:s29], $0x1  }
0xba: {  	[sflag:s29] =	ssyncadd.s32 $0xFFFFFFFF  }
0xbb: {  	_ =	strace $0x90000048  }
0xbc: {  	_ =	sfence  }
0xbd: {  	s30 =	sld [smem:$0x0];
	_ =	sdelay $0x2  }
0xbe: {  	s31 =	sshll.u32 s1, $0xD;
	s1 =	sshrl.u32 s1, $0x2  }
0xbf: {  	s3 =	sand.u32 $0x4000, s31;
	s1 =	sadd.s32 s1, s30  }
0xc0: {  	s0 =	sor.u32 s3, s0;
	s1 =	sshll.u32 s1, $0x11  }
0xc1: {  	s0 =	sor.u32 s1, s0  }
0xc2: {  	s0 =	sadd.s32 $0x8F2B, s0  }
0xc3: {  	[sflag:s0] =	ssyncadd.remote.s32 $0x1  }
0xc4: {  	_ =	sfence.sel $0xFFFF  }
0xc5: {  	[dreg:$0x0] =	wrdreg $0xFFFFFFFF;
	(pc) =	sbr.abs _section_cstart, $3  }
0xc6: {  	[dreg:$0x1] =	wrdreg $0xFFFFFFFF  }
0xc7: {  	_ =	task.clear_ibuf [dreg:s7], $0x2FFFF;
	_ =	strace $0x9FFFFFFF  }
0xc8: {  	(tm) =	ssettm $0x7FFFFFFF  }
0xc9: {  	_ =	shalt  }
tec
execute0_lowered:
.L_overlay_start_1:
0x0: {  	(tag) =	ssettag $0x1  }
0x1: {  	s0 =	srdreg.scid  }
0x2: {  	s2 =	stileid.u32;
	s8 =	rddreg [dreg:$0x0]  }
0x3: {  	s4 =	simm.s32 $0x1;
	s11 =	rddreg [dreg:$0x1];
	s16 =	simm.s32 $0x1000  }
0x4: {  	s17 =	simm.s32 $0x2000;
	s18 =	simm.s32 $0x3000;
	s19 =	simm.s32 $0x4000  }
0x5: {  	s20 =	simm.s32 $0x4400;
	s21 =	simm.s32 $0x4800;
	s0 =	sand.u32 $0x1, s0  }
0x6: {  	s22 =	simm.s32 $0x4C00;
	s23 =	simm.s32 $0x5000;
	s1 =	sshll.u32 s0, $0x4  }
0x7: {  	v0 =	vimm.s32 $0xFEDCBA98;
	s24 =	simm.s32 $0x5400;
	s3 =	sand.u32 $0x3, s2;
	s1 =	sor.u32 s2, s1  }
0x8: {  	v1 =	vimm.s32 $0x76543210;
	v2 =	vimm.s32 $0x3210FEDC;
	s25 =	simm.s32 $0x5800;
	p1 =	sne.s32 s3, $0x0;
	p0 =	seq.s32 s1, $0x0  }
0x9: {  	v3 =	vimm.s32 $0xBA987654;
	v4 =	vimm.s32 $0x10FEDCBA;
	v5 =	vimm.s32 $0x98765432;
	s26 =	simm.s32 $0x0;
	s0 =	ssub.s32 $0x2, s0;
	p0 =	por !p1, !p0  }
0xa: {  	v6 =	vimm.s32 $0xFEDCBA9;
	v7 =	vimm.s32 $0x87654321;
	s6 =	sshll.u32 s3, $0xA;
	s3 =	simm.s32 $0x1;
	p0 =	por !p0, !p0  }
0xb: {  	v0 =	vunpack.c.l.s4.s8 v0;
	v1 =	vunpack.c.l.s4.s8 v1;
	v2 =	vunpack.c.l.s4.s8 v2;
	s2 =	simm.s32 $0x0;
	s5 =	sshrl.u32 s1, $0x2;
	s4 =	simm.s32 @!p0 $0x0  }
0xc: {  	v3 =	vunpack.c.l.s4.s8 v3;
	v4 =	vunpack.c.l.s4.s8 v4;
	v5 =	vunpack.c.l.s4.s8 v5;
	s9 =	sshrl.u32 s0, $0x1;
	[smem:$0x7FF] =	sst s2;
	s4 =	ssub.s32 s5, s4  }
0xd: {  	v6 =	vunpack.c.l.s4.s8 v6;
	v7 =	vunpack.c.l.s4.s8 v7;
	v0 =	vunpack.c.0.s8.s32 v0;
	s1 =	sshll.u32 s1, $0x9;
	s0 =	ssub.s32 s0, s9;
	s4 =	sshll.u32 s4, $0xC  }
0xe: {  	v2 =	vunpack.c.0.s8.s32 v2;
	v3 =	vunpack.c.0.s8.s32 v3;
	v4 =	vunpack.c.0.s8.s32 v4;
	_ =	strace $0x80000047;
	s1 =	sadd.s32 s1, s8;
	s31 =	sshrl.u32 s4, $0x3  }
0xf: {  	v5 =	vunpack.c.0.s8.s32 v5;
	v6 =	vunpack.c.0.s8.s32 v6;
	v7 =	vunpack.c.0.s8.s32 v7;
	s15 =	smax.u32 s0, $0x1;
	s6 =	sor.u32 s6, s4;
	s7 =	sadd.s32 s31, s8  }
0x10: {  	v1 =	vunpack.c.0.s8.s32 v1;
	v2 =	vcombine.low v3, v2;
	s14 =	sadd.s32 $0x9000, s1;
	s12 =	sshrl.u32 s6, $0x3;
	s4 =	sadd.s32 $0x6000, s7  }
0x11: {  	v3 =	vcombine.low v5, v4;
	v4 =	vand.u32 $0xF, v0;
	v5 =	vcombine.low v7, v6;
	s5 =	sadd.s32 $0x5000, s7;
	s6 =	sadd.s32 $0x4000, s7;
	s8 =	sadd.s32 s8, s12  }
0x12: {  	v0 =	vimm.f32 $+Inf;
	v1 =	vcombine.low v4, v1;
	s7 =	sadd.s32 $0x3000, s7;
	s11 =	sadd.s32 s11, s12;
	s9 =	sadd.s32 $0x2000, s8  }
0x13: {  	v2 =	vand.u32 $0xF, v2;
	v3 =	vand.u32 $0xF, v3;
	v4 =	vand.u32 $0xF, v5;
	s10 =	sadd.s32 $0x1000, s8;
	s12 =	sadd.s32 $0x7000, s8;
	s13 =	sadd.s32 $0x8000, s8  }
.LBB2_1:
0x14: {  	[tilespmem:s2], [sflag:$0x1] =	stream.linear.gather [hbm4b:s4+s2], $0x1000, $0x38;
	[tilespmem:$0x6800] =	vst v63  }
0x15: {  	_ =	swait.ge [sflag:s3], $0x1000  }
0x16: {  	[sflag:s3] =	ssyncset.done $0x0  }
0x17: {  	[sflag:s3] =	ssyncadd.s32 $0xFFFFF000  }
0x18: {  	[tilespmem:s16], [sflag:$0x1] =	stream.linear.gather [hbm4b:s5+s2], $0x1000, $0x38;
	[tilespmem:$0x6800] =	vst v63  }
0x19: {  	_ =	swait.ge [sflag:s3], $0x1000  }
0x1a: {  	[sflag:s3] =	ssyncset.done $0x0  }
0x1b: {  	[sflag:s3] =	ssyncadd.s32 $0xFFFFF000  }
0x1c: {  	[tilespmem:s17], [sflag:$0x1] =	stream.linear.gather [hbm4b:s6+s2], $0x1000, $0x38;
	[tilespmem:$0x6800] =	vst v63  }
0x1d: {  	_ =	swait.ge [sflag:s3], $0x1000  }
0x1e: {  	[sflag:s3] =	ssyncset.done $0x0  }
0x1f: {  	[sflag:s3] =	ssyncadd.s32 $0xFFFFF000  }
0x20: {  	[tilespmem:s18], [sflag:$0x1] =	stream.linear.gather [hbm4b:s7+s2], $0x1000, $0x38;
	[tilespmem:$0x6800] =	vst v63  }
0x21: {  	_ =	swait.ge [sflag:s3], $0x1000  }
0x22: {  	[sflag:s3] =	ssyncset.done $0x0  }
0x23: {  	[sflag:s3] =	ssyncadd.s32 $0xFFFFF000  }
0x24: {  	[tilespmem:s19], [sflag:$0x1] =	stream.linear.gather [hbm4b:s9+s2], $0x400, $0x38;
	[tilespmem:$0x6800] =	vst v63  }
0x25: {  	_ =	swait.ge [sflag:s3], $0x400  }
0x26: {  	[sflag:s3] =	ssyncset.done $0x0  }
0x27: {  	[sflag:s3] =	ssyncadd.s32 $0xFFFFFC00  }
0x28: {  	[tilespmem:s20], [sflag:$0x1] =	stream.linear.gather [hbm4b:s10+s2], $0x400, $0x38;
	[tilespmem:$0x6800] =	vst v63  }
0x29: {  	_ =	swait.ge [sflag:s3], $0x400  }
0x2a: {  	[sflag:s3] =	ssyncset.done $0x0  }
0x2b: {  	[sflag:s3] =	ssyncadd.s32 $0xFFFFFC00  }
0x2c: {  	[tilespmem:s21], [sflag:$0x1] =	stream.linear.gather [hbm4b:s11+s2], $0x400, $0x38;
	[tilespmem:$0x6800] =	vst v63  }
0x2d: {  	_ =	swait.ge [sflag:s3], $0x400  }
0x2e: {  	[sflag:s3] =	ssyncset.done $0x0  }
0x2f: {  	[sflag:s3] =	ssyncadd.s32 $0xFFFFFC00  }
0x30: {  	[tilespmem:s22], [sflag:$0x1] =	stream.linear.gather [hbm4b:s8+s2], $0x400, $0x38;
	[tilespmem:$0x6800] =	vst v63  }
0x31: {  	_ =	swait.ge [sflag:s3], $0x400  }
0x32: {  	[sflag:s3] =	ssyncset.done $0x0  }
0x33: {  	s0 =	simm.s32 $0x40;
	s1 =	simm.s32 $0x0;
	[sflag:s3] =	ssyncadd.s32 $0xFFFFFC00  }
.LBB2_2:
0x34: {  	p0 =	sne.s32 s0, $0x3FC0;
	[tilespmem:s1+$0x5800] =	vst v0;
	s1 =	smov.u32 s0;
	s0 =	sadd.s32 $0x40, s0  }
.Ltmp0:
0x35: {  	(pc) =	sbr.rel @p0 .LBB2_2-.Ltmp0, $2  }
0x36: {  	_ =	sdelay $0x2  }
0x37: {  	s1 =	sshra.s32 s1, $0x2  }
0x38: {  	[tilespmem:s1+$0x5800] =	vst v0;
	s28 =	simm.s32 $0x0  }
.LBB2_4:
0x39: {  	s29 =	sshll.u32 s28, $0x4  }
0x3a: {  	v7 =	vld [tilespmem:s29+$0x4000]  }
0x3b: {  	v8 =	vld [tilespmem:s29+$0x4400]  }
0x3c: {  	s31 =	simm.s32 $0x0;
	v6 =	vld [tilespmem:s29+$0x4800]  }
0x3d: {  	v9 =	vld [tilespmem:s31+$0x0]  }
0x3e: {  	v10 =	vld [tilespmem:s31+$0x1000]  }
0x3f: {  	v5 =	vld [tilespmem:s29+$0x4C00]  }
0x40: {  	v15 =	vld [tilespmem:s31+$0x2000]  }
0x41: {  	v12 =	vbroadcast v7, $0x0;
	v13 =	vbroadcast v8, $0x0  }
0x42: {  	s30 =	simm.s32 $0x10;
	v16 =	vld [tilespmem:s31+$0x3000];
	v11 =	vbroadcast v6, $0x0  }
0x43: {  	v17 =	vld [tilespmem:s30+$0x0];
	v9 =	vmul.f32 v9, v12;
	v10 =	vmul.f32 v10, v13  }
0x44: {  	v19 =	vld [tilespmem:s30+$0x1000]  }
0x45: {  	v20 =	vld [tilespmem:s30+$0x2000];
	v14 =	vbroadcast v5, $0x0;
	v15 =	vmul.f32 v15, v11;
	v9 =	vadd.f32 v10, v9;
	_ =	sdelay $0x1  }
0x46: {  	v18 =	vld [tilespmem:s31+$0x5800];
	v10 =	vadd.f32 v16, v14;
	v9 =	vadd.f32 v15, v9;
	_ =	sdelay $0x1  }
0x47: {  	v21 =	vmul.f32 v17, v12;
	v16 =	vld [tilespmem:s30+$0x3000];
	v23 =	vadd.f32 v9, v10  }
0x48: {  	s1 =	simm.s32 $0x20;
	v22 =	vmul.f32 v19, v13;
	v20 =	vmul.f32 v20, v11;
	v15 =	vimm.f32 $+Inf  }
0x49: {  	s0 =	simm.s32 $0xC0;
	v17 =	vld [tilespmem:s1+$0x0];
	v10 =	vimm.s32 $0x0;
	v9 =	vlaneseq.u32;
	v19 =	vmax.f32 v23, $0.0e+00  }
.LBB2_5:
0x4a: {  	p0 =	sne.s32 s0, $0x3FC0;
	v23 =	vld [tilespmem:s1+$0x1000];
	v21 =	vadd.f32 v22, v21;
	vm0 =	vlt.f32 v19, v15;
	v18 =	vmin.f32 v18, v19  }
0x4b: {  	v24 =	vld [tilespmem:s1+$0x2000];
	v15 =	vsel vm0, v19, v15;
	v10 =	vsel vm0, v9, v10;
	[tilespmem:s31+$0x5800] =	vst v18;
	s31 =	smov.u32 s30;
	s30 =	smov.u32 s1  }
.Ltmp1:
0x4c: {  	v19 =	vadd.f32 v20, v21;
	v20 =	vadd.f32 v16, v14;
	v18 =	vld [tilespmem:s31+$0x5800];
	(pc) =	sbr.rel @p0 .LBB2_5-.Ltmp1, $4  }
0x4d: {  	_ = 	snop  }
0x4e: {  	v16 =	vld [tilespmem:s30+$0x3000];
	v19 =	vadd.f32 v19, v20  }
0x4f: {  	s1 =	sshra.s32 s0, $0x2;
	v21 =	vmul.f32 v17, v12;
	v22 =	vmul.f32 v23, v13  }
0x50: {  	s0 =	sadd.s32 $0x40, s0;
	v9 =	vadd.s32 $0x10, v9;
	v17 =	vld [tilespmem:s1+$0x0];
	v20 =	vmul.f32 v24, v11;
	v19 =	vmax.f32 v19, $0.0e+00  }
0x51: {  	v23 =	vld [tilespmem:s1+$0x1000];
	_ =	sdelay $0x1  }
0x52: {  	v18 =	vmin.f32 v18, v19;
	v24 =	vld [tilespmem:s1+$0x2000]  }
0x53: {  	[tilespmem:s31+$0x5800] =	vst v18  }
0x54: {  	v18 =	vadd.f32 v22, v21;
	v21 =	vld [tilespmem:s1+$0x3000]  }
0x55: {  	v12 =	vmul.f32 v17, v12;
	v13 =	vmul.f32 v23, v13  }
0x56: {  	v16 =	vadd.f32 v16, v14;
	v17 =	vadd.f32 v20, v18  }
0x57: {  	v11 =	vmul.f32 v24, v11;
	v12 =	vadd.f32 v13, v12  }
0x58: {  	v13 =	vadd.f32 v17, v16  }
0x59: {  	v11 =	vadd.f32 v11, v12;
	v12 =	vadd.f32 v21, v14  }
0x5a: {  	vm0 =	vlt.f32 v19, v15  }
0x5b: {  	v14 =	vsel vm0, v19, v15;
	v13 =	vmax.f32 v13, $0.0e+00;
	v11 =	vadd.f32 v11, v12  }
0x5c: {  	vm1 =	vlt.f32 v13, v14  }
0x5d: {  	v12 =	vsel vm1, v13, v14;
	v11 =	vmax.f32 v11, $0.0e+00  }
0x5e: {  	vm2 =	vlt.f32 v11, v12  }
0x5f: {  	v12 =	vsel vm2, v11, v12  }
0x60: {  	v14 =	vperm.xlane v12, v1  }
0x61: {  	v15 =	vld [tilespmem:s30+$0x5800]  }
0x62: {  	v14 =	vmin.f32 v12, v14  }
0x63: {  	v16 =	vperm.xlane v14, v2;
	_ =	sdelay $0x1  }
0x64: {  	v14 =	vmin.f32 v14, v16  }
0x65: {  	v13 =	vmin.f32 v15, v13;
	v15 =	vperm.xlane v14, v3  }
0x66: {  	[tilespmem:s30+$0x5800] =	vst v13  }
0x67: {  	v13 =	vld [tilespmem:s1+$0x5800];
	v14 =	vmin.f32 v14, v15  }
0x68: {  	v15 =	vperm.xlane v14, v4  }
0x69: {  	v10 =	vsel vm0, v9, v10;
	v9 =	vadd.s32 $0x10, v9  }
0x6a: {  	v10 =	vsel vm1, v9, v10;
	v9 =	vadd.s32 $0x10, v9;
	v14 =	vmin.f32 v14, v15  }
0x6b: {  	v9 =	vsel vm2, v9, v10;
	vm15 =	veq.f32 v12, v14  }
0x6c: {  	v10 =	vmin.f32 v13, v11;
	v9 =	vnsel vm15, $0x40000000, v9  }
0x6d: {  	s31 =	simm.s32 $0x0;
	[tilespmem:s1+$0x5800] =	vst v10;
	v10 =	vperm.xlane v9, v1  }
0x6e: {  	v11 =	vld [tilespmem:s31+$0x0]  }
0x6f: {  	v12 =	vld [tilespmem:s31+$0x1000];
	vm0 =	vlt.s32 v9, v10  }
0x70: {  	v9 =	vsel vm0, v9, v10  }
0x71: {  	v13 =	vld [tilespmem:s31+$0x2000];
	v10 =	vperm.xlane v9, v2  }
0x72: {  	v16 =	vbroadcast v8, $0x1;
	v15 =	vbroadcast v7, $0x1  }
0x73: {  	[tilespmem:$0x1FFE0] =	vst v14;
	v14 =	vbroadcast v6, $0x1;
	vm0 =	vlt.s32 v9, v10  }
0x74: {  	s30 =	simm.s32 $0x10;
	v18 =	vld [tilespmem:s31+$0x3000];
	v9 =	vsel vm0, v9, v10;
	v10 =	vmul.f32 v11, v15;
	v11 =	vmul.f32 v12, v16  }
0x75: {  	v20 =	vld [tilespmem:s30+$0x0];
	v12 =	vperm.xlane v9, v3  }
0x76: {  	v22 =	vld [tilespmem:s30+$0x1000];
	v13 =	vmul.f32 v13, v14;
	v10 =	vadd.f32 v11, v10  }
0x77: {  	v17 =	vbroadcast v5, $0x1;
	v23 =	vld [tilespmem:s30+$0x2000];
	vm0 =	vlt.s32 v9, v12  }
0x78: {  	v13 =	vadd.f32 v13, v10;
	v10 =	vsel vm0, v9, v12  }
0x79: {  	v21 =	vld [tilespmem:s31+$0x5800];
	v19 =	vadd.f32 v18, v17;
	v9 =	vperm.xlane v10, v4;
	_ =	sdelay $0x1  }
0x7a: {  	v25 =	vmul.f32 v22, v16;
	[tilespmem:$0x1FFF0] =	vst v9;
	v9 =	vadd.f32 v13, v19;
	v19 =	vld [tilespmem:s30+$0x3000]  }
0x7b: {  	s1 =	simm.s32 $0x20;
	v18 =	vimm.f32 $+Inf;
	v24 =	vmul.f32 v20, v15;
	v23 =	vmul.f32 v23, v14  }
0x7c: {  	s0 =	simm.s32 $0xC0;
	v20 =	vld [tilespmem:s1+$0x0];
	v12 =	vlaneseq.u32;
	v13 =	vimm.s32 $0x0;
	v22 =	vmax.f32 v9, $0.0e+00  }
.LBB2_7:
0x7d: {  	p0 =	sne.s32 s0, $0x3FC0;
	v9 =	vld [tilespmem:s1+$0x1000];
	v24 =	vadd.f32 v25, v24;
	vm0 =	vlt.f32 v22, v18;
	v21 =	vmin.f32 v21, v22  }
0x7e: {  	v26 =	vld [tilespmem:s1+$0x2000];
	v18 =	vsel vm0, v22, v18;
	v13 =	vsel vm0, v12, v13;
	[tilespmem:s31+$0x5800] =	vst v21;
	s31 =	smov.u32 s30;
	s30 =	smov.u32 s1  }
.Ltmp2:
0x7f: {  	v22 =	vadd.f32 v23, v24;
	v23 =	vadd.f32 v19, v17;
	v21 =	vld [tilespmem:s31+$0x5800];
	(pc) =	sbr.rel @p0 .LBB2_7-.Ltmp2, $4  }
0x80: {  	_ = 	snop  }
0x81: {  	v19 =	vld [tilespmem:s30+$0x3000];
	v22 =	vadd.f32 v22, v23  }
0x82: {  	s1 =	sshra.s32 s0, $0x2;
	v24 =	vmul.f32 v20, v15;
	v25 =	vmul.f32 v9, v16  }
0x83: {  	s0 =	sadd.s32 $0x40, s0;
	v12 =	vadd.s32 $0x10, v12;
	v20 =	vld [tilespmem:s1+$0x0];
	v23 =	vmul.f32 v26, v14;
	v22 =	vmax.f32 v22, $0.0e+00  }
0x84: {  	v9 =	vld [tilespmem:s1+$0x1000];
	_ =	sdelay $0x1  }
0x85: {  	v21 =	vmin.f32 v21, v22;
	v26 =	vld [tilespmem:s1+$0x2000]  }
0x86: {  	[tilespmem:s31+$0x5800] =	vst v21  }
0x87: {  	v21 =	vadd.f32 v25, v24;
	v24 =	vld [tilespmem:s1+$0x3000]  }
0x88: {  	v15 =	vmul.f32 v20, v15;
	v9 =	vmul.f32 v9, v16  }
0x89: {  	v19 =	vadd.f32 v19, v17;
	v16 =	vadd.f32 v23, v21  }
0x8a: {  	v14 =	vmul.f32 v26, v14;
	v9 =	vadd.f32 v9, v15  }
0x8b: {  	v15 =	vadd.f32 v16, v19  }
0x8c: {  	v9 =	vadd.f32 v14, v9;
	v14 =	vadd.f32 v24, v17  }
0x8d: {  	vm0 =	vlt.f32 v22, v18  }
0x8e: {  	v16 =	vsel vm0, v22, v18;
	v15 =	vmax.f32 v15, $0.0e+00;
	v9 =	vadd.f32 v9, v14  }
0x8f: {  	vm1 =	vlt.f32 v15, v16  }
0x90: {  	v14 =	vsel vm1, v15, v16;
	v9 =	vmax.f32 v9, $0.0e+00  }
0x91: {  	vm2 =	vlt.f32 v9, v14  }
0x92: {  	v14 =	vsel vm2, v9, v14  }
0x93: {  	v16 =	vperm.xlane v14, v1  }
0x94: {  	v17 =	vld [tilespmem:s30+$0x5800]  }
0x95: {  	v16 =	vmin.f32 v14, v16  }
0x96: {  	v18 =	vperm.xlane v16, v2;
	_ =	sdelay $0x1  }
0x97: {  	v16 =	vmin.f32 v16, v18  }
0x98: {  	v15 =	vmin.f32 v17, v15;
	v17 =	vperm.xlane v16, v3  }
0x99: {  	[tilespmem:s30+$0x5800] =	vst v15  }
0x9a: {  	v15 =	vld [tilespmem:s1+$0x5800];
	v16 =	vmin.f32 v16, v17  }
0x9b: {  	v17 =	vperm.xlane v16, v4  }
0x9c: {  	v13 =	vsel vm0, v12, v13;
	v12 =	vadd.s32 $0x10, v12  }
0x9d: {  	v13 =	vsel vm1, v12, v13;
	v18 =	vadd.s32 $0x10, v12;
	v11 =	vmin.f32 v16, v17  }
0x9e: {  	v13 =	vsel vm2, v18, v13;
	vm15 =	veq.f32 v14, v11  }
0x9f: {  	v9 =	vmin.f32 v15, v9;
	v13 =	vnsel vm15, $0x40000000, v13  }
0xa0: {  	s31 =	simm.s32 $0x0;
	[tilespmem:s1+$0x5800] =	vst v9;
	v9 =	vperm.xlane v13, v1  }
0xa1: {  	v15 =	vld [tilespmem:s31+$0x1000]  }
0xa2: {  	v14 =	vld [tilespmem:s31+$0x0];
	vm0 =	vlt.s32 v13, v9  }
0xa3: {  	v9 =	vsel vm0, v13, v9  }
0xa4: {  	v16 =	vld [tilespmem:s31+$0x2000];
	v13 =	vperm.xlane v9, v2  }
0xa5: {  	v19 =	vbroadcast v8, $0x2;
	v18 =	vbroadcast v7, $0x2  }
0xa6: {  	s30 =	simm.s32 $0x10;
	v21 =	vld [tilespmem:s31+$0x3000];
	v17 =	vbroadcast v6, $0x2;
	vm0 =	vlt.s32 v9, v13  }
0xa7: {  	v23 =	vld [tilespmem:s30+$0x0];
	v9 =	vsel vm0, v9, v13;
	v13 =	vmul.f32 v14, v18;
	v14 =	vmul.f32 v15, v19  }
0xa8: {  	v25 =	vld [tilespmem:s30+$0x1000]  }
0xa9: {  	v20 =	vbroadcast v5, $0x2;
	v26 =	vld [tilespmem:s30+$0x2000];
	v16 =	vmul.f32 v16, v17;
	v13 =	vadd.f32 v14, v13  }
0xaa: {  	v15 =	vperm.xlane v9, v3  }
0xab: {  	v24 =	vld [tilespmem:s31+$0x5800];
	v22 =	vadd.f32 v21, v20;
	v16 =	vadd.f32 v16, v13  }
0xac: {  	v21 =	vimm.f32 $+Inf;
	vm0 =	vlt.s32 v9, v15  }
0xad: {  	v27 =	vmul.f32 v23, v18;
	v13 =	vsel vm0, v9, v15;
	v9 =	vadd.f32 v16, v22;
	v22 =	vld [tilespmem:s30+$0x3000]  }
0xae: {  	s1 =	simm.s32 $0x20;
	v28 =	vmul.f32 v25, v19;
	v26 =	vmul.f32 v26, v17;
	v15 =	vlaneseq.u32  }
0xaf: {  	s0 =	simm.s32 $0xC0;
	[tilespmem:$0x1FFD0] =	vst v11;
	v23 =	vld [tilespmem:s1+$0x0];
	v14 =	vperm.xlane v13, v4;
	v16 =	vimm.s32 $0x0;
	v25 =	vmax.f32 v9, $0.0e+00  }
.LBB2_9:
0xb0: {  	p0 =	sne.s32 s0, $0x3FC0;
	v9 =	vld [tilespmem:s1+$0x1000];
	v27 =	vadd.f32 v28, v27;
	vm0 =	vlt.f32 v25, v21;
	v24 =	vmin.f32 v24, v25  }
0xb1: {  	v29 =	vld [tilespmem:s1+$0x2000];
	v21 =	vsel vm0, v25, v21;
	v16 =	vsel vm0, v15, v16;
	[tilespmem:s31+$0x5800] =	vst v24;
	s31 =	smov.u32 s30;
	s30 =	smov.u32 s1  }
.Ltmp3:
0xb2: {  	v25 =	vadd.f32 v26, v27;
	v26 =	vadd.f32 v22, v20;
	v24 =	vld [tilespmem:s31+$0x5800];
	(pc) =	sbr.rel @p0 .LBB2_9-.Ltmp3, $4  }
0xb3: {  	_ = 	snop  }
0xb4: {  	v22 =	vld [tilespmem:s30+$0x3000];
	v25 =	vadd.f32 v25, v26  }
0xb5: {  	s1 =	sshra.s32 s0, $0x2;
	v27 =	vmul.f32 v23, v18;
	v28 =	vmul.f32 v9, v19  }
0xb6: {  	s0 =	sadd.s32 $0x40, s0;
	v15 =	vadd.s32 $0x10, v15;
	v23 =	vld [tilespmem:s1+$0x0];
	v26 =	vmul.f32 v29, v17;
	v25 =	vmax.f32 v25, $0.0e+00  }
0xb7: {  	v9 =	vld [tilespmem:s1+$0x1000];
	_ =	sdelay $0x1  }
0xb8: {  	v24 =	vmin.f32 v24, v25;
	v29 =	vld [tilespmem:s1+$0x2000]  }
0xb9: {  	[tilespmem:s31+$0x5800] =	vst v24  }
0xba: {  	v24 =	vadd.f32 v28, v27;
	v27 =	vld [tilespmem:s1+$0x3000]  }
0xbb: {  	v18 =	vmul.f32 v23, v18;
	v9 =	vmul.f32 v9, v19  }
0xbc: {  	v22 =	vadd.f32 v22, v20;
	v19 =	vadd.f32 v26, v24  }
0xbd: {  	v17 =	vmul.f32 v29, v17;
	v9 =	vadd.f32 v9, v18  }
0xbe: {  	v18 =	vadd.f32 v19, v22  }
0xbf: {  	v9 =	vadd.f32 v17, v9;
	v17 =	vadd.f32 v27, v20  }
0xc0: {  	vm0 =	vlt.f32 v25, v21  }
0xc1: {  	v19 =	vsel vm0, v25, v21;
	v18 =	vmax.f32 v18, $0.0e+00;
	v9 =	vadd.f32 v9, v17  }
0xc2: {  	vm1 =	vlt.f32 v18, v19  }
0xc3: {  	v17 =	vsel vm1, v18, v19;
	v9 =	vmax.f32 v9, $0.0e+00  }
0xc4: {  	vm2 =	vlt.f32 v9, v17  }
0xc5: {  	v17 =	vsel vm2, v9, v17  }
0xc6: {  	v19 =	vperm.xlane v17, v1  }
0xc7: {  	v20 =	vld [tilespmem:s30+$0x5800]  }
0xc8: {  	v19 =	vmin.f32 v17, v19  }
0xc9: {  	v21 =	vperm.xlane v19, v2;
	_ =	sdelay $0x1  }
0xca: {  	v19 =	vmin.f32 v19, v21  }
0xcb: {  	v18 =	vmin.f32 v20, v18;
	v20 =	vperm.xlane v19, v3  }
0xcc: {  	[tilespmem:s30+$0x5800] =	vst v18  }
0xcd: {  	v18 =	vld [tilespmem:s1+$0x5800];
	v19 =	vmin.f32 v19, v20  }
0xce: {  	v20 =	vperm.xlane v19, v4  }
0xcf: {  	v16 =	vsel vm0, v15, v16;
	v15 =	vadd.s32 $0x10, v15  }
0xd0: {  	v16 =	vsel vm1, v15, v16;
	v21 =	vadd.s32 $0x10, v15;
	v15 =	vmin.f32 v19, v20  }
0xd1: {  	v16 =	vsel vm2, v21, v16;
	vm15 =	veq.f32 v17, v15  }
0xd2: {  	v9 =	vmin.f32 v18, v9;
	v16 =	vnsel vm15, $0x40000000, v16  }
0xd3: {  	s31 =	simm.s32 $0x0;
	[tilespmem:s1+$0x5800] =	vst v9;
	v9 =	vperm.xlane v16, v1  }
0xd4: {  	v18 =	vld [tilespmem:s31+$0x1000]  }
0xd5: {  	v17 =	vld [tilespmem:s31+$0x0];
	vm0 =	vlt.s32 v16, v9  }
0xd6: {  	v9 =	vsel vm0, v16, v9  }
0xd7: {  	v19 =	vld [tilespmem:s31+$0x2000];
	v16 =	vperm.xlane v9, v2  }
0xd8: {  	v22 =	vbroadcast v8, $0x3;
	v21 =	vbroadcast v7, $0x3  }
0xd9: {  	s30 =	simm.s32 $0x10;
	v24 =	vld [tilespmem:s31+$0x3000];
	v20 =	vbroadcast v6, $0x3;
	vm0 =	vlt.s32 v9, v16  }
0xda: {  	v26 =	vld [tilespmem:s30+$0x0];
	v9 =	vsel vm0, v9, v16;
	v16 =	vmul.f32 v17, v21;
	v17 =	vmul.f32 v18, v22  }
0xdb: {  	v28 =	vld [tilespmem:s30+$0x1000]  }
0xdc: {  	v23 =	vbroadcast v5, $0x3;
	v29 =	vld [tilespmem:s30+$0x2000];
	v19 =	vmul.f32 v19, v20;
	v16 =	vadd.f32 v17, v16  }
0xdd: {  	v18 =	vperm.xlane v9, v3  }
0xde: {  	v27 =	vld [tilespmem:s31+$0x5800];
	v25 =	vadd.f32 v24, v23;
	v19 =	vadd.f32 v19, v16  }
0xdf: {  	v24 =	vimm.f32 $+Inf;
	vm0 =	vlt.s32 v9, v18  }
0xe0: {  	v30 =	vmul.f32 v26, v21;
	v16 =	vsel vm0, v9, v18;
	v9 =	vadd.f32 v19, v25;
	v25 =	vld [tilespmem:s30+$0x3000]  }
0xe1: {  	s1 =	simm.s32 $0x20;
	v31 =	vmul.f32 v28, v22;
	v29 =	vmul.f32 v29, v20;
	v18 =	vlaneseq.u32  }
0xe2: {  	s0 =	simm.s32 $0xC0;
	v26 =	vld [tilespmem:s1+$0x0];
	v17 =	vperm.xlane v16, v4;
	v19 =	vimm.s32 $0x0;
	v28 =	vmax.f32 v9, $0.0e+00  }
.LBB2_11:
0xe3: {  	p0 =	sne.s32 s0, $0x3FC0;
	v9 =	vld [tilespmem:s1+$0x1000];
	v30 =	vadd.f32 v31, v30;
	vm0 =	vlt.f32 v28, v24;
	v27 =	vmin.f32 v27, v28  }
0xe4: {  	v32 =	vld [tilespmem:s1+$0x2000];
	v24 =	vsel vm0, v28, v24;
	v19 =	vsel vm0, v18, v19;
	[tilespmem:s31+$0x5800] =	vst v27;
	s31 =	smov.u32 s30;
	s30 =	smov.u32 s1  }
.Ltmp4:
0xe5: {  	v28 =	vadd.f32 v29, v30;
	v29 =	vadd.f32 v25, v23;
	v27 =	vld [tilespmem:s31+$0x5800];
	(pc) =	sbr.rel @p0 .LBB2_11-.Ltmp4, $4  }
0xe6: {  	_ = 	snop  }
0xe7: {  	v25 =	vld [tilespmem:s30+$0x3000];
	v28 =	vadd.f32 v28, v29  }
0xe8: {  	s1 =	sshra.s32 s0, $0x2;
	v30 =	vmul.f32 v26, v21;
	v31 =	vmul.f32 v9, v22  }
0xe9: {  	s0 =	sadd.s32 $0x40, s0;
	v18 =	vadd.s32 $0x10, v18;
	v26 =	vld [tilespmem:s1+$0x0];
	v29 =	vmul.f32 v32, v20;
	v28 =	vmax.f32 v28, $0.0e+00  }
0xea: {  	v9 =	vld [tilespmem:s1+$0x1000];
	_ =	sdelay $0x1  }
0xeb: {  	v27 =	vmin.f32 v27, v28;
	v32 =	vld [tilespmem:s1+$0x2000]  }
0xec: {  	[tilespmem:s31+$0x5800] =	vst v27  }
0xed: {  	v27 =	vadd.f32 v31, v30;
	v30 =	vld [tilespmem:s1+$0x3000]  }
0xee: {  	v21 =	vmul.f32 v26, v21;
	v9 =	vmul.f32 v9, v22  }
0xef: {  	v25 =	vadd.f32 v25, v23;
	v22 =	vadd.f32 v29, v27  }
0xf0: {  	v20 =	vmul.f32 v32, v20;
	v9 =	vadd.f32 v9, v21  }
0xf1: {  	v21 =	vadd.f32 v22, v25  }
0xf2: {  	v9 =	vadd.f32 v20, v9;
	v20 =	vadd.f32 v30, v23  }
0xf3: {  	vm0 =	vlt.f32 v28, v24  }
0xf4: {  	v22 =	vsel vm0, v28, v24;
	v21 =	vmax.f32 v21, $0.0e+00;
	v9 =	vadd.f32 v9, v20  }
0xf5: {  	vm1 =	vlt.f32 v21, v22  }
0xf6: {  	v20 =	vsel vm1, v21, v22;
	v9 =	vmax.f32 v9, $0.0e+00  }
0xf7: {  	vm2 =	vlt.f32 v9, v20  }
0xf8: {  	v20 =	vsel vm2, v9, v20  }
0xf9: {  	v22 =	vperm.xlane v20, v1  }
0xfa: {  	v23 =	vld [tilespmem:s30+$0x5800]  }
0xfb: {  	v22 =	vmin.f32 v20, v22  }
0xfc: {  	v24 =	vperm.xlane v22, v2;
	_ =	sdelay $0x1  }
0xfd: {  	v22 =	vmin.f32 v22, v24  }
0xfe: {  	v21 =	vmin.f32 v23, v21;
	v23 =	vperm.xlane v22, v3  }
0xff: {  	[tilespmem:s30+$0x5800] =	vst v21  }
0x100: {  	v21 =	vld [tilespmem:s1+$0x5800];
	v22 =	vmin.f32 v22, v23  }
0x101: {  	v23 =	vperm.xlane v22, v4  }
0x102: {  	v19 =	vsel vm0, v18, v19;
	v18 =	vadd.s32 $0x10, v18  }
0x103: {  	v19 =	vsel vm1, v18, v19;
	v24 =	vadd.s32 $0x10, v18;
	v18 =	vmin.f32 v22, v23  }
0x104: {  	v19 =	vsel vm2, v24, v19;
	vm15 =	veq.f32 v20, v18  }
0x105: {  	v9 =	vmin.f32 v21, v9;
	v19 =	vnsel vm15, $0x40000000, v19  }
0x106: {  	s31 =	simm.s32 $0x0;
	[tilespmem:s1+$0x5800] =	vst v9;
	v9 =	vperm.xlane v19, v1  }
0x107: {  	v21 =	vld [tilespmem:s31+$0x1000]  }
0x108: {  	v20 =	vld [tilespmem:s31+$0x0];
	vm0 =	vlt.s32 v19, v9  }
0x109: {  	v9 =	vsel vm0, v19, v9  }
0x10a: {  	v22 =	vld [tilespmem:s31+$0x2000];
	v19 =	vperm.xlane v9, v2  }
0x10b: {  	v25 =	vbroadcast v8, $0x4;
	v24 =	vbroadcast v7, $0x4  }
0x10c: {  	s30 =	simm.s32 $0x10;
	v27 =	vld [tilespmem:s31+$0x3000];
	v23 =	vbroadcast v6, $0x4;
	vm0 =	vlt.s32 v9, v19  }
0x10d: {  	v29 =	vld [tilespmem:s30+$0x0];
	v9 =	vsel vm0, v9, v19;
	v19 =	vmul.f32 v20, v24;
	v20 =	vmul.f32 v21, v25  }
0x10e: {  	v31 =	vld [tilespmem:s30+$0x1000]  }
0x10f: {  	v26 =	vbroadcast v5, $0x4;
	v63 =	vld [tilespmem:s30+$0x2000];
	v22 =	vmul.f32 v22, v23;
	v19 =	vadd.f32 v20, v19  }
0x110: {  	v21 =	vperm.xlane v9, v3  }
0x111: {  	v30 =	vld [tilespmem:s31+$0x5800];
	v28 =	vadd.f32 v27, v26;
	v22 =	vadd.f32 v22, v19  }
0x112: {  	v27 =	vimm.f32 $+Inf;
	vm0 =	vlt.s32 v9, v21  }
0x113: {  	v33 =	vmul.f32 v29, v24;
	v19 =	vsel vm0, v9, v21;
	v9 =	vadd.f32 v22, v28;
	v28 =	vld [tilespmem:s30+$0x3000]  }
0x114: {  	s1 =	simm.s32 $0x20;
	v34 =	vmul.f32 v31, v25;
	v32 =	vmul.f32 v63, v23;
	v21 =	vlaneseq.u32  }
0x115: {  	s0 =	simm.s32 $0xC0;
	v29 =	vld [tilespmem:s1+$0x0];
	v20 =	vperm.xlane v19, v4;
	v22 =	vimm.s32 $0x0;
	v31 =	vmax.f32 v9, $0.0e+00  }
.LBB2_13:
0x116: {  	p0 =	sne.s32 s0, $0x3FC0;
	v9 =	vld [tilespmem:s1+$0x1000];
	v33 =	vadd.f32 v34, v33;
	vm0 =	vlt.f32 v31, v27;
	v30 =	vmin.f32 v30, v31  }
0x117: {  	v35 =	vld [tilespmem:s1+$0x2000];
	v27 =	vsel vm0, v31, v27;
	v22 =	vsel vm0, v21, v22;
	[tilespmem:s31+$0x5800] =	vst v30;
	s31 =	smov.u32 s30;
	s30 =	smov.u32 s1  }
.Ltmp5:
0x118: {  	v31 =	vadd.f32 v32, v33;
	v32 =	vadd.f32 v28, v26;
	v30 =	vld [tilespmem:s31+$0x5800];
	(pc) =	sbr.rel @p0 .LBB2_13-.Ltmp5, $4  }
0x119: {  	_ = 	snop  }
0x11a: {  	v28 =	vld [tilespmem:s30+$0x3000];
	v31 =	vadd.f32 v31, v32  }
0x11b: {  	s1 =	sshra.s32 s0, $0x2;
	v33 =	vmul.f32 v29, v24;
	v34 =	vmul.f32 v9, v25  }
0x11c: {  	s0 =	sadd.s32 $0x40, s0;
	v21 =	vadd.s32 $0x10, v21;
	v29 =	vld [tilespmem:s1+$0x0];
	v32 =	vmul.f32 v35, v23;
	v31 =	vmax.f32 v31, $0.0e+00  }
0x11d: {  	v9 =	vld [tilespmem:s1+$0x1000];
	_ =	sdelay $0x1  }
0x11e: {  	v30 =	vmin.f32 v30, v31;
	v35 =	vld [tilespmem:s1+$0x2000]  }
0x11f: {  	[tilespmem:s31+$0x5800] =	vst v30  }
0x120: {  	v30 =	vadd.f32 v34, v33;
	v60 =	vld [tilespmem:s1+$0x3000]  }
0x121: {  	v24 =	vmul.f32 v29, v24;
	v9 =	vmul.f32 v9, v25  }
0x122: {  	v28 =	vadd.f32 v28, v26;
	v25 =	vadd.f32 v32, v30  }
0x123: {  	v23 =	vmul.f32 v35, v23;
	v9 =	vadd.f32 v9, v24  }
0x124: {  	v24 =	vadd.f32 v25, v28  }
0x125: {  	v9 =	vadd.f32 v23, v9;
	v23 =	vadd.f32 v60, v26  }
0x126: {  	vm0 =	vlt.f32 v31, v27  }
0x127: {  	v25 =	vsel vm0, v31, v27;
	v24 =	vmax.f32 v24, $0.0e+00;
	v9 =	vadd.f32 v9, v23  }
0x128: {  	vm1 =	vlt.f32 v24, v25  }
0x129: {  	v23 =	vsel vm1, v24, v25;
	v9 =	vmax.f32 v9, $0.0e+00  }
0x12a: {  	vm2 =	vlt.f32 v9, v23  }
0x12b: {  	v23 =	vsel vm2, v9, v23  }
0x12c: {  	v25 =	vperm.xlane v23, v1  }
0x12d: {  	v26 =	vld [tilespmem:s30+$0x5800]  }
0x12e: {  	v25 =	vmin.f32 v23, v25  }
0x12f: {  	v27 =	vperm.xlane v25, v2;
	_ =	sdelay $0x1  }
0x130: {  	v25 =	vmin.f32 v25, v27  }
0x131: {  	v24 =	vmin.f32 v26, v24;
	v26 =	vperm.xlane v25, v3  }
0x132: {  	[tilespmem:s30+$0x5800] =	vst v24  }
0x133: {  	v24 =	vld [tilespmem:s1+$0x5800];
	v25 =	vmin.f32 v25, v26  }
0x134: {  	v26 =	vperm.xlane v25, v4  }
0x135: {  	v22 =	vsel vm0, v21, v22;
	v21 =	vadd.s32 $0x10, v21  }
0x136: {  	v22 =	vsel vm1, v21, v22;
	v27 =	vadd.s32 $0x10, v21;
	v21 =	vmin.f32 v25, v26  }
0x137: {  	v22 =	vsel vm2, v27, v22;
	vm15 =	veq.f32 v23, v21  }
0x138: {  	v9 =	vmin.f32 v24, v9;
	v22 =	vnsel vm15, $0x40000000, v22  }
0x139: {  	s31 =	simm.s32 $0x0;
	[tilespmem:s1+$0x5800] =	vst v9;
	v9 =	vperm.xlane v22, v1  }
0x13a: {  	v24 =	vld [tilespmem:s31+$0x1000]  }
0x13b: {  	v23 =	vld [tilespmem:s31+$0x0];
	vm0 =	vlt.s32 v22, v9  }
0x13c: {  	v9 =	vsel vm0, v22, v9  }
0x13d: {  	v25 =	vld [tilespmem:s31+$0x2000];
	v22 =	vperm.xlane v9, v2  }
0x13e: {  	v28 =	vbroadcast v8, $0x5;
	v27 =	vbroadcast v7, $0x5  }
0x13f: {  	s30 =	simm.s32 $0x10;
	v30 =	vld [tilespmem:s31+$0x3000];
	v26 =	vbroadcast v6, $0x5;
	vm0 =	vlt.s32 v9, v22  }
0x140: {  	v61 =	vld [tilespmem:s30+$0x0];
	v9 =	vsel vm0, v9, v22;
	v22 =	vmul.f32 v23, v27;
	v23 =	vmul.f32 v24, v28  }
0x141: {  	v62 =	vld [tilespmem:s30+$0x1000]  }
0x142: {  	v29 =	vbroadcast v5, $0x5;
	v63 =	vld [tilespmem:s30+$0x2000];
	v25 =	vmul.f32 v25, v26;
	v22 =	vadd.f32 v23, v22  }
0x143: {  	v24 =	vperm.xlane v9, v3  }
0x144: {  	v33 =	vld [tilespmem:s31+$0x5800];
	v31 =	vadd.f32 v30, v29;
	v25 =	vadd.f32 v25, v22  }
0x145: {  	v30 =	vimm.f32 $+Inf;
	vm0 =	vlt.s32 v9, v24  }
0x146: {  	v36 =	vmul.f32 v61, v27;
	v22 =	vsel vm0, v9, v24;
	v9 =	vadd.f32 v25, v31;
	v31 =	vld [tilespmem:s30+$0x3000]  }
0x147: {  	s1 =	simm.s32 $0x20;
	v37 =	vmul.f32 v62, v28;
	v35 =	vmul.f32 v63, v26;
	v24 =	vlaneseq.u32  }
0x148: {  	s0 =	simm.s32 $0xC0;
	v32 =	vld [tilespmem:s1+$0x0];
	v23 =	vperm.xlane v22, v4;
	v25 =	vimm.s32 $0x0;
	v34 =	vmax.f32 v9, $0.0e+00  }
.LBB2_15:
0x149: {  	p0 =	sne.s32 s0, $0x3FC0;
	v9 =	vld [tilespmem:s1+$0x1000];
	v36 =	vadd.f32 v37, v36;
	vm0 =	vlt.f32 v34, v30;
	v33 =	vmin.f32 v33, v34  }
0x14a: {  	v38 =	vld [tilespmem:s1+$0x2000];
	v30 =	vsel vm0, v34, v30;
	v25 =	vsel vm0, v24, v25;
	[tilespmem:s31+$0x5800] =	vst v33;
	s31 =	smov.u32 s30;
	s30 =	smov.u32 s1  }
.Ltmp6:
0x14b: {  	v34 =	vadd.f32 v35, v36;
	v35 =	vadd.f32 v31, v29;
	v33 =	vld [tilespmem:s31+$0x5800];
	(pc) =	sbr.rel @p0 .LBB2_15-.Ltmp6, $4  }
0x14c: {  	_ = 	snop  }
0x14d: {  	v31 =	vld [tilespmem:s30+$0x3000];
	v34 =	vadd.f32 v34, v35  }
0x14e: {  	s1 =	sshra.s32 s0, $0x2;
	v36 =	vmul.f32 v32, v27;
	v37 =	vmul.f32 v9, v28  }
0x14f: {  	s0 =	sadd.s32 $0x40, s0;
	v24 =	vadd.s32 $0x10, v24;
	v32 =	vld [tilespmem:s1+$0x0];
	v35 =	vmul.f32 v38, v26;
	v34 =	vmax.f32 v34, $0.0e+00  }
0x150: {  	v9 =	vld [tilespmem:s1+$0x1000];
	_ =	sdelay $0x1  }
0x151: {  	v33 =	vmin.f32 v33, v34;
	v38 =	vld [tilespmem:s1+$0x2000]  }
0x152: {  	[tilespmem:s31+$0x5800] =	vst v33  }
0x153: {  	v57 =	vadd.f32 v37, v36;
	v58 =	vld [tilespmem:s1+$0x3000]  }
0x154: {  	v27 =	vmul.f32 v32, v27;
	v9 =	vmul.f32 v9, v28  }
0x155: {  	v31 =	vadd.f32 v31, v29;
	v28 =	vadd.f32 v35, v57  }
0x156: {  	v26 =	vmul.f32 v38, v26;
	v9 =	vadd.f32 v9, v27  }
0x157: {  	v27 =	vadd.f32 v28, v31  }
0x158: {  	v9 =	vadd.f32 v26, v9;
	v26 =	vadd.f32 v58, v29  }
0x159: {  	vm0 =	vlt.f32 v34, v30  }
0x15a: {  	v28 =	vsel vm0, v34, v30;
	v27 =	vmax.f32 v27, $0.0e+00;
	v9 =	vadd.f32 v9, v26  }
0x15b: {  	vm1 =	vlt.f32 v27, v28  }
0x15c: {  	v26 =	vsel vm1, v27, v28;
	v9 =	vmax.f32 v9, $0.0e+00  }
0x15d: {  	vm2 =	vlt.f32 v9, v26  }
0x15e: {  	v26 =	vsel vm2, v9, v26  }
0x15f: {  	v28 =	vperm.xlane v26, v1  }
0x160: {  	v29 =	vld [tilespmem:s30+$0x5800]  }
0x161: {  	v28 =	vmin.f32 v26, v28  }
0x162: {  	v30 =	vperm.xlane v28, v2;
	_ =	sdelay $0x1  }
0x163: {  	v28 =	vmin.f32 v28, v30  }
0x164: {  	v27 =	vmin.f32 v29, v27;
	v29 =	vperm.xlane v28, v3  }
0x165: {  	[tilespmem:s30+$0x5800] =	vst v27  }
0x166: {  	v27 =	vld [tilespmem:s1+$0x5800];
	v28 =	vmin.f32 v28, v29  }
0x167: {  	v29 =	vperm.xlane v28, v4  }
0x168: {  	v25 =	vsel vm0, v24, v25;
	v24 =	vadd.s32 $0x10, v24  }
0x169: {  	v25 =	vsel vm1, v24, v25;
	v30 =	vadd.s32 $0x10, v24;
	v24 =	vmin.f32 v28, v29  }
0x16a: {  	v25 =	vsel vm2, v30, v25;
	vm15 =	veq.f32 v26, v24  }
0x16b: {  	v9 =	vmin.f32 v27, v9;
	v25 =	vnsel vm15, $0x40000000, v25  }
0x16c: {  	s31 =	simm.s32 $0x0;
	[tilespmem:s1+$0x5800] =	vst v9;
	v9 =	vperm.xlane v25, v1  }
0x16d: {  	v27 =	vld [tilespmem:s31+$0x1000]  }
0x16e: {  	v26 =	vld [tilespmem:s31+$0x0];
	vm0 =	vlt.s32 v25, v9  }
0x16f: {  	v9 =	vsel vm0, v25, v9  }
0x170: {  	v28 =	vld [tilespmem:s31+$0x2000];
	v25 =	vperm.xlane v9, v2  }
0x171: {  	v31 =	vbroadcast v8, $0x6;
	v30 =	vbroadcast v7, $0x6  }
0x172: {  	s30 =	simm.s32 $0x10;
	v59 =	vld [tilespmem:s31+$0x3000];
	v29 =	vbroadcast v6, $0x6;
	vm0 =	vlt.s32 v9, v25  }
0x173: {  	v60 =	vld [tilespmem:s30+$0x0];
	v9 =	vsel vm0, v9, v25;
	v25 =	vmul.f32 v26, v30;
	v26 =	vmul.f32 v27, v31  }
0x174: {  	v61 =	vld [tilespmem:s30+$0x1000]  }
0x175: {  	v32 =	vbroadcast v5, $0x6;
	v62 =	vld [tilespmem:s30+$0x2000];
	v28 =	vmul.f32 v28, v29;
	v25 =	vadd.f32 v26, v25  }
0x176: {  	v27 =	vperm.xlane v9, v3  }
0x177: {  	v36 =	vld [tilespmem:s31+$0x5800];
	v63 =	vadd.f32 v59, v32;
	v28 =	vadd.f32 v28, v25  }
0x178: {  	v33 =	vimm.f32 $+Inf;
	vm0 =	vlt.s32 v9, v27  }
0x179: {  	v34 =	vld [tilespmem:s30+$0x3000];
	v39 =	vmul.f32 v60, v30;
	v25 =	vsel vm0, v9, v27;
	v9 =	vadd.f32 v28, v63  }
0x17a: {  	s1 =	simm.s32 $0x20;
	v40 =	vmul.f32 v61, v31;
	v38 =	vmul.f32 v62, v29;
	v27 =	vlaneseq.u32  }
0x17b: {  	s0 =	simm.s32 $0xC0;
	v35 =	vld [tilespmem:s1+$0x0];
	v26 =	vperm.xlane v25, v4;
	v28 =	vimm.s32 $0x0;
	v37 =	vmax.f32 v9, $0.0e+00  }
.LBB2_17:
0x17c: {  	p0 =	sne.s32 s0, $0x3FC0;
	v9 =	vld [tilespmem:s1+$0x1000];
	v39 =	vadd.f32 v40, v39;
	vm0 =	vlt.f32 v37, v33;
	v36 =	vmin.f32 v36, v37  }
0x17d: {  	v41 =	vld [tilespmem:s1+$0x2000];
	v33 =	vsel vm0, v37, v33;
	v28 =	vsel vm0, v27, v28;
	[tilespmem:s31+$0x5800] =	vst v36;
	s31 =	smov.u32 s30;
	s30 =	smov.u32 s1  }
.Ltmp7:
0x17e: {  	v37 =	vadd.f32 v38, v39;
	v38 =	vadd.f32 v34, v32;
	v36 =	vld [tilespmem:s31+$0x5800];
	(pc) =	sbr.rel @p0 .LBB2_17-.Ltmp7, $4  }
0x17f: {  	_ = 	snop  }
0x180: {  	v34 =	vld [tilespmem:s30+$0x3000];
	v37 =	vadd.f32 v37, v38  }
0x181: {  	s1 =	sshra.s32 s0, $0x2;
	v39 =	vmul.f32 v35, v30;
	v40 =	vmul.f32 v9, v31  }
0x182: {  	s0 =	sadd.s32 $0x40, s0;
	v27 =	vadd.s32 $0x10, v27;
	v35 =	vld [tilespmem:s1+$0x0];
	v38 =	vmul.f32 v41, v29;
	v37 =	vmax.f32 v37, $0.0e+00  }
0x183: {  	v9 =	vld [tilespmem:s1+$0x1000];
	_ =	sdelay $0x1  }
0x184: {  	v36 =	vmin.f32 v36, v37;
	v41 =	vld [tilespmem:s1+$0x2000]  }
0x185: {  	[tilespmem:s31+$0x5800] =	vst v36  }
0x186: {  	v53 =	vadd.f32 v40, v39;
	v54 =	vld [tilespmem:s1+$0x3000]  }
0x187: {  	v30 =	vmul.f32 v35, v30;
	v9 =	vmul.f32 v9, v31  }
0x188: {  	v34 =	vadd.f32 v34, v32;
	v31 =	vadd.f32 v38, v53  }
0x189: {  	v29 =	vmul.f32 v41, v29;
	v9 =	vadd.f32 v9, v30  }
0x18a: {  	v30 =	vadd.f32 v31, v34  }
0x18b: {  	v9 =	vadd.f32 v29, v9;
	v29 =	vadd.f32 v54, v32  }
0x18c: {  	vm0 =	vlt.f32 v37, v33  }
0x18d: {  	v31 =	vsel vm0, v37, v33;
	v30 =	vmax.f32 v30, $0.0e+00;
	v9 =	vadd.f32 v9, v29  }
0x18e: {  	vm1 =	vlt.f32 v30, v31  }
0x18f: {  	v29 =	vsel vm1, v30, v31;
	v9 =	vmax.f32 v9, $0.0e+00  }
0x190: {  	vm2 =	vlt.f32 v9, v29  }
0x191: {  	v29 =	vsel vm2, v9, v29  }
0x192: {  	v31 =	vperm.xlane v29, v1  }
0x193: {  	v55 =	vld [tilespmem:s30+$0x5800]  }
0x194: {  	v31 =	vmin.f32 v29, v31  }
0x195: {  	v56 =	vperm.xlane v31, v2;
	_ =	sdelay $0x1  }
0x196: {  	v31 =	vmin.f32 v31, v56  }
0x197: {  	v30 =	vmin.f32 v55, v30;
	v57 =	vperm.xlane v31, v3  }
0x198: {  	[tilespmem:s30+$0x5800] =	vst v30  }
0x199: {  	v30 =	vld [tilespmem:s1+$0x5800];
	v31 =	vmin.f32 v31, v57  }
0x19a: {  	v32 =	vperm.xlane v31, v4  }
0x19b: {  	v28 =	vsel vm0, v27, v28;
	v27 =	vadd.s32 $0x10, v27  }
0x19c: {  	v58 =	vadd.s32 $0x10, v27;
	v28 =	vsel vm1, v27, v28;
	v27 =	vmin.f32 v31, v32  }
0x19d: {  	v28 =	vsel vm2, v58, v28;
	vm15 =	veq.f32 v29, v27  }
0x19e: {  	v9 =	vmin.f32 v30, v9;
	v28 =	vnsel vm15, $0x40000000, v28  }
0x19f: {  	s31 =	simm.s32 $0x0;
	[tilespmem:s1+$0x5800] =	vst v9;
	v9 =	vperm.xlane v28, v1  }
0x1a0: {  	v30 =	vld [tilespmem:s31+$0x1000]  }
0x1a1: {  	v29 =	vld [tilespmem:s31+$0x0];
	vm0 =	vlt.s32 v28, v9  }
0x1a2: {  	v9 =	vsel vm0, v28, v9  }
0x1a3: {  	v31 =	vld [tilespmem:s31+$0x2000];
	v28 =	vperm.xlane v9, v2  }
0x1a4: {  	v33 =	vbroadcast v7, $0x7;
	v34 =	vbroadcast v8, $0x7  }
0x1a5: {  	s30 =	simm.s32 $0x10;
	v59 =	vld [tilespmem:s31+$0x3000];
	v32 =	vbroadcast v6, $0x7;
	vm0 =	vlt.s32 v9, v28  }
0x1a6: {  	v60 =	vld [tilespmem:s30+$0x0];
	v9 =	vsel vm0, v9, v28;
	v28 =	vmul.f32 v29, v33;
	v29 =	vmul.f32 v30, v34  }
0x1a7: {  	v61 =	vld [tilespmem:s30+$0x1000]  }
0x1a8: {  	v35 =	vbroadcast v5, $0x7;
	v62 =	vld [tilespmem:s30+$0x2000];
	v31 =	vmul.f32 v31, v32;
	v28 =	vadd.f32 v29, v28  }
0x1a9: {  	v30 =	vperm.xlane v9, v3  }
0x1aa: {  	v39 =	vld [tilespmem:s31+$0x5800];
	v63 =	vadd.f32 v59, v35;
	v31 =	vadd.f32 v31, v28  }
0x1ab: {  	v36 =	vimm.f32 $+Inf;
	vm0 =	vlt.s32 v9, v30  }
0x1ac: {  	v37 =	vld [tilespmem:s30+$0x3000];
	v42 =	vmul.f32 v60, v33;
	v28 =	vsel vm0, v9, v30;
	v9 =	vadd.f32 v31, v63  }
0x1ad: {  	s1 =	simm.s32 $0x20;
	v43 =	vmul.f32 v61, v34;
	v41 =	vmul.f32 v62, v32;
	v30 =	vlaneseq.u32  }
0x1ae: {  	s0 =	simm.s32 $0xC0;
	v38 =	vld [tilespmem:s1+$0x0];
	v29 =	vperm.xlane v28, v4;
	v31 =	vimm.s32 $0x0;
	v40 =	vmax.f32 v9, $0.0e+00  }
.LBB2_19:
0x1af: {  	p0 =	sne.s32 s0, $0x3FC0;
	v9 =	vld [tilespmem:s1+$0x1000];
	v42 =	vadd.f32 v43, v42;
	vm0 =	vlt.f32 v40, v36;
	v39 =	vmin.f32 v39, v40  }
0x1b0: {  	v44 =	vld [tilespmem:s1+$0x2000];
	v36 =	vsel vm0, v40, v36;
	v31 =	vsel vm0, v30, v31;
	[tilespmem:s31+$0x5800] =	vst v39;
	s31 =	smov.u32 s30;
	s30 =	smov.u32 s1  }
.Ltmp8:
0x1b1: {  	v40 =	vadd.f32 v41, v42;
	v41 =	vadd.f32 v37, v35;
	v39 =	vld [tilespmem:s31+$0x5800];
	(pc) =	sbr.rel @p0 .LBB2_19-.Ltmp8, $4  }
0x1b2: {  	_ = 	snop  }
0x1b3: {  	v37 =	vld [tilespmem:s30+$0x3000];
	v40 =	vadd.f32 v40, v41  }
0x1b4: {  	s1 =	sshra.s32 s0, $0x2;
	v42 =	vmul.f32 v38, v33;
	v43 =	vmul.f32 v9, v34  }
0x1b5: {  	s0 =	sadd.s32 $0x40, s0;
	v30 =	vadd.s32 $0x10, v30;
	v38 =	vld [tilespmem:s1+$0x0];
	v41 =	vmul.f32 v44, v32;
	v40 =	vmax.f32 v40, $0.0e+00  }
0x1b6: {  	v9 =	vld [tilespmem:s1+$0x1000];
	_ =	sdelay $0x1  }
0x1b7: {  	v39 =	vmin.f32 v39, v40;
	v44 =	vld [tilespmem:s1+$0x2000]  }
0x1b8: {  	[tilespmem:s31+$0x5800] =	vst v39  }
0x1b9: {  	v62 =	vadd.f32 v43, v42;
	v63 =	vld [tilespmem:s1+$0x3000]  }
0x1ba: {  	v33 =	vmul.f32 v38, v33;
	v9 =	vmul.f32 v9, v34  }
0x1bb: {  	v43 =	vadd.f32 v41, v62;
	v37 =	vadd.f32 v37, v35  }
0x1bc: {  	v32 =	vmul.f32 v44, v32;
	v9 =	vadd.f32 v9, v33  }
0x1bd: {  	v45 =	vadd.f32 v43, v37  }
0x1be: {  	v46 =	vadd.f32 v63, v35;
	v9 =	vadd.f32 v32, v9  }
0x1bf: {  	vm0 =	vlt.f32 v40, v36  }
0x1c0: {  	v47 =	vsel vm0, v40, v36;
	v33 =	vmax.f32 v45, $0.0e+00;
	v9 =	vadd.f32 v9, v46  }
0x1c1: {  	vm1 =	vlt.f32 v33, v47  }
0x1c2: {  	v48 =	vsel vm1, v33, v47;
	v9 =	vmax.f32 v9, $0.0e+00  }
0x1c3: {  	vm2 =	vlt.f32 v9, v48  }
0x1c4: {  	v32 =	vsel vm2, v9, v48  }
0x1c5: {  	v49 =	vperm.xlane v32, v1  }
0x1c6: {  	v50 =	vld [tilespmem:s30+$0x5800]  }
0x1c7: {  	v34 =	vmin.f32 v32, v49  }
0x1c8: {  	v51 =	vperm.xlane v34, v2;
	_ =	sdelay $0x1  }
0x1c9: {  	v34 =	vmin.f32 v34, v51  }
0x1ca: {  	v33 =	vmin.f32 v50, v33;
	v52 =	vperm.xlane v34, v3  }
0x1cb: {  	[tilespmem:s30+$0x5800] =	vst v33  }
0x1cc: {  	v33 =	vld [tilespmem:s1+$0x5800];
	v34 =	vmin.f32 v34, v52  }
0x1cd: {  	v35 =	vperm.xlane v34, v4  }
0x1ce: {  	v31 =	vsel vm0, v30, v31;
	v30 =	vadd.s32 $0x10, v30  }
0x1cf: {  	v53 =	vadd.s32 $0x10, v30;
	v31 =	vsel vm1, v30, v31;
	v30 =	vmin.f32 v34, v35  }
0x1d0: {  	v31 =	vsel vm2, v53, v31;
	vm15 =	veq.f32 v32, v30  }
0x1d1: {  	v9 =	vmin.f32 v33, v9;
	v31 =	vnsel vm15, $0x40000000, v31  }
0x1d2: {  	s31 =	simm.s32 $0x0;
	[tilespmem:s1+$0x5800] =	vst v9;
	v9 =	vperm.xlane v31, v1  }
0x1d3: {  	v55 =	vld [tilespmem:s31+$0x1000]  }
0x1d4: {  	v54 =	vld [tilespmem:s31+$0x0];
	vm0 =	vlt.s32 v31, v9  }
0x1d5: {  	v9 =	vsel vm0, v31, v9  }
0x1d6: {  	v37 =	vbroadcast v8, $0x8;
	v56 =	vld [tilespmem:s31+$0x2000];
	v31 =	vperm.xlane v9, v2  }
0x1d7: {  	v36 =	vbroadcast v7, $0x8  }
0x1d8: {  	s30 =	simm.s32 $0x10;
	v57 =	vld [tilespmem:s31+$0x3000];
	v58 =	vmul.f32 v55, v37;
	vm0 =	vlt.s32 v9, v31  }
0x1d9: {  	v60 =	vld [tilespmem:s30+$0x0];
	v35 =	vbroadcast v6, $0x8;
	v9 =	vsel vm0, v9, v31;
	v31 =	vmul.f32 v54, v36  }
0x1da: {  	v61 =	vld [tilespmem:s30+$0x1000]  }
0x1db: {  	v38 =	vbroadcast v5, $0x8;
	v62 =	vld [tilespmem:s30+$0x2000];
	v34 =	vmul.f32 v56, v35;
	v31 =	vadd.f32 v58, v31  }
0x1dc: {  	v59 =	vperm.xlane v9, v3  }
0x1dd: {  	v42 =	vld [tilespmem:s31+$0x5800];
	v63 =	vadd.f32 v57, v38;
	v34 =	vadd.f32 v34, v31  }
0x1de: {  	v39 =	vimm.f32 $+Inf;
	vm0 =	vlt.s32 v9, v59  }
0x1df: {  	v40 =	vld [tilespmem:s30+$0x3000];
	v45 =	vmul.f32 v60, v36;
	v31 =	vsel vm0, v9, v59;
	v9 =	vadd.f32 v34, v63  }
0x1e0: {  	v33 =	vlaneseq.u32;
	s1 =	simm.s32 $0x20;
	v46 =	vmul.f32 v61, v37;
	v44 =	vmul.f32 v62, v35  }
0x1e1: {  	s0 =	simm.s32 $0xC0;
	v41 =	vld [tilespmem:s1+$0x0];
	v32 =	vperm.xlane v31, v4;
	v34 =	vimm.s32 $0x0;
	v43 =	vmax.f32 v9, $0.0e+00  }
.LBB2_21:
0x1e2: {  	p0 =	sne.s32 s0, $0x3FC0;
	v9 =	vld [tilespmem:s1+$0x1000];
	v45 =	vadd.f32 v46, v45;
	vm0 =	vlt.f32 v43, v39;
	v42 =	vmin.f32 v42, v43  }
0x1e3: {  	v47 =	vld [tilespmem:s1+$0x2000];
	v39 =	vsel vm0, v43, v39;
	v34 =	vsel vm0, v33, v34;
	[tilespmem:s31+$0x5800] =	vst v42;
	s31 =	smov.u32 s30;
	s30 =	smov.u32 s1  }
.Ltmp9:
0x1e4: {  	v43 =	vadd.f32 v44, v45;
	v44 =	vadd.f32 v40, v38;
	v42 =	vld [tilespmem:s31+$0x5800];
	(pc) =	sbr.rel @p0 .LBB2_21-.Ltmp9, $4  }
0x1e5: {  	_ = 	snop  }
0x1e6: {  	v40 =	vld [tilespmem:s30+$0x3000];
	v43 =	vadd.f32 v43, v44  }
0x1e7: {  	s1 =	sshra.s32 s0, $0x2;
	v45 =	vmul.f32 v41, v36;
	v46 =	vmul.f32 v9, v37  }
0x1e8: {  	s0 =	sadd.s32 $0x40, s0;
	v33 =	vadd.s32 $0x10, v33;
	v41 =	vld [tilespmem:s1+$0x0];
	v44 =	vmul.f32 v47, v35;
	v43 =	vmax.f32 v43, $0.0e+00  }
0x1e9: {  	v9 =	vld [tilespmem:s1+$0x1000];
	_ =	sdelay $0x1  }
0x1ea: {  	v42 =	vmin.f32 v42, v43;
	v47 =	vld [tilespmem:s1+$0x2000]  }
0x1eb: {  	[tilespmem:s31+$0x5800] =	vst v42  }
0x1ec: {  	v61 =	vadd.f32 v46, v45;
	v62 =	vld [tilespmem:s1+$0x3000]  }
0x1ed: {  	v36 =	vmul.f32 v41, v36;
	v9 =	vmul.f32 v9, v37  }
0x1ee: {  	v63 =	vadd.f32 v44, v61;
	v40 =	vadd.f32 v40, v38  }
0x1ef: {  	v35 =	vmul.f32 v47, v35;
	v9 =	vadd.f32 v9, v36  }
0x1f0: {  	v42 =	vadd.f32 v63, v40  }
0x1f1: {  	v44 =	vadd.f32 v62, v38;
	v9 =	vadd.f32 v35, v9  }
0x1f2: {  	vm0 =	vlt.f32 v43, v39  }
0x1f3: {  	v45 =	vsel vm0, v43, v39;
	v36 =	vmax.f32 v42, $0.0e+00;
	v9 =	vadd.f32 v9, v44  }
0x1f4: {  	vm1 =	vlt.f32 v36, v45  }
0x1f5: {  	v46 =	vsel vm1, v36, v45;
	v9 =	vmax.f32 v9, $0.0e+00  }
0x1f6: {  	vm2 =	vlt.f32 v9, v46  }
0x1f7: {  	v48 =	vld [tilespmem:s30+$0x5800];
	v35 =	vsel vm2, v9, v46  }
0x1f8: {  	v47 =	vperm.xlane v35, v1;
	_ =	sdelay $0x1  }
0x1f9: {  	v37 =	vmin.f32 v35, v47  }
0x1fa: {  	v49 =	vperm.xlane v37, v2  }
0x1fb: {  	v36 =	vmin.f32 v48, v36  }
0x1fc: {  	[tilespmem:s30+$0x5800] =	vst v36;
	v37 =	vmin.f32 v37, v49  }
0x1fd: {  	v36 =	vld [tilespmem:s1+$0x5800];
	v50 =	vperm.xlane v37, v3;
	_ =	sdelay $0x1  }
0x1fe: {  	v37 =	vmin.f32 v37, v50  }
0x1ff: {  	v51 =	vadd.s32 $0x10, v33;
	v38 =	vperm.xlane v37, v4  }
0x200: {  	v34 =	vsel vm0, v33, v34;
	v52 =	vadd.s32 $0x10, v51  }
0x201: {  	v34 =	vsel vm1, v51, v34;
	v9 =	vmin.f32 v36, v9;
	v33 =	vmin.f32 v37, v38  }
0x202: {  	s31 =	simm.s32 $0x0;
	v34 =	vsel vm2, v52, v34;
	[tilespmem:s1+$0x5800] =	vst v9;
	vm15 =	veq.f32 v35, v33  }
0x203: {  	v53 =	vld [tilespmem:s31+$0x0];
	v34 =	vnsel vm15, $0x40000000, v34  }
0x204: {  	v54 =	vld [tilespmem:s31+$0x1000];
	v9 =	vperm.xlane v34, v1;
	_ =	sdelay $0x1  }
0x205: {  	v39 =	vbroadcast v7, $0x9;
	v55 =	vld [tilespmem:s31+$0x2000];
	vm0 =	vlt.s32 v34, v9  }
0x206: {  	v40 =	vbroadcast v8, $0x9;
	v9 =	vsel vm0, v34, v9  }
0x207: {  	s30 =	simm.s32 $0x10;
	v56 =	vld [tilespmem:s31+$0x3000];
	v57 =	vmul.f32 v53, v39;
	v34 =	vperm.xlane v9, v2  }
0x208: {  	v60 =	vld [tilespmem:s30+$0x0];
	v58 =	vmul.f32 v54, v40;
	v38 =	vbroadcast v6, $0x9  }
0x209: {  	v41 =	vbroadcast v5, $0x9;
	v61 =	vld [tilespmem:s30+$0x1000];
	vm0 =	vlt.s32 v9, v34  }
0x20a: {  	v62 =	vld [tilespmem:s30+$0x2000];
	v37 =	vmul.f32 v55, v38;
	v9 =	vsel vm0, v9, v34;
	v34 =	vadd.f32 v58, v57  }
0x20b: {  	v59 =	vperm.xlane v9, v3  }
0x20c: {  	v45 =	vld [tilespmem:s31+$0x5800];
	v63 =	vadd.f32 v56, v41;
	v37 =	vadd.f32 v37, v34  }
0x20d: {  	v42 =	vimm.f32 $+Inf;
	vm0 =	vlt.s32 v9, v59  }
0x20e: {  	v43 =	vld [tilespmem:s30+$0x3000];
	v48 =	vmul.f32 v60, v39;
	v34 =	vsel vm0, v9, v59;
	v9 =	vadd.f32 v37, v63  }
0x20f: {  	v36 =	vlaneseq.u32;
	s1 =	simm.s32 $0x20;
	v49 =	vmul.f32 v61, v40;
	v47 =	vmul.f32 v62, v38  }
0x210: {  	s0 =	simm.s32 $0xC0;
	v44 =	vld [tilespmem:s1+$0x0];
	v37 =	vimm.s32 $0x0;
	v35 =	vperm.xlane v34, v4;
	v46 =	vmax.f32 v9, $0.0e+00  }
.LBB2_23:
0x211: {  	p0 =	sne.s32 s0, $0x3FC0;
	v9 =	vld [tilespmem:s1+$0x1000];
	v48 =	vadd.f32 v49, v48;
	vm0 =	vlt.f32 v46, v42;
	v45 =	vmin.f32 v45, v46  }
0x212: {  	v50 =	vld [tilespmem:s1+$0x2000];
	v42 =	vsel vm0, v46, v42;
	v37 =	vsel vm0, v36, v37;
	[tilespmem:s31+$0x5800] =	vst v45;
	s31 =	smov.u32 s30;
	s30 =	smov.u32 s1  }
.Ltmp10:
0x213: {  	v46 =	vadd.f32 v47, v48;
	v47 =	vadd.f32 v43, v41;
	v45 =	vld [tilespmem:s31+$0x5800];
	(pc) =	sbr.rel @p0 .LBB2_23-.Ltmp10, $4  }
0x214: {  	_ = 	snop  }
0x215: {  	v43 =	vld [tilespmem:s30+$0x3000];
	v46 =	vadd.f32 v46, v47  }
0x216: {  	s1 =	sshra.s32 s0, $0x2;
	v48 =	vmul.f32 v44, v39;
	v49 =	vmul.f32 v9, v40  }
0x217: {  	s0 =	sadd.s32 $0x40, s0;
	v36 =	vadd.s32 $0x10, v36;
	v44 =	vld [tilespmem:s1+$0x0];
	v47 =	vmul.f32 v50, v38;
	v46 =	vmax.f32 v46, $0.0e+00  }
0x218: {  	v9 =	vld [tilespmem:s1+$0x1000];
	_ =	sdelay $0x1  }
0x219: {  	v45 =	vmin.f32 v45, v46;
	v50 =	vld [tilespmem:s1+$0x2000]  }
0x21a: {  	[tilespmem:s31+$0x5800] =	vst v45  }
0x21b: {  	v60 =	vadd.f32 v49, v48;
	v61 =	vld [tilespmem:s1+$0x3000]  }
0x21c: {  	v39 =	vmul.f32 v44, v39;
	v9 =	vmul.f32 v9, v40  }
0x21d: {  	v62 =	vadd.f32 v47, v60;
	v43 =	vadd.f32 v43, v41  }
0x21e: {  	v38 =	vmul.f32 v50, v38;
	v9 =	vadd.f32 v9, v39  }
0x21f: {  	v63 =	vadd.f32 v62, v43  }
0x220: {  	v44 =	vadd.f32 v61, v41;
	v9 =	vadd.f32 v38, v9  }
0x221: {  	vm0 =	vlt.f32 v46, v42  }
0x222: {  	v45 =	vsel vm0, v46, v42;
	v39 =	vmax.f32 v63, $0.0e+00;
	v9 =	vadd.f32 v9, v44  }
0x223: {  	vm1 =	vlt.f32 v39, v45  }
0x224: {  	v46 =	vsel vm1, v39, v45;
	v9 =	vmax.f32 v9, $0.0e+00  }
0x225: {  	vm2 =	vlt.f32 v9, v46  }
0x226: {  	v48 =	vld [tilespmem:s30+$0x5800];
	v38 =	vsel vm2, v9, v46  }
0x227: {  	v47 =	vperm.xlane v38, v1;
	_ =	sdelay $0x1  }
0x228: {  	v40 =	vmin.f32 v38, v47  }
0x229: {  	v49 =	vperm.xlane v40, v2  }
0x22a: {  	v39 =	vmin.f32 v48, v39  }
0x22b: {  	[tilespmem:s30+$0x5800] =	vst v39;
	v40 =	vmin.f32 v40, v49  }
0x22c: {  	v39 =	vld [tilespmem:s1+$0x5800];
	v50 =	vperm.xlane v40, v3;
	_ =	sdelay $0x1  }
0x22d: {  	v40 =	vmin.f32 v40, v50  }
0x22e: {  	v51 =	vadd.s32 $0x10, v36;
	v41 =	vperm.xlane v40, v4  }
0x22f: {  	v37 =	vsel vm0, v36, v37;
	v52 =	vadd.s32 $0x10, v51  }
0x230: {  	v37 =	vsel vm1, v51, v37;
	v9 =	vmin.f32 v39, v9;
	v36 =	vmin.f32 v40, v41  }
0x231: {  	s31 =	simm.s32 $0x0;
	v37 =	vsel vm2, v52, v37;
	[tilespmem:s1+$0x5800] =	vst v9;
	vm15 =	veq.f32 v38, v36  }
0x232: {  	v53 =	vld [tilespmem:s31+$0x0];
	v37 =	vnsel vm15, $0x40000000, v37  }
0x233: {  	v54 =	vld [tilespmem:s31+$0x1000];
	v9 =	vperm.xlane v37, v1;
	_ =	sdelay $0x1  }
0x234: {  	v42 =	vbroadcast v7, $0xA;
	v55 =	vld [tilespmem:s31+$0x2000];
	vm0 =	vlt.s32 v37, v9  }
0x235: {  	v43 =	vbroadcast v8, $0xA;
	v9 =	vsel vm0, v37, v9  }
0x236: {  	s30 =	simm.s32 $0x10;
	v56 =	vld [tilespmem:s31+$0x3000];
	v57 =	vmul.f32 v53, v42;
	v37 =	vperm.xlane v9, v2  }
0x237: {  	v60 =	vld [tilespmem:s30+$0x0];
	v58 =	vmul.f32 v54, v43;
	v41 =	vbroadcast v6, $0xA  }
0x238: {  	v44 =	vbroadcast v5, $0xA;
	v61 =	vld [tilespmem:s30+$0x1000];
	vm0 =	vlt.s32 v9, v37  }
0x239: {  	v62 =	vld [tilespmem:s30+$0x2000];
	v40 =	vmul.f32 v55, v41;
	v9 =	vsel vm0, v9, v37;
	v37 =	vadd.f32 v58, v57  }
0x23a: {  	v59 =	vperm.xlane v9, v3  }
0x23b: {  	v48 =	vld [tilespmem:s31+$0x5800];
	v63 =	vadd.f32 v56, v44;
	v40 =	vadd.f32 v40, v37  }
0x23c: {  	v45 =	vimm.f32 $+Inf;
	vm0 =	vlt.s32 v9, v59  }
0x23d: {  	v46 =	vld [tilespmem:s30+$0x3000];
	v51 =	vmul.f32 v60, v42;
	v37 =	vsel vm0, v9, v59;
	v9 =	vadd.f32 v40, v63  }
0x23e: {  	v39 =	vlaneseq.u32;
	s1 =	simm.s32 $0x20;
	v52 =	vmul.f32 v61, v43;
	v50 =	vmul.f32 v62, v41  }
0x23f: {  	s0 =	simm.s32 $0xC0;
	v47 =	vld [tilespmem:s1+$0x0];
	v40 =	vimm.s32 $0x0;
	v38 =	vperm.xlane v37, v4;
	v49 =	vmax.f32 v9, $0.0e+00  }
.LBB2_25:
0x240: {  	p0 =	sne.s32 s0, $0x3FC0;
	v9 =	vld [tilespmem:s1+$0x1000];
	v51 =	vadd.f32 v52, v51;
	vm0 =	vlt.f32 v49, v45;
	v48 =	vmin.f32 v48, v49  }
0x241: {  	v53 =	vld [tilespmem:s1+$0x2000];
	v45 =	vsel vm0, v49, v45;
	v40 =	vsel vm0, v39, v40;
	[tilespmem:s31+$0x5800] =	vst v48;
	s31 =	smov.u32 s30;
	s30 =	smov.u32 s1  }
.Ltmp11:
0x242: {  	v49 =	vadd.f32 v50, v51;
	v50 =	vadd.f32 v46, v44;
	v48 =	vld [tilespmem:s31+$0x5800];
	(pc) =	sbr.rel @p0 .LBB2_25-.Ltmp11, $4  }
0x243: {  	_ = 	snop  }
0x244: {  	v46 =	vld [tilespmem:s30+$0x3000];
	v49 =	vadd.f32 v49, v50  }
0x245: {  	s1 =	sshra.s32 s0, $0x2;
	v51 =	vmul.f32 v47, v42;
	v52 =	vmul.f32 v9, v43  }
0x246: {  	s0 =	sadd.s32 $0x40, s0;
	v39 =	vadd.s32 $0x10, v39;
	v47 =	vld [tilespmem:s1+$0x0];
	v50 =	vmul.f32 v53, v41;
	v49 =	vmax.f32 v49, $0.0e+00  }
0x247: {  	v9 =	vld [tilespmem:s1+$0x1000];
	_ =	sdelay $0x1  }
0x248: {  	v48 =	vmin.f32 v48, v49;
	v53 =	vld [tilespmem:s1+$0x2000]  }
0x249: {  	[tilespmem:s31+$0x5800] =	vst v48  }
0x24a: {  	v56 =	vadd.f32 v52, v51;
	v57 =	vld [tilespmem:s1+$0x3000]  }
0x24b: {  	v42 =	vmul.f32 v47, v42;
	v9 =	vmul.f32 v9, v43  }
0x24c: {  	v58 =	vadd.f32 v50, v56;
	v46 =	vadd.f32 v46, v44  }
0x24d: {  	v41 =	vmul.f32 v53, v41;
	v9 =	vadd.f32 v9, v42  }
0x24e: {  	v59 =	vadd.f32 v58, v46  }
0x24f: {  	v60 =	vadd.f32 v57, v44;
	v9 =	vadd.f32 v41, v9  }
0x250: {  	vm0 =	vlt.f32 v49, v45  }
0x251: {  	v61 =	vsel vm0, v49, v45;
	v42 =	vmax.f32 v59, $0.0e+00;
	v9 =	vadd.f32 v9, v60  }
0x252: {  	vm1 =	vlt.f32 v42, v61  }
0x253: {  	v62 =	vsel vm1, v42, v61;
	v9 =	vmax.f32 v9, $0.0e+00  }
0x254: {  	vm2 =	vlt.f32 v9, v62  }
0x255: {  	v48 =	vld [tilespmem:s30+$0x5800];
	v41 =	vsel vm2, v9, v62  }
0x256: {  	v63 =	vperm.xlane v41, v1;
	_ =	sdelay $0x1  }
0x257: {  	v43 =	vmin.f32 v41, v63  }
0x258: {  	v49 =	vperm.xlane v43, v2  }
0x259: {  	v42 =	vmin.f32 v48, v42  }
0x25a: {  	[tilespmem:s30+$0x5800] =	vst v42;
	v43 =	vmin.f32 v43, v49  }
0x25b: {  	v42 =	vld [tilespmem:s1+$0x5800];
	v50 =	vperm.xlane v43, v3;
	_ =	sdelay $0x1  }
0x25c: {  	v43 =	vmin.f32 v43, v50  }
0x25d: {  	v51 =	vadd.s32 $0x10, v39;
	v44 =	vperm.xlane v43, v4  }
0x25e: {  	v40 =	vsel vm0, v39, v40;
	v52 =	vadd.s32 $0x10, v51  }
0x25f: {  	v40 =	vsel vm1, v51, v40;
	v9 =	vmin.f32 v42, v9;
	v39 =	vmin.f32 v43, v44  }
0x260: {  	s31 =	simm.s32 $0x0;
	v40 =	vsel vm2, v52, v40;
	[tilespmem:s1+$0x5800] =	vst v9;
	vm15 =	veq.f32 v41, v39  }
0x261: {  	v53 =	vld [tilespmem:s31+$0x0];
	v40 =	vnsel vm15, $0x40000000, v40  }
0x262: {  	v54 =	vld [tilespmem:s31+$0x1000];
	v9 =	vperm.xlane v40, v1;
	_ =	sdelay $0x1  }
0x263: {  	v45 =	vbroadcast v7, $0xB;
	v55 =	vld [tilespmem:s31+$0x2000];
	vm0 =	vlt.s32 v40, v9  }
0x264: {  	v46 =	vbroadcast v8, $0xB;
	v9 =	vsel vm0, v40, v9  }
0x265: {  	s30 =	simm.s32 $0x10;
	v56 =	vld [tilespmem:s31+$0x3000];
	v57 =	vmul.f32 v53, v45;
	v40 =	vperm.xlane v9, v2  }
0x266: {  	v60 =	vld [tilespmem:s30+$0x0];
	v58 =	vmul.f32 v54, v46;
	v44 =	vbroadcast v6, $0xB  }
0x267: {  	v47 =	vbroadcast v5, $0xB;
	v61 =	vld [tilespmem:s30+$0x1000];
	vm0 =	vlt.s32 v9, v40  }
0x268: {  	v62 =	vld [tilespmem:s30+$0x2000];
	v43 =	vmul.f32 v55, v44;
	v9 =	vsel vm0, v9, v40;
	v40 =	vadd.f32 v58, v57  }
0x269: {  	v59 =	vperm.xlane v9, v3  }
0x26a: {  	v51 =	vld [tilespmem:s31+$0x5800];
	v63 =	vadd.f32 v56, v47;
	v43 =	vadd.f32 v43, v40  }
0x26b: {  	v48 =	vimm.f32 $+Inf;
	vm0 =	vlt.s32 v9, v59  }
0x26c: {  	v49 =	vld [tilespmem:s30+$0x3000];
	v54 =	vmul.f32 v60, v45;
	v40 =	vsel vm0, v9, v59;
	v9 =	vadd.f32 v43, v63  }
0x26d: {  	v42 =	vlaneseq.u32;
	s1 =	simm.s32 $0x20;
	v55 =	vmul.f32 v61, v46;
	v53 =	vmul.f32 v62, v44  }
0x26e: {  	s0 =	simm.s32 $0xC0;
	v50 =	vld [tilespmem:s1+$0x0];
	v43 =	vimm.s32 $0x0;
	v41 =	vperm.xlane v40, v4;
	v52 =	vmax.f32 v9, $0.0e+00  }
.LBB2_27:
0x26f: {  	p0 =	sne.s32 s0, $0x3FC0;
	v9 =	vld [tilespmem:s1+$0x1000];
	v54 =	vadd.f32 v55, v54;
	vm0 =	vlt.f32 v52, v48;
	v51 =	vmin.f32 v51, v52  }
0x270: {  	v56 =	vld [tilespmem:s1+$0x2000];
	v48 =	vsel vm0, v52, v48;
	v43 =	vsel vm0, v42, v43;
	[tilespmem:s31+$0x5800] =	vst v51;
	s31 =	smov.u32 s30;
	s30 =	smov.u32 s1  }
.Ltmp12:
0x271: {  	v52 =	vadd.f32 v53, v54;
	v53 =	vadd.f32 v49, v47;
	v51 =	vld [tilespmem:s31+$0x5800];
	(pc) =	sbr.rel @p0 .LBB2_27-.Ltmp12, $4  }
0x272: {  	_ = 	snop  }
0x273: {  	v49 =	vld [tilespmem:s30+$0x3000];
	v52 =	vadd.f32 v52, v53  }
0x274: {  	s1 =	sshra.s32 s0, $0x2;
	v54 =	vmul.f32 v50, v45;
	v55 =	vmul.f32 v9, v46  }
0x275: {  	s0 =	sadd.s32 $0x40, s0;
	v42 =	vadd.s32 $0x10, v42;
	v50 =	vld [tilespmem:s1+$0x0];
	v53 =	vmul.f32 v56, v44;
	v52 =	vmax.f32 v52, $0.0e+00  }
0x276: {  	v9 =	vld [tilespmem:s1+$0x1000];
	_ =	sdelay $0x1  }
0x277: {  	v51 =	vmin.f32 v51, v52;
	v56 =	vld [tilespmem:s1+$0x2000]  }
0x278: {  	[tilespmem:s31+$0x5800] =	vst v51  }
0x279: {  	v61 =	vadd.f32 v55, v54;
	v62 =	vld [tilespmem:s1+$0x3000]  }
0x27a: {  	v45 =	vmul.f32 v50, v45;
	v9 =	vmul.f32 v9, v46  }
0x27b: {  	v63 =	vadd.f32 v53, v61;
	v49 =	vadd.f32 v49, v47  }
0x27c: {  	v44 =	vmul.f32 v56, v44;
	v9 =	vadd.f32 v9, v45  }
0x27d: {  	v50 =	vadd.f32 v63, v49  }
0x27e: {  	v51 =	vadd.f32 v62, v47;
	v9 =	vadd.f32 v44, v9  }
0x27f: {  	vm0 =	vlt.f32 v52, v48  }
0x280: {  	v52 =	vsel vm0, v52, v48;
	v45 =	vmax.f32 v50, $0.0e+00;
	v9 =	vadd.f32 v9, v51  }
0x281: {  	vm1 =	vlt.f32 v45, v52  }
0x282: {  	v53 =	vsel vm1, v45, v52;
	v9 =	vmax.f32 v9, $0.0e+00  }
0x283: {  	vm2 =	vlt.f32 v9, v53  }
0x284: {  	v55 =	vld [tilespmem:s30+$0x5800];
	v44 =	vsel vm2, v9, v53  }
0x285: {  	v54 =	vperm.xlane v44, v1;
	_ =	sdelay $0x1  }
0x286: {  	v46 =	vmin.f32 v44, v54  }
0x287: {  	v56 =	vperm.xlane v46, v2  }
0x288: {  	v45 =	vmin.f32 v55, v45  }
0x289: {  	[tilespmem:s30+$0x5800] =	vst v45;
	v46 =	vmin.f32 v46, v56  }
0x28a: {  	v45 =	vld [tilespmem:s1+$0x5800];
	v57 =	vperm.xlane v46, v3;
	_ =	sdelay $0x1  }
0x28b: {  	v46 =	vmin.f32 v46, v57  }
0x28c: {  	v58 =	vadd.s32 $0x10, v42;
	v47 =	vperm.xlane v46, v4  }
0x28d: {  	v43 =	vsel vm0, v42, v43;
	v59 =	vadd.s32 $0x10, v58  }
0x28e: {  	v43 =	vsel vm1, v58, v43;
	v9 =	vmin.f32 v45, v9;
	v42 =	vmin.f32 v46, v47  }
0x28f: {  	s31 =	simm.s32 $0x0;
	v43 =	vsel vm2, v59, v43;
	[tilespmem:s1+$0x5800] =	vst v9;
	vm15 =	veq.f32 v44, v42  }
0x290: {  	v60 =	vld [tilespmem:s31+$0x0];
	v43 =	vnsel vm15, $0x40000000, v43  }
0x291: {  	v61 =	vld [tilespmem:s31+$0x1000];
	v9 =	vperm.xlane v43, v1;
	_ =	sdelay $0x1  }
0x292: {  	v48 =	vbroadcast v7, $0xC;
	v62 =	vld [tilespmem:s31+$0x2000];
	vm0 =	vlt.s32 v43, v9  }
0x293: {  	v49 =	vbroadcast v8, $0xC;
	v9 =	vsel vm0, v43, v9  }
0x294: {  	s30 =	simm.s32 $0x10;
	v63 =	vld [tilespmem:s31+$0x3000];
	v58 =	vmul.f32 v60, v48;
	v43 =	vperm.xlane v9, v2  }
0x295: {  	v59 =	vmul.f32 v61, v49;
	v60 =	vld [tilespmem:s30+$0x0];
	v47 =	vbroadcast v6, $0xC  }
0x296: {  	v50 =	vbroadcast v5, $0xC;
	v61 =	vld [tilespmem:s30+$0x1000];
	vm0 =	vlt.s32 v9, v43  }
0x297: {  	v46 =	vmul.f32 v62, v47;
	v62 =	vld [tilespmem:s30+$0x2000];
	v9 =	vsel vm0, v9, v43;
	v43 =	vadd.f32 v59, v58  }
0x298: {  	v45 =	vperm.xlane v9, v3  }
0x299: {  	v54 =	vld [tilespmem:s31+$0x5800];
	v63 =	vadd.f32 v63, v50;
	v46 =	vadd.f32 v46, v43  }
0x29a: {  	v51 =	vimm.f32 $+Inf;
	vm0 =	vlt.s32 v9, v45  }
0x29b: {  	v52 =	vld [tilespmem:s30+$0x3000];
	v57 =	vmul.f32 v60, v48;
	v43 =	vsel vm0, v9, v45;
	v9 =	vadd.f32 v46, v63  }
0x29c: {  	s1 =	simm.s32 $0x20;
	v56 =	vmul.f32 v62, v47;
	v58 =	vmul.f32 v61, v49;
	v46 =	vimm.s32 $0x0  }
0x29d: {  	s0 =	simm.s32 $0xC0;
	v53 =	vld [tilespmem:s1+$0x0];
	v45 =	vlaneseq.u32;
	v44 =	vperm.xlane v43, v4;
	v55 =	vmax.f32 v9, $0.0e+00  }
.LBB2_29:
0x29e: {  	p0 =	sne.s32 s0, $0x3FC0;
	v9 =	vld [tilespmem:s1+$0x1000];
	v57 =	vadd.f32 v58, v57;
	vm0 =	vlt.f32 v55, v51;
	v54 =	vmin.f32 v54, v55  }
0x29f: {  	v59 =	vld [tilespmem:s1+$0x2000];
	v51 =	vsel vm0, v55, v51;
	v46 =	vsel vm0, v45, v46;
	[tilespmem:s31+$0x5800] =	vst v54;
	s31 =	smov.u32 s30;
	s30 =	smov.u32 s1  }
.Ltmp13:
0x2a0: {  	v55 =	vadd.f32 v56, v57;
	v56 =	vadd.f32 v52, v50;
	v54 =	vld [tilespmem:s31+$0x5800];
	(pc) =	sbr.rel @p0 .LBB2_29-.Ltmp13, $4  }
0x2a1: {  	_ = 	snop  }
0x2a2: {  	v52 =	vld [tilespmem:s30+$0x3000];
	v55 =	vadd.f32 v55, v56  }
0x2a3: {  	s1 =	sshra.s32 s0, $0x2;
	v57 =	vmul.f32 v53, v48;
	v58 =	vmul.f32 v9, v49  }
0x2a4: {  	s0 =	sadd.s32 $0x40, s0;
	v45 =	vadd.s32 $0x10, v45;
	v53 =	vld [tilespmem:s1+$0x0];
	v56 =	vmul.f32 v59, v47;
	v55 =	vmax.f32 v55, $0.0e+00  }
0x2a5: {  	v9 =	vld [tilespmem:s1+$0x1000];
	_ =	sdelay $0x1  }
0x2a6: {  	v54 =	vmin.f32 v54, v55;
	v59 =	vld [tilespmem:s1+$0x2000]  }
0x2a7: {  	[tilespmem:s31+$0x5800] =	vst v54  }
0x2a8: {  	v60 =	vadd.f32 v58, v57;
	v61 =	vld [tilespmem:s1+$0x3000]  }
0x2a9: {  	v48 =	vmul.f32 v53, v48;
	v9 =	vmul.f32 v9, v49  }
0x2aa: {  	v62 =	vadd.f32 v56, v60;
	v52 =	vadd.f32 v52, v50  }
0x2ab: {  	v47 =	vmul.f32 v59, v47;
	v9 =	vadd.f32 v9, v48  }
0x2ac: {  	v63 =	vadd.f32 v62, v52  }
0x2ad: {  	v52 =	vadd.f32 v61, v50;
	v9 =	vadd.f32 v47, v9  }
0x2ae: {  	vm0 =	vlt.f32 v55, v51  }
0x2af: {  	v53 =	vsel vm0, v55, v51;
	v48 =	vmax.f32 v63, $0.0e+00;
	v9 =	vadd.f32 v9, v52  }
0x2b0: {  	vm1 =	vlt.f32 v48, v53  }
0x2b1: {  	v54 =	vsel vm1, v48, v53;
	v9 =	vmax.f32 v9, $0.0e+00  }
0x2b2: {  	vm2 =	vlt.f32 v9, v54  }
0x2b3: {  	v56 =	vld [tilespmem:s30+$0x5800];
	v47 =	vsel vm2, v9, v54  }
0x2b4: {  	v55 =	vperm.xlane v47, v1;
	_ =	sdelay $0x1  }
0x2b5: {  	v49 =	vmin.f32 v47, v55  }
0x2b6: {  	v57 =	vperm.xlane v49, v2  }
0x2b7: {  	v48 =	vmin.f32 v56, v48  }
0x2b8: {  	[tilespmem:s30+$0x5800] =	vst v48;
	v49 =	vmin.f32 v49, v57  }
0x2b9: {  	v48 =	vld [tilespmem:s1+$0x5800];
	v58 =	vperm.xlane v49, v3;
	_ =	sdelay $0x1  }
0x2ba: {  	v49 =	vmin.f32 v49, v58  }
0x2bb: {  	v59 =	vadd.s32 $0x10, v45;
	v50 =	vperm.xlane v49, v4  }
0x2bc: {  	v46 =	vsel vm0, v45, v46;
	v60 =	vadd.s32 $0x10, v59  }
0x2bd: {  	v46 =	vsel vm1, v59, v46;
	v9 =	vmin.f32 v48, v9;
	v45 =	vmin.f32 v49, v50  }
0x2be: {  	s31 =	simm.s32 $0x0;
	v46 =	vsel vm2, v60, v46;
	[tilespmem:s1+$0x5800] =	vst v9;
	vm15 =	veq.f32 v47, v45  }
0x2bf: {  	v61 =	vld [tilespmem:s31+$0x0];
	v46 =	vnsel vm15, $0x40000000, v46  }
0x2c0: {  	v62 =	vld [tilespmem:s31+$0x1000];
	v9 =	vperm.xlane v46, v1;
	_ =	sdelay $0x1  }
0x2c1: {  	v51 =	vbroadcast v7, $0xD;
	v49 =	vld [tilespmem:s31+$0x2000];
	vm0 =	vlt.s32 v46, v9  }
0x2c2: {  	v52 =	vbroadcast v8, $0xD;
	v9 =	vsel vm0, v46, v9  }
0x2c3: {  	s30 =	simm.s32 $0x10;
	v54 =	vld [tilespmem:s31+$0x3000];
	v63 =	vmul.f32 v61, v51;
	v46 =	vperm.xlane v9, v2  }
0x2c4: {  	v59 =	vld [tilespmem:s30+$0x2000];
	v60 =	vmul.f32 v62, v52;
	v50 =	vbroadcast v6, $0xD  }
0x2c5: {  	v53 =	vbroadcast v5, $0xD;
	v62 =	vld [tilespmem:s30+$0x0];
	vm0 =	vlt.s32 v9, v46  }
0x2c6: {  	v58 =	vld [tilespmem:s30+$0x1000];
	v49 =	vmul.f32 v49, v50;
	v9 =	vsel vm0, v9, v46;
	v46 =	vadd.f32 v60, v63  }
0x2c7: {  	v61 =	vperm.xlane v9, v3  }
0x2c8: {  	v57 =	vld [tilespmem:s31+$0x5800];
	v63 =	vadd.f32 v54, v53;
	v49 =	vadd.f32 v49, v46  }
0x2c9: {  	v48 =	vlaneseq.u32;
	vm0 =	vlt.s32 v9, v61  }
0x2ca: {  	v55 =	vld [tilespmem:s30+$0x3000];
	v59 =	vmul.f32 v59, v50;
	v46 =	vsel vm0, v9, v61;
	v9 =	vadd.f32 v49, v63  }
0x2cb: {  	s1 =	simm.s32 $0x20;
	v54 =	vimm.f32 $+Inf;
	v60 =	vmul.f32 v62, v51;
	v61 =	vmul.f32 v58, v52  }
0x2cc: {  	s0 =	simm.s32 $0xC0;
	v56 =	vld [tilespmem:s1+$0x0];
	v49 =	vimm.s32 $0x0;
	v47 =	vperm.xlane v46, v4;
	v58 =	vmax.f32 v9, $0.0e+00  }
.LBB2_31:
0x2cd: {  	p0 =	sne.s32 s0, $0x3FC0;
	v9 =	vld [tilespmem:s1+$0x1000];
	v60 =	vadd.f32 v61, v60;
	vm0 =	vlt.f32 v58, v54;
	v57 =	vmin.f32 v57, v58  }
0x2ce: {  	v62 =	vld [tilespmem:s1+$0x2000];
	v54 =	vsel vm0, v58, v54;
	v49 =	vsel vm0, v48, v49;
	[tilespmem:s31+$0x5800] =	vst v57;
	s31 =	smov.u32 s30;
	s30 =	smov.u32 s1  }
.Ltmp14:
0x2cf: {  	v58 =	vadd.f32 v59, v60;
	v59 =	vadd.f32 v55, v53;
	v57 =	vld [tilespmem:s31+$0x5800];
	(pc) =	sbr.rel @p0 .LBB2_31-.Ltmp14, $4  }
0x2d0: {  	_ = 	snop  }
0x2d1: {  	v55 =	vld [tilespmem:s30+$0x3000];
	v58 =	vadd.f32 v58, v59  }
0x2d2: {  	s1 =	sshra.s32 s0, $0x2;
	v60 =	vmul.f32 v56, v51;
	v61 =	vmul.f32 v9, v52  }
0x2d3: {  	s0 =	sadd.s32 $0x40, s0;
	v48 =	vadd.s32 $0x10, v48;
	v56 =	vld [tilespmem:s1+$0x0];
	v59 =	vmul.f32 v62, v50;
	v58 =	vmax.f32 v58, $0.0e+00  }
0x2d4: {  	v9 =	vld [tilespmem:s1+$0x1000];
	_ =	sdelay $0x1  }
0x2d5: {  	v57 =	vmin.f32 v57, v58;
	v62 =	vld [tilespmem:s1+$0x2000]  }
0x2d6: {  	[tilespmem:s31+$0x5800] =	vst v57  }
0x2d7: {  	v57 =	vadd.f32 v61, v60;
	v60 =	vld [tilespmem:s1+$0x3000]  }
0x2d8: {  	v51 =	vmul.f32 v56, v51;
	v9 =	vmul.f32 v9, v52  }
0x2d9: {  	v55 =	vadd.f32 v55, v53;
	v63 =	vadd.f32 v59, v57  }
0x2da: {  	v50 =	vmul.f32 v62, v50;
	v9 =	vadd.f32 v9, v51  }
0x2db: {  	v57 =	vadd.f32 v63, v55  }
0x2dc: {  	v59 =	vadd.f32 v60, v53;
	v9 =	vadd.f32 v50, v9  }
0x2dd: {  	vm0 =	vlt.f32 v58, v54  }
0x2de: {  	v60 =	vsel vm0, v58, v54;
	v51 =	vmax.f32 v57, $0.0e+00;
	v9 =	vadd.f32 v9, v59  }
0x2df: {  	vm1 =	vlt.f32 v51, v60  }
0x2e0: {  	v61 =	vsel vm1, v51, v60;
	v9 =	vmax.f32 v9, $0.0e+00  }
0x2e1: {  	vm2 =	vlt.f32 v9, v61  }
0x2e2: {  	v50 =	vsel vm2, v9, v61  }
0x2e3: {  	v62 =	vperm.xlane v50, v1  }
0x2e4: {  	v63 =	vld [tilespmem:s30+$0x5800]  }
0x2e5: {  	v52 =	vmin.f32 v50, v62  }
0x2e6: {  	v57 =	vperm.xlane v52, v2;
	_ =	sdelay $0x1  }
0x2e7: {  	v52 =	vmin.f32 v52, v57  }
0x2e8: {  	v51 =	vmin.f32 v63, v51;
	v58 =	vperm.xlane v52, v3  }
0x2e9: {  	[tilespmem:s30+$0x5800] =	vst v51  }
0x2ea: {  	v51 =	vld [tilespmem:s1+$0x5800];
	v52 =	vmin.f32 v52, v58  }
0x2eb: {  	v53 =	vperm.xlane v52, v4  }
0x2ec: {  	v49 =	vsel vm0, v48, v49;
	v59 =	vadd.s32 $0x10, v48  }
0x2ed: {  	v49 =	vsel vm1, v59, v49;
	v60 =	vadd.s32 $0x10, v59;
	v48 =	vmin.f32 v52, v53  }
0x2ee: {  	v49 =	vsel vm2, v60, v49;
	vm15 =	veq.f32 v50, v48  }
0x2ef: {  	v9 =	vmin.f32 v51, v9;
	v49 =	vnsel vm15, $0x40000000, v49  }
0x2f0: {  	s31 =	simm.s32 $0x0;
	[tilespmem:s1+$0x5800] =	vst v9;
	v9 =	vperm.xlane v49, v1  }
0x2f1: {  	v61 =	vld [tilespmem:s31+$0x0]  }
0x2f2: {  	v62 =	vld [tilespmem:s31+$0x1000];
	vm0 =	vlt.s32 v49, v9  }
0x2f3: {  	v9 =	vsel vm0, v49, v9  }
0x2f4: {  	v63 =	vld [tilespmem:s31+$0x2000];
	v49 =	vperm.xlane v9, v2  }
0x2f5: {  	v55 =	vbroadcast v8, $0xE;
	v54 =	vbroadcast v7, $0xE  }
0x2f6: {  	s30 =	simm.s32 $0x10;
	v57 =	vld [tilespmem:s31+$0x3000];
	v53 =	vbroadcast v6, $0xE;
	vm0 =	vlt.s32 v9, v49  }
0x2f7: {  	v59 =	vld [tilespmem:s30+$0x0];
	v50 =	vmul.f32 v62, v55;
	v9 =	vsel vm0, v9, v49;
	v49 =	vmul.f32 v61, v54  }
0x2f8: {  	v62 =	vld [tilespmem:s30+$0x2000]  }
0x2f9: {  	v56 =	vbroadcast v5, $0xE;
	v52 =	vmul.f32 v63, v53;
	v61 =	vld [tilespmem:s30+$0x1000];
	v49 =	vadd.f32 v50, v49;
	_ =	sdelay $0x1  }
0x2fa: {  	v60 =	vld [tilespmem:s31+$0x5800];
	v58 =	vadd.f32 v57, v56;
	v51 =	vperm.xlane v9, v3;
	v52 =	vadd.f32 v52, v49  }
0x2fb: {  	v57 =	vimm.f32 $+Inf;
	v63 =	vmul.f32 v59, v54  }
0x2fc: {  	v62 =	vmul.f32 v62, v53;
	vm0 =	vlt.s32 v9, v51;
	v11 =	vadd.f32 v52, v58;
	v58 =	vld [tilespmem:s30+$0x3000]  }
0x2fd: {  	s1 =	simm.s32 $0x20;
	v49 =	vsel vm0, v9, v51;
	v51 =	vlaneseq.u32;
	v9 =	vmul.f32 v61, v55  }
0x2fe: {  	s0 =	simm.s32 $0xC0;
	v59 =	vld [tilespmem:s1+$0x0];
	v50 =	vperm.xlane v49, v4;
	v52 =	vimm.s32 $0x0;
	v61 =	vmax.f32 v11, $0.0e+00  }
.LBB2_33:
0x2ff: {  	p0 =	sne.s32 s0, $0x3FC0;
	v11 =	vld [tilespmem:s1+$0x1000];
	v9 =	vadd.f32 v9, v63;
	vm0 =	vlt.f32 v61, v57;
	v60 =	vmin.f32 v60, v61  }
0x300: {  	v12 =	vld [tilespmem:s1+$0x2000];
	v57 =	vsel vm0, v61, v57;
	v52 =	vsel vm0, v51, v52;
	[tilespmem:s31+$0x5800] =	vst v60;
	s31 =	smov.u32 s30;
	s30 =	smov.u32 s1  }
.Ltmp15:
0x301: {  	v9 =	vadd.f32 v62, v9;
	v61 =	vadd.f32 v58, v56;
	v60 =	vld [tilespmem:s31+$0x5800];
	(pc) =	sbr.rel @p0 .LBB2_33-.Ltmp15, $4  }
0x302: {  	_ = 	snop  }
0x303: {  	v58 =	vld [tilespmem:s30+$0x3000];
	v61 =	vadd.f32 v9, v61  }
0x304: {  	s1 =	sshra.s32 s0, $0x2;
	v63 =	vmul.f32 v59, v54;
	v9 =	vmul.f32 v11, v55  }
0x305: {  	s0 =	sadd.s32 $0x40, s0;
	v51 =	vadd.s32 $0x10, v51;
	v59 =	vld [tilespmem:s1+$0x0];
	v62 =	vmul.f32 v12, v53;
	v61 =	vmax.f32 v61, $0.0e+00  }
0x306: {  	v11 =	vld [tilespmem:s1+$0x1000];
	_ =	sdelay $0x1  }
0x307: {  	v12 =	vmin.f32 v60, v61;
	v60 =	vld [tilespmem:s1+$0x2000]  }
0x308: {  	[tilespmem:s31+$0x5800] =	vst v12  }
0x309: {  	v9 =	vadd.f32 v9, v63;
	v12 =	vld [tilespmem:s1+$0x3000]  }
0x30a: {  	v54 =	vmul.f32 v59, v54;
	v11 =	vmul.f32 v11, v55  }
0x30b: {  	v9 =	vadd.f32 v62, v9;
	v59 =	vadd.f32 v58, v56  }
0x30c: {  	v53 =	vmul.f32 v60, v53;
	v11 =	vadd.f32 v11, v54  }
0x30d: {  	v9 =	vadd.f32 v9, v59  }
0x30e: {  	v12 =	vadd.f32 v12, v56;
	v11 =	vadd.f32 v53, v11  }
0x30f: {  	vm0 =	vlt.f32 v61, v57  }
0x310: {  	v61 =	vsel vm0, v61, v57;
	v9 =	vmax.f32 v9, $0.0e+00;
	v11 =	vadd.f32 v11, v12  }
0x311: {  	vm1 =	vlt.f32 v9, v61  }
0x312: {  	v12 =	vsel vm1, v9, v61;
	v11 =	vmax.f32 v11, $0.0e+00  }
0x313: {  	vm2 =	vlt.f32 v11, v12  }
0x314: {  	v12 =	vsel vm2, v11, v12  }
0x315: {  	v62 =	vperm.xlane v12, v1  }
0x316: {  	v63 =	vld [tilespmem:s30+$0x5800]  }
0x317: {  	v53 =	vmin.f32 v12, v62  }
0x318: {  	v57 =	vperm.xlane v53, v2;
	_ =	sdelay $0x1  }
0x319: {  	v53 =	vmin.f32 v53, v57  }
0x31a: {  	v9 =	vmin.f32 v63, v9;
	v58 =	vperm.xlane v53, v3  }
0x31b: {  	[tilespmem:s30+$0x5800] =	vst v9  }
0x31c: {  	v9 =	vld [tilespmem:s1+$0x5800];
	v53 =	vmin.f32 v53, v58  }
0x31d: {  	v54 =	vperm.xlane v53, v4  }
0x31e: {  	v52 =	vsel vm0, v51, v52;
	v59 =	vadd.s32 $0x10, v51  }
0x31f: {  	v60 =	vadd.s32 $0x10, v59;
	v52 =	vsel vm1, v59, v52;
	v51 =	vmin.f32 v53, v54  }
0x320: {  	v52 =	vsel vm2, v60, v52;
	vm15 =	veq.f32 v12, v51  }
0x321: {  	v9 =	vmin.f32 v9, v11;
	v11 =	vnsel vm15, $0x40000000, v52  }
0x322: {  	[tilespmem:s1+$0x5800] =	vst v9;
	s1 =	simm.s32 $0x0;
	v9 =	vperm.xlane v11, v1  }
0x323: {  	v61 =	vld [tilespmem:s1+$0x1000]  }
0x324: {  	v12 =	vld [tilespmem:s1+$0x0];
	vm0 =	vlt.s32 v11, v9  }
0x325: {  	v9 =	vsel vm0, v11, v9  }
0x326: {  	v62 =	vld [tilespmem:s1+$0x2000];
	v11 =	vperm.xlane v9, v2  }
0x327: {  	v8 =	vbroadcast v8, $0xF;
	v52 =	vbroadcast v7, $0xF  }
0x328: {  	v7 =	vbroadcast v6, $0xF;
	v6 =	vld [tilespmem:s1+$0x3000];
	vm0 =	vlt.s32 v9, v11  }
0x329: {  	s31 =	simm.s32 $0x10;
	v9 =	vsel vm0, v9, v11;
	v11 =	vmul.f32 v12, v52;
	v12 =	vmul.f32 v61, v8  }
0x32a: {  	v58 =	vld [tilespmem:s31+$0x0]  }
0x32b: {  	v60 =	vld [tilespmem:s31+$0x1000];
	v53 =	vbroadcast v5, $0xF;
	v5 =	vmul.f32 v62, v7;
	v11 =	vadd.f32 v12, v11  }
0x32c: {  	v12 =	vld [tilespmem:s31+$0x2000]  }
0x32d: {  	v59 =	vld [tilespmem:s1+$0x5800];
	v63 =	vadd.f32 v6, v53;
	v55 =	vperm.xlane v9, v3;
	v11 =	vadd.f32 v5, v11  }
0x32e: {  	v56 =	vimm.s32 $0x0;
	v54 =	vimm.f32 $+Inf  }
0x32f: {  	v57 =	vld [tilespmem:s31+$0x3000];
	v62 =	vmul.f32 v58, v52;
	vm0 =	vlt.s32 v9, v55;
	v11 =	vadd.f32 v11, v63  }
0x330: {  	s30 =	simm.s32 $0x20;
	v5 =	vsel vm0, v9, v55;
	v55 =	vlaneseq.u32;
	v9 =	vmul.f32 v60, v8  }
0x331: {  	s0 =	simm.s32 $0xC0;
	v58 =	vld [tilespmem:s30+$0x0];
	v6 =	vperm.xlane v5, v4;
	v61 =	vmul.f32 v12, v7;
	v60 =	vmax.f32 v11, $0.0e+00  }
.LBB2_35:
0x332: {  	p0 =	sne.s32 s0, $0x3FC0;
	v11 =	vld [tilespmem:s30+$0x1000];
	v9 =	vadd.f32 v9, v62;
	vm0 =	vlt.f32 v60, v54;
	v12 =	vmin.f32 v59, v60  }
0x333: {  	v63 =	vld [tilespmem:s30+$0x2000];
	v54 =	vsel vm0, v60, v54;
	v56 =	vsel vm0, v55, v56;
	[tilespmem:s1+$0x5800] =	vst v12;
	s1 =	smov.u32 s31;
	s31 =	smov.u32 s30  }
.Ltmp16:
0x334: {  	v9 =	vadd.f32 v61, v9;
	v12 =	vadd.f32 v57, v53;
	v59 =	vld [tilespmem:s1+$0x5800];
	(pc) =	sbr.rel @p0 .LBB2_35-.Ltmp16, $4  }
0x335: {  	_ = 	snop  }
0x336: {  	v57 =	vld [tilespmem:s31+$0x3000];
	v12 =	vadd.f32 v9, v12  }
0x337: {  	s30 =	sshra.s32 s0, $0x2;
	v62 =	vmul.f32 v58, v52;
	v9 =	vmul.f32 v11, v8  }
0x338: {  	s0 =	sadd.s32 $0x40, s0;
	v55 =	vadd.s32 $0x10, v55;
	v58 =	vld [tilespmem:s30+$0x0];
	v61 =	vmul.f32 v63, v7;
	v60 =	vmax.f32 v12, $0.0e+00  }
0x339: {  	v11 =	vld [tilespmem:s30+$0x1000];
	_ =	sdelay $0x1  }
0x33a: {  	v12 =	vmin.f32 v59, v60;
	v63 =	vld [tilespmem:s30+$0x2000]  }
0x33b: {  	[tilespmem:s1+$0x5800] =	vst v12  }
0x33c: {  	v9 =	vadd.f32 v9, v62;
	v12 =	vld [tilespmem:s30+$0x3000]  }
0x33d: {  	v52 =	vmul.f32 v58, v52;
	v8 =	vmul.f32 v11, v8  }
0x33e: {  	v9 =	vadd.f32 v61, v9;
	v58 =	vadd.f32 v57, v53  }
0x33f: {  	vm0 =	vlt.f32 v60, v54;
	v7 =	vmul.f32 v63, v7;
	v8 =	vadd.f32 v8, v52  }
0x340: {  	vm2 =	vlt.s32 v13, v14;
	vm7 =	vmmov $0x1;
	v59 =	vld [tilespmem:s31+$0x5800];
	v9 =	vadd.f32 v9, v58  }
0x341: {  	vm8 =	vlt.s32 v16, v17;
	v61 =	vadd.f32 v12, v53;
	v7 =	vadd.f32 v7, v8  }
0x342: {  	vm9 =	vmmov $0x3;
	vm10 =	vlt.s32 v19, v20;
	vm11 =	vmmov $0x7  }
0x343: {  	v62 =	vsel vm0, v60, v54;
	v9 =	vmax.f32 v9, $0.0e+00;
	v7 =	vadd.f32 v7, v61  }
0x344: {  	vm12 =	vlt.s32 v22, v23;
	vm13 =	vmmov $0xf;
	vm5 =	vlt.f32 v9, v62  }
0x345: {  	v52 =	vmin.f32 v59, v9;
	v9 =	vsel vm5, v9, v62;
	v7 =	vmax.f32 v7, $0.0e+00  }
0x346: {  	vm14 =	vlt.s32 v25, v26;
	vm15 =	vmmov $0x1f;
	vm6 =	vlt.f32 v7, v9  }
0x347: {  	v63 =	vsel vm0, v55, v56;
	v56 =	vadd.s32 $0x10, v55;
	v58 =	vld [tilespmem:$0x1FFF0];
	v9 =	vsel vm6, v7, v9  }
0x348: {  	vm4 =	vlt.s32 v28, v29;
	v8 =	vsel vm5, v56, v63;
	v63 =	vperm.xlane v9, v1  }
0x349: {  	v20 =	vsel vm10, v19, v20;
	v23 =	vsel vm12, v22, v23;
	v26 =	vsel vm14, v25, v26  }
0x34a: {  	v29 =	vsel vm4, v28, v29;
	v62 =	vsel vm8, v16, v17;
	v17 =	vmin.f32 v9, v63  }
0x34b: {  	v60 =	vld [tilespmem:$0x1FFE0];
	vm10 =	vmmov $0xff;
	v59 =	vsel vm2, v13, v14;
	v14 =	vperm.xlane v17, v2  }
0x34c: {  	vm12 =	vmmov $0x1ff;
	vm14 =	vlt.s32 v40, v41;
	vm1 =	vlt.s32 v10, v58;
	v61 =	vld [tilespmem:$0x1FFD0]  }
0x34d: {  	vm4 =	vlt.s32 v43, v44;
	[tilespmem:s31+$0x5800] =	vst v52;
	v10 =	vsel vm1, v10, v58;
	v12 =	vmin.f32 v17, v14  }
0x34e: {  	v57 =	vadd.s32 $0x10, v56;
	v54 =	vld [tilespmem:s30+$0x5800];
	v10 =	vsel vm7, v10, v59;
	v14 =	vperm.xlane v12, v3  }
0x34f: {  	vm5 =	vmmov $0x3f;
	v58 =	vsel vm14, v40, v41;
	v10 =	vsel vm9, v10, v62  }
0x350: {  	v8 =	vsel vm6, v57, v8;
	v10 =	vsel vm11, v10, v20;
	v12 =	vmin.f32 v12, v14  }
0x351: {  	vm6 =	vlt.s32 v31, v32;
	v13 =	vsel vm7, v60, v61;
	v14 =	vperm.xlane v12, v4  }
0x352: {  	v10 =	vsel vm13, v10, v23;
	v53 =	vsel vm6, v31, v32;
	vm7 =	vmmov $0x7f  }
0x353: {  	v7 =	vmin.f32 v54, v7;
	v60 =	vsel vm4, v43, v44;
	v12 =	vmin.f32 v12, v14  }
0x354: {  	v16 =	vsel vm9, v13, v15;
	v10 =	vsel vm15, v10, v26;
	vm8 =	veq.f32 v9, v12  }
0x355: {  	vm9 =	vlt.s32 v34, v35;
	v11 =	vsel vm11, v16, v18;
	v8 =	vnsel vm8, $0x40000000, v8  }
0x356: {  	v10 =	vsel vm5, v10, v29;
	v55 =	vsel vm9, v34, v35;
	v56 =	vperm.xlane v8, v1  }
0x357: {  	vm11 =	vlt.s32 v37, v38;
	vm9 =	vlt.s32 v49, v50;
	v11 =	vsel vm13, v11, v21  }
0x358: {  	v10 =	vsel vm7, v10, v53;
	v57 =	vsel vm11, v37, v38;
	vm13 =	vlt.s32 v8, v56  }
0x359: {  	v63 =	vsel vm9, v49, v50;
	vm11 =	vmmov $0x1fff;
	v8 =	vsel vm13, v8, v56  }
0x35a: {  	v11 =	vsel vm15, v11, v24;
	v10 =	vsel vm10, v10, v55;
	v14 =	vperm.xlane v8, v2  }
0x35b: {  	vm15 =	vmmov $0x3ff;
	v11 =	vsel vm5, v11, v27;
	v10 =	vsel vm12, v10, v57  }
0x35c: {  	vm5 =	vmmov $0x7ff;
	v11 =	vsel vm7, v11, v30;
	vm6 =	vlt.s32 v8, v14  }
0x35d: {  	v10 =	vsel vm15, v10, v58;
	vm7 =	vlt.s32 v46, v47;
	v8 =	vsel vm6, v8, v14  }
0x35e: {  	v11 =	vsel vm10, v11, v33;
	v10 =	vsel vm5, v10, v60;
	v61 =	vperm.xlane v8, v3  }
0x35f: {  	v62 =	vsel vm7, v46, v47;
	v11 =	vsel vm12, v11, v36;
	vm12 =	vlt.s32 v5, v6  }
0x360: {  	v59 =	vsel vm15, v11, v39;
	v5 =	vsel vm12, v5, v6;
	vm10 =	vlt.s32 v8, v61  }
0x361: {  	s28 =	sadd.s32 $0x1, s28;
	v9 =	vsel vm5, v59, v42;
	vm8 =	vmmov $0xfff;
	v8 =	vsel vm10, v8, v61  }
0x362: {  	p0 =	sne.s32 s28, $0x40;
	vm15 =	vmmov $0x7fff;
	v9 =	vsel vm8, v9, v45;
	v13 =	vperm.xlane v8, v4  }
.Ltmp17:
0x363: {  	v10 =	vsel vm8, v10, v62;
	v9 =	vsel vm11, v9, v48;
	vm13 =	vmmov $0x3fff;
	(pc) =	sbr.rel @p0 .LBB2_4-.Ltmp17, $4  }
0x364: {  	v10 =	vsel vm11, v10, v63;
	v6 =	vsel vm13, v9, v51;
	vm14 =	vlt.s32 v8, v13  }
0x365: {  	[tilespmem:s30+$0x5800] =	vst v7;
	v5 =	vsel vm13, v10, v5;
	v6 =	vsel vm15, v6, v12;
	v8 =	vsel vm14, v8, v13  }
0x366: {  	[tilespmem:s29+$0x5000] =	vst v6;
	v5 =	vsel vm15, v5, v8  }
0x367: {  	[tilespmem:s29+$0x5400] =	vst v5  }
0x368: {  	[hbm4b:s12+s2] =	stream.linear.scatter [tilespmem:s23], [sflag:$0x1], $0x400, $0x38;
	[tilespmem:$0x6800] =	vst v63  }
0x369: {  	_ =	swait.ge [sflag:s3], $0x400  }
0x36a: {  	[sflag:s3] =	ssyncset.done $0x0  }
0x36b: {  	[sflag:s3] =	ssyncadd.s32 $0xFFFFFC00  }
0x36c: {  	[hbm4b:s13+s2] =	stream.linear.scatter [tilespmem:s24], [sflag:$0x1], $0x400, $0x38;
	[tilespmem:$0x6800] =	vst v63  }
0x36d: {  	s26 =	sadd.s32 $0x1, s26;
	_ =	swait.ge [sflag:s3], $0x400  }
0x36e: {  	p0 =	sne.s32 s26, s15;
	[sflag:s3] =	ssyncset.done $0x0  }
.Ltmp18:
0x36f: {  	[sflag:s3] =	ssyncadd.s32 $0xFFFFFC00;
	(pc) =	sbr.rel @p0 .LBB2_1-.Ltmp18, $4  }
0x370: {  	[hbm4b:s14+s2] =	stream.linear.scatter [tilespmem:s25], [sflag:$0x1], $0x1000, $0x38;
	[tilespmem:$0x6800] =	vst v63  }
0x371: {  	_ =	swait.ge [sflag:s3], $0x1000  }
0x372: {  	[sflag:s3] =	ssyncset.done $0x0  }
0x373: {  	[sflag:s3] =	ssyncadd.s32 $0xFFFFF000  }
0x374: {  	_ =	sfence.sel $0x180000  }
0x375: {  	[bflag:$0x0] =	sbarrier.arrive $0xFFFF  }
0x376: {  	_ =	strace $0x90000047  }
0x377: {  	s0 =	stileid.u32;
	[bflag:$0x2] =	sbarrier.arrive $0xFFFF  }
0x378: {  	p0 =	sne.s32 s0, $0x0;
	s0 =	rddreg [dreg:$0x2]  }
0x379: {  	s0 =	sadd.s32 @!p0 $0x100000, s0  }
0x37a: {  	[sflag:s0] =	ssyncadd.tile.s32 @!p0 $0x1;
	_ =	shalt  }
.Lfunc_end2:
_tile_overlayer_lowered:
.L_overlay_start_2:
0x37b: {  	(tag) =	ssettag $0x2  }
0x37c: {  	s0 =	rddreg [dreg:$0x0];
	s2 =	stileid.u32  }
0x37d: {  	s1 =	rddreg [dreg:$0x1];
	p0 =	sne.s32 s2, $0x0  }
0x37e: {  	s3 =	rddreg [dreg:$0x2];
	[bflag:$0x3] =	sbarrier.arrive $0xFFFF;
	s2 =	simm.s32 @!p0 $0x1C01  }
0x37f: {  	[timem:s3], [sflag:s2] =	dma.local @!p0 [hbm:s0], s1  }
0x380: {  	s0 =	simm.s32 @!p0 $0x1  }
0x381: {  	_ =	swait.ge @!p0 [sflag:s0], s1  }
0x382: {  	s1 =	ssub.s32 @!p0 $0x0, s1;
	[sflag:s0] =	ssyncset.done @!p0 $0x0  }
0x383: {  	[sflag:s0] =	ssyncadd.s32 @!p0 s1  }
0x384: {  	[bflag:$0x3] =	sbarrier.arrive $0xFFFF  }
0x385: {  	_ =	shalt  }

</sc_bundles>
